<compile_context>
chip_gen: v7x
topology: tpu7x:2x2x1
jax: 0.10.2.dev20260603
libtpu: 0.0.44.dev20260713+nightly
codegen_flags: <defaults>
</compile_context>

<pallas_src>
import functools

import jax
import jax.numpy as jnp
from jax import lax
from jax.experimental import pallas as pl
from jax.experimental.pallas import tpu as pltpu
from jax.experimental.pallas import tpu_sc as plsc

NN = 10000
DD = 128
EE = 320000
CH = 128
NCH = EE // CH
NC, NS = 2, 16
NW = NC * NS
MAXI = (NCH + NW - 1) // NW
ACC_ROWS = 10112
RPT = ACC_ROWS // NS
DEG_ROWS = 10240
DPT = DEG_ROWS // NS
DUMMY = NN

_mesh = plsc.VectorSubcoreMesh(
    core_axis_name="c", subcore_axis_name="s", num_cores=NC, num_subcores=NS
)



def _norm_body(x_ref, o_ref):
    v = x_ref[...]
    n = jnp.sqrt(jnp.sum(v * v, axis=1, keepdims=True))
    o_ref[...] = v / jnp.maximum(n, 1e-12)


def _scale_body(x_ref, dd_ref, y_out):
    dis = lax.rsqrt(dd_ref[0] + dd_ref[1])
    y_out[...] = dis * x_ref[...]


def _combine_mid_body(acc_ref, dd_ref, x_ref, t_ref, y_ref):
    dis = lax.rsqrt(dd_ref[0] + dd_ref[1])
    h = dis * (acc_ref[0] + acc_ref[1])
    t_ref[...] = x_ref[...] + h
    y_ref[...] = dis * h


def _combine_fin_body(acc_ref, dd_ref, t_ref, o_ref):
    dis = lax.rsqrt(dd_ref[0] + dd_ref[1])
    o_ref[...] = t_ref[...] + dis * (acc_ref[0] + acc_ref[1])


_RB = 5000


def _row_spec(width):
    return pl.BlockSpec((_RB, width), lambda i: (i, 0))


_dd_spec = pl.BlockSpec((NC, _RB, 1), lambda i: (0, i, 0))
_acc_spec = pl.BlockSpec((NC, _RB, DD), lambda i: (0, i, 0))
_f32 = functools.partial(jax.ShapeDtypeStruct, dtype=jnp.float32)


def _tc_norm(x):
    return pl.pallas_call(
        _norm_body,
        grid=(NN // _RB,),
        in_specs=[_row_spec(DD)],
        out_specs=_row_spec(DD),
        out_shape=_f32((NN, DD)),
    )(x)


def _tc_scale(x, dd):
    return pl.pallas_call(
        _scale_body,
        grid=(NN // _RB,),
        in_specs=[_row_spec(DD), _dd_spec],
        out_specs=_row_spec(DD),
        out_shape=_f32((NN, DD)),
    )(x, dd)


def _tc_combine_mid(acc, dd, x):
    return pl.pallas_call(
        _combine_mid_body,
        grid=(NN // _RB,),
        in_specs=[_acc_spec, _dd_spec, _row_spec(DD)],
        out_specs=(_row_spec(DD), _row_spec(DD)),
        out_shape=(_f32((NN, DD)), _f32((NN, DD))),
    )(acc, dd, x)


def _tc_combine_fin(acc, dd, t):
    return pl.pallas_call(
        _combine_fin_body,
        grid=(NN // _RB,),
        in_specs=[_acc_spec, _dd_spec, _row_spec(DD)],
        out_specs=_row_spec(DD),
        out_shape=_f32((NN, DD)),
    )(acc, dd, t)



def _deg_body(ei_hbm, deg_out,
              rb0, rb1, rb2, cb0, cb1, cb2, vb0, vb1, vb2, zbuf,
              deg_sh, is0, is1, is2):
    c = lax.axis_index("c")
    s = lax.axis_index("s")
    wid = s * NC + c
    rb = (rb0, rb1, rb2)
    cb = (cb0, cb1, cb2)
    vb = (vb0, vb1, vb2)
    isem = (is0, is1, is2)

    def _zz(i, _):
        zbuf[pl.ds(i * 16, 16)] = jnp.zeros((16,), jnp.float32)
        return 0

    lax.fori_loop(0, DPT // 16, _zz, 0)
    pltpu.sync_copy(zbuf, deg_sh.at[pl.ds(s * DPT, DPT)])

    def _issue_idx(k, b):
        off = k * CH
        pltpu.async_copy(ei_hbm.at[0, pl.ds(off, CH)], rb[b], isem[b])
        pltpu.async_copy(ei_hbm.at[1, pl.ds(off, CH)], cb[b], isem[b])

    _issue_idx(wid, 0)
    _issue_idx(wid + NW, 1)
    _issue_idx(wid + 2 * NW, 2)
    plsc.subcore_barrier()

    def _group(g, _):
        for b in range(3):
            k = wid + NW * (g * 3 + b)

            @pl.when(k < NCH)
            def _(b=b, k=k):
                pltpu.make_async_copy(ei_hbm.at[0, pl.ds(0, CH)], rb[b],
                                      isem[b]).wait()
                pltpu.make_async_copy(ei_hbm.at[1, pl.ds(0, CH)], cb[b],
                                      isem[b]).wait()

                def _vec(j, _):
                    r = rb[b][pl.ds(j * 16, 16)]
                    cc = cb[b][pl.ds(j * 16, 16)]
                    vb[b][pl.ds(j * 16, 16)] = jnp.where(r != cc, 1.0, 0.0)
                    return 0

                lax.fori_loop(0, CH // 16, _vec, 0)
                pltpu.sync_copy(vb[b], deg_sh.at[rb[b]], add=True)

                @pl.when(k + 3 * NW < NCH)
                def _():
                    _issue_idx(k + 3 * NW, b)

        return 0

    lax.fori_loop(0, _NG, _group, 0)
    plsc.subcore_barrier()
    pltpu.sync_copy(deg_sh.at[pl.ds(s * DPT, DPT)],
                    deg_out.at[c, pl.ds(s * DPT, DPT)])


_deg_kernel = functools.partial(
    pl.kernel,
    out_type=jax.ShapeDtypeStruct((NC, DEG_ROWS), jnp.float32),
    mesh=_mesh,
    scratch_types=(
        [pltpu.VMEM((CH,), jnp.int32)] * 6
        + [pltpu.VMEM((CH,), jnp.float32)] * 3
        + [pltpu.VMEM((DPT,), jnp.float32),
           pltpu.VMEM_SHARED((DEG_ROWS,), jnp.float32)]
        + [pltpu.SemaphoreType.DMA] * 3
    ),
)(_deg_body)


_NB = 3
_NG = (MAXI + _NB - 1) // _NB


def _spmm_body(y_hbm, ei_hbm, acc_out,
               rb0, rb1, rb2, cb0, cb1, cb2,
               mb0, mb1, mb2, acc_sh,
               is0, is1, is2, gs0, gs1, gs2, ss0, ss1, ss2):
    c = lax.axis_index("c")
    s = lax.axis_index("s")
    wid = s * NC + c
    rb = (rb0, rb1, rb2)
    cb = (cb0, cb1, cb2)
    mb = (mb0, mb1, mb2)
    isem = (is0, is1, is2)
    gsem = (gs0, gs1, gs2)
    ssem = (ss0, ss1, ss2)

    def _zz(i, _):
        def _zrow(j, _):
            mb0[i, pl.ds(j * 16, 16)] = jnp.zeros((16,), jnp.float32)
            return 0

        lax.fori_loop(0, DD // 16, _zrow, 0)
        return 0

    lax.fori_loop(0, CH, _zz, 0)

    def _zacc(k, _):
        pltpu.sync_copy(mb0, acc_sh.at[pl.ds(s * RPT + k * CH, CH)])
        return 0

    lax.fori_loop(0, RPT // CH, _zacc, 0)
    pltpu.sync_copy(mb0.at[pl.ds(0, RPT % CH)],
                    acc_sh.at[pl.ds(s * RPT + (RPT // CH) * CH, RPT % CH)])

    def _issue_idx(k, b):
        off = k * CH
        pltpu.async_copy(ei_hbm.at[0, pl.ds(off, CH)], rb[b], isem[b])
        pltpu.async_copy(ei_hbm.at[1, pl.ds(off, CH)], cb[b], isem[b])

    def _issue_gather(b):
        pltpu.make_async_copy(ei_hbm.at[0, pl.ds(0, CH)], rb[b],
                              isem[b]).wait()
        pltpu.make_async_copy(ei_hbm.at[1, pl.ds(0, CH)], cb[b],
                              isem[b]).wait()
        pltpu.async_copy(y_hbm.at[rb[b]], mb[b], gsem[b])

    _issue_idx(wid, 0)
    _issue_idx(wid + NW, 1)
    _issue_gather(0)
    _issue_idx(wid + 2 * NW, 2)
    _issue_gather(1)
    plsc.subcore_barrier()

    def _group(g, _):
        for b in range(_NB):
            i = g * _NB + b
            k = wid + NW * i

            @pl.when(k < NCH)
            def _(b=b, k=k):
                pltpu.make_async_copy(
                    y_hbm.at[pl.ds(0, CH)], mb[b], gsem[b]).wait()

                def _vec(j, _):
                    r = rb[b][pl.ds(j * 16, 16)]
                    cc = cb[b][pl.ds(j * 16, 16)]
                    cb[b][pl.ds(j * 16, 16)] = jnp.where(r != cc, cc, DUMMY)
                    return 0

                lax.fori_loop(0, CH // 16, _vec, 0)
                pltpu.sync_copy(mb[b], acc_sh.at[cb[b]], add=True)

                @pl.when(k + 3 * NW < NCH)
                def _():
                    _issue_idx(k + 3 * NW, b)

                @pl.when(k + 2 * NW < NCH)
                def _(b=b):
                    _issue_gather((b + 2) % _NB)

        return 0

    lax.fori_loop(0, _NG, _group, 0)
    plsc.subcore_barrier()
    pltpu.sync_copy(acc_sh.at[pl.ds(s * RPT, RPT)],
                    acc_out.at[c, pl.ds(s * RPT, RPT)])


_spmm_kernel = functools.partial(
    pl.kernel,
    out_type=jax.ShapeDtypeStruct((NC, ACC_ROWS, DD), jnp.float32),
    mesh=_mesh,
    scratch_types=(
        [pltpu.VMEM((CH,), jnp.int32)] * 6
        + [pltpu.VMEM((CH, DD), jnp.float32)] * 3
        + [pltpu.VMEM_SHARED((ACC_ROWS, DD), jnp.float32)]
        + [pltpu.SemaphoreType.DMA] * 9
    ),
)(_spmm_body)



@jax.jit
def _impl(edge_index, features, preference):
    ei = edge_index.astype(jnp.int32)
    xcat = jnp.concatenate([preference.astype(jnp.float32),
                            features.astype(jnp.float32)], axis=0)
    x = _tc_norm(xcat)
    deg_parts = _deg_kernel(ei)
    dd = deg_parts[:, :NN].reshape(NC, NN, 1)
    y1 = _tc_scale(x, dd)
    acc1 = _spmm_kernel(y1, ei)
    t1, y2 = _tc_combine_mid(acc1, dd, x)
    acc2 = _spmm_kernel(y2, ei)
    total = _tc_combine_fin(acc2, dd, t1)
    return total, preference


def kernel(edge_index, features, preference):
    return _impl(edge_index, features, preference)

# --- scband reference (transcript-rebuilt; emitter-appended) ---
"""Pipeline reference for scband-gcn-49108656063298 (READ-ONLY COPY).

The authoritative reference and input builder live on the scoring server;
editing this copy changes nothing except your own understanding.
"""

import jax, jax.numpy as jnp
import numpy as np

NUM_USER = 3000
NUM_ITEM = 7000
N = NUM_USER + NUM_ITEM
D = 128
E = 320000
NUM_LAYER = 2


def setup_inputs(seed: int = 0) -> dict:
    key = jax.random.key(seed)
    k1, k2, k3 = jax.random.split(key, 3)
    edge_index = jax.random.randint(k1, (2, E), 0, N)
    features = jax.random.normal(k2, (NUM_ITEM, D), dtype=jnp.float32)
    # nn.init.xavier_normal_ on preference: std = sqrt(2 / (fan_in + fan_out))
    std = float(np.sqrt(2.0 / (NUM_USER + D)))
    preference = jax.random.normal(k3, (NUM_USER, D), dtype=jnp.float32) * std
    return {"edge_index": edge_index, "features": features, "preference": preference}


def _normalize(x, eps=1e-12):
    # F.normalize(x, dim=-1): x / max(||x||_2, eps)
    n = jnp.sqrt(jnp.sum(x * x, axis=-1, keepdims=True))
    return x / jnp.maximum(n, eps)


def _gcn_conv(x, edge_index, edge_mask):
    # BaseGCN with aggr='add': symmetric-ish degree norm then scatter-add to targets
    row = edge_index[0]
    col = edge_index[1]
    deg = jnp.zeros((x.shape[0],), dtype=x.dtype).at[row].add(edge_mask.astype(x.dtype))
    deg_inv_sqrt = deg ** (-0.5)
    norm = deg_inv_sqrt[row] * deg_inv_sqrt[col]
    msg = jnp.where(edge_mask[:, None], norm[:, None] * jnp.take(x, row, axis=0), 0.0)
    out = jnp.zeros_like(x).at[col].add(msg)
    return out


def reference(edge_index, features, preference):
    # remove_self_loops (fixed-shape masked equivalent; masked edges contribute 0)
    mask = edge_index[0] != edge_index[1]
    # dim_latent is None -> proj is None, item_feat = features
    x = jnp.concatenate([preference, features], axis=0)
    x = _normalize(x)
    outs = [x]
    h = x
    for _ in range(NUM_LAYER):
        h = _gcn_conv(h, edge_index, mask)
        outs.append(h)
    total = outs[0]
    for o in outs[1:]:
        total = total + o
    return (total, preference)

if __name__ == "__main__":
    import jax
    _d = setup_inputs()
    print(jax.jit(kernel)(*tuple(_d.values())))

</pallas_src>

<mosaic_0001>
#map = affine_map<(d0, d1) -> (0, 0)>
#map1 = affine_map<(d0, d1) -> (0, 0, 0)>
module attributes {stable_mosaic.version = 14 : i64} {
  func.func @_spmm_body(%arg0: i32, %arg1: i32, %arg2: memref<10000x128xf32, #tpu.memory_space<hbm>>, %arg3: memref<2x320000xi32, #tpu.memory_space<hbm>>, %arg4: memref<2x10112x128xf32, #tpu.memory_space<hbm>>, %arg5: memref<128xi32, #tpu.memory_space<vmem>>, %arg6: memref<128xi32, #tpu.memory_space<vmem>>, %arg7: memref<128xi32, #tpu.memory_space<vmem>>, %arg8: memref<128xi32, #tpu.memory_space<vmem>>, %arg9: memref<128xi32, #tpu.memory_space<vmem>>, %arg10: memref<128xi32, #tpu.memory_space<vmem>>, %arg11: memref<128x128xf32, #tpu.memory_space<vmem>>, %arg12: memref<128x128xf32, #tpu.memory_space<vmem>>, %arg13: memref<128x128xf32, #tpu.memory_space<vmem>>, %arg14: memref<10112x128xf32, #tpu.memory_space<vmem_shared>>, %arg15: memref<!tpu.dma_semaphore, #tpu.memory_space<semaphore_mem>>, %arg16: memref<!tpu.dma_semaphore, #tpu.memory_space<semaphore_mem>>, %arg17: memref<!tpu.dma_semaphore, #tpu.memory_space<semaphore_mem>>, %arg18: memref<!tpu.dma_semaphore, #tpu.memory_space<semaphore_mem>>, %arg19: memref<!tpu.dma_semaphore, #tpu.memory_space<semaphore_mem>>, %arg20: memref<!tpu.dma_semaphore, #tpu.memory_space<semaphore_mem>>, %arg21: memref<!tpu.dma_semaphore, #tpu.memory_space<semaphore_mem>>, %arg22: memref<!tpu.dma_semaphore, #tpu.memory_space<semaphore_mem>>, %arg23: memref<!tpu.dma_semaphore, #tpu.memory_space<semaphore_mem>>) attributes {dimension_semantics = [#tpu.dimension_semantics<core_parallel>, #tpu.dimension_semantics<subcore_parallel>], iteration_bounds = array<i64: 2, 16>, scalar_prefetch = 0 : i64, scratch_operands = 19 : i64, tpu.core_type = #tpu.core_type<sc_vector_subcore>, window_params = [{transform_indices = #map}, {transform_indices = #map}, {transform_indices = #map1}]} {
    %mul3A = arith.constant 2 : i32
    %mul3A_0 = arith.muli %arg1, %mul3A : i32
    %add3A = arith.addi %mul3A_0, %arg0 : i32
    %scan3A = arith.constant 0 : i32
    %scan3A_1 = arith.constant 0 : i32
    %scan3A_2 = arith.constant 128 : i32
    %scan3A_3 = arith.addi %scan3A_1, %scan3A_2 : i32
    %scan3A_4 = arith.constant 1 : i32
    %scan3A_5 = scf.for %scan3A_102 = %scan3A_1 to %scan3A_3 step %scan3A_4 iter_args(%scan3A_103 = %scan3A) -> (i32)  : i32 {
      %scan3A_104 = arith.constant 0 : i32
      %scan3A_105 = arith.constant 0 : i32
      %scan3A_106 = arith.constant 8 : i32
      %scan3A_107 = arith.addi %scan3A_105, %scan3A_106 : i32
      %scan3A_108 = arith.constant 1 : i32
      %scan3A_109 = scf.for %scan3A_112 = %scan3A_105 to %scan3A_107 step %scan3A_108 iter_args(%scan3A_113 = %scan3A_104) -> (i32)  : i32 {
        %broadcast_in_dim3A = arith.constant 0.000000e+00 : f32
        %broadcast_in_dim3A_114 = vector.broadcast %broadcast_in_dim3A : f32 to vector<16xf32>
        %mul3A_115 = arith.constant 16 : i32
        %mul3A_116 = arith.muli %scan3A_112, %mul3A_115 : i32
        %swap3A = arith.index_cast %scan3A_102 : i32 to index
        %swap3A_117 = arith.index_cast %mul3A_116 : i32 to index
        %swap3A_118 = tpu.vector_load %arg11[%swap3A, %swap3A_117] {strides = array<i32>} : memref<128x128xf32, #tpu.memory_space<vmem>>, vector<1x16xf32>,
        %swap3A_119 = vector.shape_cast %swap3A_118 : vector<1x16xf32> to vector<16xf32>
        %swap3A_120 = vector.shape_cast %broadcast_in_dim3A_114 : vector<16xf32> to vector<1x16xf32>
        tpu.vector_store %arg11[%swap3A, %swap3A_117], %swap3A_120 {strides = array<i32>} : memref<128x128xf32, #tpu.memory_space<vmem>>, vector<1x16xf32>,
        %scan3A_121 = arith.constant 0 : i32
        scf.yield %scan3A_121 : i32
      }
      %scan3A_110 = arith.constant 8 : i32
      %scan3A_111 = arith.constant 0 : i32
      scf.yield %scan3A_111 : i32
    }
    %scan3A_6 = arith.constant 128 : i32
    %scan3A_7 = arith.constant 0 : i32
    %scan3A_8 = arith.constant 0 : i32
    %scan3A_9 = arith.constant 4 : i32
    %scan3A_10 = arith.addi %scan3A_8, %scan3A_9 : i32
    %scan3A_11 = arith.constant 1 : i32
    %scan3A_12 = scf.for %scan3A_102 = %scan3A_8 to %scan3A_10 step %scan3A_11 iter_args(%scan3A_103 = %scan3A_7) -> (i32)  : i32 {
      %mul3A_104 = arith.constant 632 : i32
      %mul3A_105 = arith.muli %arg1, %mul3A_104 : i32
      %mul3A_106 = arith.constant 128 : i32
      %mul3A_107 = arith.muli %scan3A_102, %mul3A_106 : i32
      %add3A_108 = arith.addi %mul3A_105, %mul3A_107 : i32
      "tpu.region"() ({
        %run_scoped3A = tpu.sem_alloc : memref<!tpu.dma_semaphore, #tpu.memory_space<semaphore_mem>>
        %dma_start3A_110 = arith.constant 0 : i32
        %dma_start3A_111 = tpu.memref_slice %arg14[%add3A_108, %dma_start3A_110] : memref<10112x128xf32, #tpu.memory_space<vmem_shared>> -> memref<128x128xf32, #tpu.memory_space<vmem_shared>>
        %dma_start3A_112 = arith.constant 0 : i32
        %dma_start3A_113 = tpu.memref_slice %arg14[%add3A_108, %dma_start3A_112] : memref<10112x128xf32, #tpu.memory_space<vmem_shared>> -> memref<128x128xf32, #tpu.memory_space<vmem_shared>>
        tpu.enqueue_dma source(%arg11 : memref<128x128xf32, #tpu.memory_space<vmem>>) target(%dma_start3A_113 : memref<128x128xf32, #tpu.memory_space<vmem_shared>>) target_semaphore(%run_scoped3A : memref<!tpu.dma_semaphore, #tpu.memory_space<semaphore_mem>>)
        %dma_wait3A_114 = arith.constant 0 : i32
        %dma_wait3A_115 = tpu.memref_slice %arg14[%add3A_108, %dma_wait3A_114] : memref<10112x128xf32, #tpu.memory_space<vmem_shared>> -> memref<128x128xf32, #tpu.memory_space<vmem_shared>>
        %dma_wait3A_116 = arith.constant 0 : i32
        %dma_wait3A_117 = tpu.memref_slice %arg14[%add3A_108, %dma_wait3A_116] : memref<10112x128xf32, #tpu.memory_space<vmem_shared>> -> memref<128x128xf32, #tpu.memory_space<vmem_shared>>
        tpu.wait_dma2 semaphore(%run_scoped3A : memref<!tpu.dma_semaphore, #tpu.memory_space<semaphore_mem>>) src(%arg11 : memref<128x128xf32, #tpu.memory_space<vmem>>) dst(%dma_wait3A_117 : memref<128x128xf32, #tpu.memory_space<vmem_shared>>)
        tpu.yield
      }) : () -> ()
      %scan3A_109 = arith.constant 0 : i32
      scf.yield %scan3A_109 : i32
    }
    %scan3A_13 = arith.constant 4 : i32
    %mul3A_14 = arith.constant 632 : i32
    %mul3A_15 = arith.muli %arg1, %mul3A_14 : i32
    %add3A_16 = arith.constant 512 : i32
    %add3A_17 = arith.addi %mul3A_15, %add3A_16 : i32
    "tpu.region"() ({
      %run_scoped3A = tpu.sem_alloc : memref<!tpu.dma_semaphore, #tpu.memory_space<semaphore_mem>>
      %dma_start3A_102 = arith.constant 0 : i32
      %dma_start3A_103 = arith.constant 0 : i32
      %dma_start3A_104 = tpu.memref_slice %arg11[%dma_start3A_102, %dma_start3A_103] : memref<128x128xf32, #tpu.memory_space<vmem>> -> memref<120x128xf32, #tpu.memory_space<vmem>>
      %dma_start3A_105 = arith.constant 0 : i32
      %dma_start3A_106 = tpu.memref_slice %arg14[%add3A_17, %dma_start3A_105] : memref<10112x128xf32, #tpu.memory_space<vmem_shared>> -> memref<120x128xf32, #tpu.memory_space<vmem_shared>>
      %dma_start3A_107 = arith.constant 0 : i32
      %dma_start3A_108 = tpu.memref_slice %arg14[%add3A_17, %dma_start3A_107] : memref<10112x128xf32, #tpu.memory_space<vmem_shared>> -> memref<120x128xf32, #tpu.memory_space<vmem_shared>>
      %dma_start3A_109 = arith.constant 0 : i32
      %dma_start3A_110 = arith.constant 0 : i32
      %dma_start3A_111 = tpu.memref_slice %arg11[%dma_start3A_109, %dma_start3A_110] : memref<128x128xf32, #tpu.memory_space<vmem>> -> memref<120x128xf32, #tpu.memory_space<vmem>>
      tpu.enqueue_dma source(%dma_start3A_111 : memref<120x128xf32, #tpu.memory_space<vmem>>) target(%dma_start3A_108 : memref<120x128xf32, #tpu.memory_space<vmem_shared>>) target_semaphore(%run_scoped3A : memref<!tpu.dma_semaphore, #tpu.memory_space<semaphore_mem>>)
      %dma_wait3A_112 = arith.constant 0 : i32
      %dma_wait3A_113 = arith.constant 0 : i32
      %dma_wait3A_114 = tpu.memref_slice %arg11[%dma_wait3A_112, %dma_wait3A_113] : memref<128x128xf32, #tpu.memory_space<vmem>> -> memref<120x128xf32, #tpu.memory_space<vmem>>
      %dma_wait3A_115 = arith.constant 0 : i32
      %dma_wait3A_116 = tpu.memref_slice %arg14[%add3A_17, %dma_wait3A_115] : memref<10112x128xf32, #tpu.memory_space<vmem_shared>> -> memref<120x128xf32, #tpu.memory_space<vmem_shared>>
      %dma_wait3A_117 = arith.constant 0 : i32
      %dma_wait3A_118 = tpu.memref_slice %arg14[%add3A_17, %dma_wait3A_117] : memref<10112x128xf32, #tpu.memory_space<vmem_shared>> -> memref<120x128xf32, #tpu.memory_space<vmem_shared>>
      %dma_wait3A_119 = arith.constant 0 : i32
      %dma_wait3A_120 = arith.constant 0 : i32
      %dma_wait3A_121 = tpu.memref_slice %arg11[%dma_wait3A_119, %dma_wait3A_120] : memref<128x128xf32, #tpu.memory_space<vmem>> -> memref<120x128xf32, #tpu.memory_space<vmem>>
      tpu.wait_dma2 semaphore(%run_scoped3A : memref<!tpu.dma_semaphore, #tpu.memory_space<semaphore_mem>>) src(%dma_wait3A_121 : memref<120x128xf32, #tpu.memory_space<vmem>>) dst(%dma_wait3A_118 : memref<120x128xf32, #tpu.memory_space<vmem_shared>>)
      tpu.yield
    }) : () -> ()
    %mul3A_18 = arith.constant 128 : i32
    %mul3A_19 = arith.muli %add3A, %mul3A_18 : i32
    %dma_start3A = arith.constant 0 : i32
    %dma_start3A_20 = tpu.memref_slice %arg3[%dma_start3A, %mul3A_19] : memref<2x320000xi32, #tpu.memory_space<hbm>> -> memref<1x128xi32, #tpu.memory_space<hbm>>
    %dma_start3A_21 = tpu.memref_squeeze %dma_start3A_20 : memref<1x128xi32, #tpu.memory_space<hbm>> -> memref<128xi32, #tpu.memory_space<hbm>>
    %dma_start3A_22 = tpu.memref_slice %arg3[%dma_start3A, %mul3A_19] : memref<2x320000xi32, #tpu.memory_space<hbm>> -> memref<1x128xi32, #tpu.memory_space<hbm>>
    %dma_start3A_23 = tpu.memref_squeeze %dma_start3A_22 : memref<1x128xi32, #tpu.memory_space<hbm>> -> memref<128xi32, #tpu.memory_space<hbm>>
    tpu.enqueue_dma source(%dma_start3A_23 : memref<128xi32, #tpu.memory_space<hbm>>) target(%arg5 : memref<128xi32, #tpu.memory_space<vmem>>) target_semaphore(%arg15 : memref<!tpu.dma_semaphore, #tpu.memory_space<semaphore_mem>>)
    %dma_start3A_24 = arith.constant 1 : i32
    %dma_start3A_25 = tpu.memref_slice %arg3[%dma_start3A_24, %mul3A_19] : memref<2x320000xi32, #tpu.memory_space<hbm>> -> memref<1x128xi32, #tpu.memory_space<hbm>>
    %dma_start3A_26 = tpu.memref_squeeze %dma_start3A_25 : memref<1x128xi32, #tpu.memory_space<hbm>> -> memref<128xi32, #tpu.memory_space<hbm>>
    %dma_start3A_27 = tpu.memref_slice %arg3[%dma_start3A_24, %mul3A_19] : memref<2x320000xi32, #tpu.memory_space<hbm>> -> memref<1x128xi32, #tpu.memory_space<hbm>>
    %dma_start3A_28 = tpu.memref_squeeze %dma_start3A_27 : memref<1x128xi32, #tpu.memory_space<hbm>> -> memref<128xi32, #tpu.memory_space<hbm>>
    tpu.enqueue_dma source(%dma_start3A_28 : memref<128xi32, #tpu.memory_space<hbm>>) target(%arg8 : memref<128xi32, #tpu.memory_space<vmem>>) target_semaphore(%arg15 : memref<!tpu.dma_semaphore, #tpu.memory_space<semaphore_mem>>)
    %add3A_29 = arith.constant 32 : i32
    %add3A_30 = arith.addi %add3A, %add3A_29 : i32
    %mul3A_31 = arith.constant 128 : i32
    %mul3A_32 = arith.muli %add3A_30, %mul3A_31 : i32
    %dma_start3A_33 = arith.constant 0 : i32
    %dma_start3A_34 = tpu.memref_slice %arg3[%dma_start3A_33, %mul3A_32] : memref<2x320000xi32, #tpu.memory_space<hbm>> -> memref<1x128xi32, #tpu.memory_space<hbm>>
    %dma_start3A_35 = tpu.memref_squeeze %dma_start3A_34 : memref<1x128xi32, #tpu.memory_space<hbm>> -> memref<128xi32, #tpu.memory_space<hbm>>
    %dma_start3A_36 = tpu.memref_slice %arg3[%dma_start3A_33, %mul3A_32] : memref<2x320000xi32, #tpu.memory_space<hbm>> -> memref<1x128xi32, #tpu.memory_space<hbm>>
    %dma_start3A_37 = tpu.memref_squeeze %dma_start3A_36 : memref<1x128xi32, #tpu.memory_space<hbm>> -> memref<128xi32, #tpu.memory_space<hbm>>
    tpu.enqueue_dma source(%dma_start3A_37 : memref<128xi32, #tpu.memory_space<hbm>>) target(%arg6 : memref<128xi32, #tpu.memory_space<vmem>>) target_semaphore(%arg16 : memref<!tpu.dma_semaphore, #tpu.memory_space<semaphore_mem>>)
    %dma_start3A_38 = arith.constant 1 : i32
    %dma_start3A_39 = tpu.memref_slice %arg3[%dma_start3A_38, %mul3A_32] : memref<2x320000xi32, #tpu.memory_space<hbm>> -> memref<1x128xi32, #tpu.memory_space<hbm>>
    %dma_start3A_40 = tpu.memref_squeeze %dma_start3A_39 : memref<1x128xi32, #tpu.memory_space<hbm>> -> memref<128xi32, #tpu.memory_space<hbm>>
    %dma_start3A_41 = tpu.memref_slice %arg3[%dma_start3A_38, %mul3A_32] : memref<2x320000xi32, #tpu.memory_space<hbm>> -> memref<1x128xi32, #tpu.memory_space<hbm>>
    %dma_start3A_42 = tpu.memref_squeeze %dma_start3A_41 : memref<1x128xi32, #tpu.memory_space<hbm>> -> memref<128xi32, #tpu.memory_space<hbm>>
    tpu.enqueue_dma source(%dma_start3A_42 : memref<128xi32, #tpu.memory_space<hbm>>) target(%arg9 : memref<128xi32, #tpu.memory_space<vmem>>) target_semaphore(%arg16 : memref<!tpu.dma_semaphore, #tpu.memory_space<semaphore_mem>>)
    %dma_wait3A = arith.constant 0 : i32
    %dma_wait3A_43 = arith.constant 0 : i32
    %dma_wait3A_44 = tpu.memref_slice %arg3[%dma_wait3A, %dma_wait3A_43] : memref<2x320000xi32, #tpu.memory_space<hbm>> -> memref<1x128xi32, #tpu.memory_space<hbm>>
    %dma_wait3A_45 = tpu.memref_squeeze %dma_wait3A_44 : memref<1x128xi32, #tpu.memory_space<hbm>> -> memref<128xi32, #tpu.memory_space<hbm>>
    %dma_wait3A_46 = arith.constant 0 : i32
    %dma_wait3A_47 = tpu.memref_slice %arg3[%dma_wait3A, %dma_wait3A_46] : memref<2x320000xi32, #tpu.memory_space<hbm>> -> memref<1x128xi32, #tpu.memory_space<hbm>>
    %dma_wait3A_48 = tpu.memref_squeeze %dma_wait3A_47 : memref<1x128xi32, #tpu.memory_space<hbm>> -> memref<128xi32, #tpu.memory_space<hbm>>
    tpu.wait_dma2 semaphore(%arg15 : memref<!tpu.dma_semaphore, #tpu.memory_space<semaphore_mem>>) src(%dma_wait3A_48 : memref<128xi32, #tpu.memory_space<hbm>>) dst(%arg5 : memref<128xi32, #tpu.memory_space<vmem>>)
    %dma_wait3A_49 = arith.constant 1 : i32
    %dma_wait3A_50 = arith.constant 0 : i32
    %dma_wait3A_51 = tpu.memref_slice %arg3[%dma_wait3A_49, %dma_wait3A_50] : memref<2x320000xi32, #tpu.memory_space<hbm>> -> memref<1x128xi32, #tpu.memory_space<hbm>>
    %dma_wait3A_52 = tpu.memref_squeeze %dma_wait3A_51 : memref<1x128xi32, #tpu.memory_space<hbm>> -> memref<128xi32, #tpu.memory_space<hbm>>
    %dma_wait3A_53 = arith.constant 0 : i32
    %dma_wait3A_54 = tpu.memref_slice %arg3[%dma_wait3A_49, %dma_wait3A_53] : memref<2x320000xi32, #tpu.memory_space<hbm>> -> memref<1x128xi32, #tpu.memory_space<hbm>>
    %dma_wait3A_55 = tpu.memref_squeeze %dma_wait3A_54 : memref<1x128xi32, #tpu.memory_space<hbm>> -> memref<128xi32, #tpu.memory_space<hbm>>
    tpu.wait_dma2 semaphore(%arg15 : memref<!tpu.dma_semaphore, #tpu.memory_space<semaphore_mem>>) src(%dma_wait3A_55 : memref<128xi32, #tpu.memory_space<hbm>>) dst(%arg8 : memref<128xi32, #tpu.memory_space<vmem>>)
    %dma_start3A_56 = arith.constant 0 : i32
    %dma_start3A_57 = arith.constant 0 : i32
    %dma_start3A_58 = tpu.memref_slice %arg2[%dma_start3A_56, %dma_start3A_57] : memref<10000x128xf32, #tpu.memory_space<hbm>> -> memref<10000x128xf32, #tpu.memory_space<hbm>>
    tpu.enqueue_indirect_dma source(%dma_start3A_58 : memref<10000x128xf32, #tpu.memory_space<hbm>>) target(%arg11 : memref<128x128xf32, #tpu.memory_space<vmem>>) offsets(%arg5 : memref<128xi32, #tpu.memory_space<vmem>>) semaphore(%arg18 : memref<!tpu.dma_semaphore, #tpu.memory_space<semaphore_mem>>)
    %add3A_59 = arith.constant 64 : i32
    %add3A_60 = arith.addi %add3A, %add3A_59 : i32
    %mul3A_61 = arith.constant 128 : i32
    %mul3A_62 = arith.muli %add3A_60, %mul3A_61 : i32
    %dma_start3A_63 = arith.constant 0 : i32
    %dma_start3A_64 = tpu.memref_slice %arg3[%dma_start3A_63, %mul3A_62] : memref<2x320000xi32, #tpu.memory_space<hbm>> -> memref<1x128xi32, #tpu.memory_space<hbm>>
    %dma_start3A_65 = tpu.memref_squeeze %dma_start3A_64 : memref<1x128xi32, #tpu.memory_space<hbm>> -> memref<128xi32, #tpu.memory_space<hbm>>
    %dma_start3A_66 = tpu.memref_slice %arg3[%dma_start3A_63, %mul3A_62] : memref<2x320000xi32, #tpu.memory_space<hbm>> -> memref<1x128xi32, #tpu.memory_space<hbm>>
    %dma_start3A_67 = tpu.memref_squeeze %dma_start3A_66 : memref<1x128xi32, #tpu.memory_space<hbm>> -> memref<128xi32, #tpu.memory_space<hbm>>
    tpu.enqueue_dma source(%dma_start3A_67 : memref<128xi32, #tpu.memory_space<hbm>>) target(%arg7 : memref<128xi32, #tpu.memory_space<vmem>>) target_semaphore(%arg17 : memref<!tpu.dma_semaphore, #tpu.memory_space<semaphore_mem>>)
    %dma_start3A_68 = arith.constant 1 : i32
    %dma_start3A_69 = tpu.memref_slice %arg3[%dma_start3A_68, %mul3A_62] : memref<2x320000xi32, #tpu.memory_space<hbm>> -> memref<1x128xi32, #tpu.memory_space<hbm>>
    %dma_start3A_70 = tpu.memref_squeeze %dma_start3A_69 : memref<1x128xi32, #tpu.memory_space<hbm>> -> memref<128xi32, #tpu.memory_space<hbm>>
    %dma_start3A_71 = tpu.memref_slice %arg3[%dma_start3A_68, %mul3A_62] : memref<2x320000xi32, #tpu.memory_space<hbm>> -> memref<1x128xi32, #tpu.memory_space<hbm>>
    %dma_start3A_72 = tpu.memref_squeeze %dma_start3A_71 : memref<1x128xi32, #tpu.memory_space<hbm>> -> memref<128xi32, #tpu.memory_space<hbm>>
    tpu.enqueue_dma source(%dma_start3A_72 : memref<128xi32, #tpu.memory_space<hbm>>) target(%arg10 : memref<128xi32, #tpu.memory_space<vmem>>) target_semaphore(%arg17 : memref<!tpu.dma_semaphore, #tpu.memory_space<semaphore_mem>>)
    %dma_wait3A_73 = arith.constant 0 : i32
    %dma_wait3A_74 = arith.constant 0 : i32
    %dma_wait3A_75 = tpu.memref_slice %arg3[%dma_wait3A_73, %dma_wait3A_74] : memref<2x320000xi32, #tpu.memory_space<hbm>> -> memref<1x128xi32, #tpu.memory_space<hbm>>
    %dma_wait3A_76 = tpu.memref_squeeze %dma_wait3A_75 : memref<1x128xi32, #tpu.memory_space<hbm>> -> memref<128xi32, #tpu.memory_space<hbm>>
    %dma_wait3A_77 = arith.constant 0 : i32
    %dma_wait3A_78 = tpu.memref_slice %arg3[%dma_wait3A_73, %dma_wait3A_77] : memref<2x320000xi32, #tpu.memory_space<hbm>> -> memref<1x128xi32, #tpu.memory_space<hbm>>
    %dma_wait3A_79 = tpu.memref_squeeze %dma_wait3A_78 : memref<1x128xi32, #tpu.memory_space<hbm>> -> memref<128xi32, #tpu.memory_space<hbm>>
    tpu.wait_dma2 semaphore(%arg16 : memref<!tpu.dma_semaphore, #tpu.memory_space<semaphore_mem>>) src(%dma_wait3A_79 : memref<128xi32, #tpu.memory_space<hbm>>) dst(%arg6 : memref<128xi32, #tpu.memory_space<vmem>>)
    %dma_wait3A_80 = arith.constant 1 : i32
    %dma_wait3A_81 = arith.constant 0 : i32
    %dma_wait3A_82 = tpu.memref_slice %arg3[%dma_wait3A_80, %dma_wait3A_81] : memref<2x320000xi32, #tpu.memory_space<hbm>> -> memref<1x128xi32, #tpu.memory_space<hbm>>
    %dma_wait3A_83 = tpu.memref_squeeze %dma_wait3A_82 : memref<1x128xi32, #tpu.memory_space<hbm>> -> memref<128xi32, #tpu.memory_space<hbm>>
    %dma_wait3A_84 = arith.constant 0 : i32
    %dma_wait3A_85 = tpu.memref_slice %arg3[%dma_wait3A_80, %dma_wait3A_84] : memref<2x320000xi32, #tpu.memory_space<hbm>> -> memref<1x128xi32, #tpu.memory_space<hbm>>
    %dma_wait3A_86 = tpu.memref_squeeze %dma_wait3A_85 : memref<1x128xi32, #tpu.memory_space<hbm>> -> memref<128xi32, #tpu.memory_space<hbm>>
    tpu.wait_dma2 semaphore(%arg16 : memref<!tpu.dma_semaphore, #tpu.memory_space<semaphore_mem>>) src(%dma_wait3A_86 : memref<128xi32, #tpu.memory_space<hbm>>) dst(%arg9 : memref<128xi32, #tpu.memory_space<vmem>>)
    %dma_start3A_87 = arith.constant 0 : i32
    %dma_start3A_88 = arith.constant 0 : i32
    %dma_start3A_89 = tpu.memref_slice %arg2[%dma_start3A_87, %dma_start3A_88] : memref<10000x128xf32, #tpu.memory_space<hbm>> -> memref<10000x128xf32, #tpu.memory_space<hbm>>
    tpu.enqueue_indirect_dma source(%dma_start3A_89 : memref<10000x128xf32, #tpu.memory_space<hbm>>) target(%arg12 : memref<128x128xf32, #tpu.memory_space<vmem>>) offsets(%arg6 : memref<128xi32, #tpu.memory_space<vmem>>) semaphore(%arg19 : memref<!tpu.dma_semaphore, #tpu.memory_space<semaphore_mem>>)
    %barrier3A = arith.constant 0 : index
    tpu.barrier barrier_id(%barrier3A)
    %scan3A_90 = arith.constant 0 : i32
    %scan3A_91 = arith.constant 0 : i32
    %scan3A_92 = arith.constant 27 : i32
    %scan3A_93 = arith.addi %scan3A_91, %scan3A_92 : i32
    %scan3A_94 = arith.constant 1 : i32
    %scan3A_95 = scf.for %scan3A_102 = %scan3A_91 to %scan3A_93 step %scan3A_94 iter_args(%scan3A_103 = %scan3A_90) -> (i32)  : i32 {
      %mul3A_104 = arith.constant 3 : i32
      %mul3A_105 = arith.muli %scan3A_102, %mul3A_104 : i32
      %add3A_106 = arith.constant 0 : i32
      %add3A_107 = arith.addi %mul3A_105, %add3A_106 : i32
      %mul3A_108 = arith.constant 32 : i32
      %mul3A_109 = arith.muli %mul3A_108, %add3A_107 : i32
      %add3A_110 = arith.addi %add3A, %mul3A_109 : i32
      %lt3A = arith.constant 2500 : i32
      %lt3A_111 = arith.cmpi slt, %add3A_110, %lt3A : i32
      %convert_element_type3A = arith.extui %lt3A_111 : i1 to i32
      %cond3A = arith.constant 0 : i32
      %cond3A_112 = arith.cmpi ne, %convert_element_type3A, %cond3A : i32
      scf.if %cond3A_112 {
        %dma_wait3A_138 = arith.constant 0 : i32
        %dma_wait3A_139 = arith.constant 0 : i32
        %dma_wait3A_140 = tpu.memref_slice %arg2[%dma_wait3A_138, %dma_wait3A_139] : memref<10000x128xf32, #tpu.memory_space<hbm>> -> memref<128x128xf32, #tpu.memory_space<hbm>>
        %dma_wait3A_141 = arith.constant 0 : i32
        %dma_wait3A_142 = arith.constant 0 : i32
        %dma_wait3A_143 = tpu.memref_slice %arg2[%dma_wait3A_141, %dma_wait3A_142] : memref<10000x128xf32, #tpu.memory_space<hbm>> -> memref<128x128xf32, #tpu.memory_space<hbm>>
        tpu.wait_dma2 semaphore(%arg18 : memref<!tpu.dma_semaphore, #tpu.memory_space<semaphore_mem>>) src(%dma_wait3A_143 : memref<128x128xf32, #tpu.memory_space<hbm>>) dst(%arg11 : memref<128x128xf32, #tpu.memory_space<vmem>>)
        %scan3A_144 = arith.constant 0 : i32
        %scan3A_145 = arith.constant 0 : i32
        %scan3A_146 = arith.constant 8 : i32
        %scan3A_147 = arith.addi %scan3A_145, %scan3A_146 : i32
        %scan3A_148 = arith.constant 1 : i32
        %scan3A_149 = scf.for %scan3A_165 = %scan3A_145 to %scan3A_147 step %scan3A_148 iter_args(%scan3A_166 = %scan3A_144) -> (i32)  : i32 {
          %mul3A_167 = arith.constant 16 : i32
          %mul3A_168 = arith.muli %scan3A_165, %mul3A_167 : i32
          %get3A = arith.index_cast %mul3A_168 : i32 to index
          %get3A_169 = tpu.vector_load %arg5[%get3A] {strides = array<i32>} : memref<128xi32, #tpu.memory_space<vmem>>, vector<16xi32>,
          %get3A_170 = vector.shape_cast %get3A_169 : vector<16xi32> to vector<16xi32>
          %mul3A_171 = arith.constant 16 : i32
          %mul3A_172 = arith.muli %scan3A_165, %mul3A_171 : i32
          %get3A_173 = arith.index_cast %mul3A_172 : i32 to index
          %get3A_174 = tpu.vector_load %arg8[%get3A_173] {strides = array<i32>} : memref<128xi32, #tpu.memory_space<vmem>>, vector<16xi32>,
          %get3A_175 = vector.shape_cast %get3A_174 : vector<16xi32> to vector<16xi32>
          %ne3A = arith.cmpi ne, %get3A_170, %get3A_175 : vector<16xi32>
          %jit3A = arith.constant 10000 : i32
          %broadcast_in_dim3A = vector.broadcast %jit3A : i32 to vector<16xi32>
          %select_n3A = arith.select %ne3A, %get3A_175, %broadcast_in_dim3A : vector<16xi1>, vector<16xi32>
          %mul3A_176 = arith.constant 16 : i32
          %mul3A_177 = arith.muli %scan3A_165, %mul3A_176 : i32
          %swap3A = arith.index_cast %mul3A_177 : i32 to index
          %swap3A_178 = tpu.vector_load %arg8[%swap3A] {strides = array<i32>} : memref<128xi32, #tpu.memory_space<vmem>>, vector<16xi32>,
          %swap3A_179 = vector.shape_cast %swap3A_178 : vector<16xi32> to vector<16xi32>
          %swap3A_180 = vector.shape_cast %select_n3A : vector<16xi32> to vector<16xi32>
          tpu.vector_store %arg8[%swap3A], %swap3A_180 {strides = array<i32>} : memref<128xi32, #tpu.memory_space<vmem>>, vector<16xi32>,
          %scan3A_181 = arith.constant 0 : i32
          scf.yield %scan3A_181 : i32
        }
        %scan3A_150 = arith.constant 8 : i32
        "tpu.region"() ({
          %run_scoped3A = tpu.sem_alloc : memref<!tpu.dma_semaphore, #tpu.memory_space<semaphore_mem>>
          %dma_start3A_165 = arith.constant 0 : i32
          %dma_start3A_166 = arith.constant 0 : i32
          %dma_start3A_167 = tpu.memref_slice %arg14[%dma_start3A_165, %dma_start3A_166] : memref<10112x128xf32, #tpu.memory_space<vmem_shared>> -> memref<10112x128xf32, #tpu.memory_space<vmem_shared>>
          tpu.enqueue_indirect_dma source(%arg11 : memref<128x128xf32, #tpu.memory_space<vmem>>) target(%dma_start3A_167 : memref<10112x128xf32, #tpu.memory_space<vmem_shared>>) offsets(%arg8 : memref<128xi32, #tpu.memory_space<vmem>>) semaphore(%run_scoped3A : memref<!tpu.dma_semaphore, #tpu.memory_space<semaphore_mem>>) {add = true}
          %dma_wait3A_168 = arith.constant 0 : i32
          %dma_wait3A_169 = arith.constant 0 : i32
          %dma_wait3A_170 = tpu.memref_slice %arg14[%dma_wait3A_168, %dma_wait3A_169] : memref<10112x128xf32, #tpu.memory_space<vmem_shared>> -> memref<10112x128xf32, #tpu.memory_space<vmem_shared>>
          tpu.wait_indirect_dma semaphore(%run_scoped3A : memref<!tpu.dma_semaphore, #tpu.memory_space<semaphore_mem>>) src(%arg11 : memref<128x128xf32, #tpu.memory_space<vmem>>) dst(%dma_wait3A_170 : memref<10112x128xf32, #tpu.memory_space<vmem_shared>>)
          tpu.yield
        }) : () -> ()
        %add3A_151 = arith.constant 96 : i32
        %add3A_152 = arith.addi %add3A_110, %add3A_151 : i32
        %lt3A_153 = arith.constant 2500 : i32
        %lt3A_154 = arith.cmpi slt, %add3A_152, %lt3A_153 : i32
        %convert_element_type3A_155 = arith.extui %lt3A_154 : i1 to i32
        %cond3A_156 = arith.constant 0 : i32
        %cond3A_157 = arith.cmpi ne, %convert_element_type3A_155, %cond3A_156 : i32
        scf.if %cond3A_157 {
          %add3A_165 = arith.constant 96 : i32
          %add3A_166 = arith.addi %add3A_110, %add3A_165 : i32
          %mul3A_167 = arith.constant 128 : i32
          %mul3A_168 = arith.muli %add3A_166, %mul3A_167 : i32
          %dma_start3A_169 = arith.constant 0 : i32
          %dma_start3A_170 = tpu.memref_slice %arg3[%dma_start3A_169, %mul3A_168] : memref<2x320000xi32, #tpu.memory_space<hbm>> -> memref<1x128xi32, #tpu.memory_space<hbm>>
          %dma_start3A_171 = tpu.memref_squeeze %dma_start3A_170 : memref<1x128xi32, #tpu.memory_space<hbm>> -> memref<128xi32, #tpu.memory_space<hbm>>
          %dma_start3A_172 = tpu.memref_slice %arg3[%dma_start3A_169, %mul3A_168] : memref<2x320000xi32, #tpu.memory_space<hbm>> -> memref<1x128xi32, #tpu.memory_space<hbm>>
          %dma_start3A_173 = tpu.memref_squeeze %dma_start3A_172 : memref<1x128xi32, #tpu.memory_space<hbm>> -> memref<128xi32, #tpu.memory_space<hbm>>
          tpu.enqueue_dma source(%dma_start3A_173 : memref<128xi32, #tpu.memory_space<hbm>>) target(%arg5 : memref<128xi32, #tpu.memory_space<vmem>>) target_semaphore(%arg15 : memref<!tpu.dma_semaphore, #tpu.memory_space<semaphore_mem>>)
          %dma_start3A_174 = arith.constant 1 : i32
          %dma_start3A_175 = tpu.memref_slice %arg3[%dma_start3A_174, %mul3A_168] : memref<2x320000xi32, #tpu.memory_space<hbm>> -> memref<1x128xi32, #tpu.memory_space<hbm>>
          %dma_start3A_176 = tpu.memref_squeeze %dma_start3A_175 : memref<1x128xi32, #tpu.memory_space<hbm>> -> memref<128xi32, #tpu.memory_space<hbm>>
          %dma_start3A_177 = tpu.memref_slice %arg3[%dma_start3A_174, %mul3A_168] : memref<2x320000xi32, #tpu.memory_space<hbm>> -> memref<1x128xi32, #tpu.memory_space<hbm>>
          %dma_start3A_178 = tpu.memref_squeeze %dma_start3A_177 : memref<1x128xi32, #tpu.memory_space<hbm>> -> memref<128xi32, #tpu.memory_space<hbm>>
          tpu.enqueue_dma source(%dma_start3A_178 : memref<128xi32, #tpu.memory_space<hbm>>) target(%arg8 : memref<128xi32, #tpu.memory_space<vmem>>) target_semaphore(%arg15 : memref<!tpu.dma_semaphore, #tpu.memory_space<semaphore_mem>>)
        } else {
        }
        %add3A_158 = arith.constant 64 : i32
        %add3A_159 = arith.addi %add3A_110, %add3A_158 : i32
        %lt3A_160 = arith.constant 2500 : i32
        %lt3A_161 = arith.cmpi slt, %add3A_159, %lt3A_160 : i32
        %convert_element_type3A_162 = arith.extui %lt3A_161 : i1 to i32
        %cond3A_163 = arith.constant 0 : i32
        %cond3A_164 = arith.cmpi ne, %convert_element_type3A_162, %cond3A_163 : i32
        scf.if %cond3A_164 {
          %dma_wait3A_165 = arith.constant 0 : i32
          %dma_wait3A_166 = arith.constant 0 : i32
          %dma_wait3A_167 = tpu.memref_slice %arg3[%dma_wait3A_165, %dma_wait3A_166] : memref<2x320000xi32, #tpu.memory_space<hbm>> -> memref<1x128xi32, #tpu.memory_space<hbm>>
          %dma_wait3A_168 = tpu.memref_squeeze %dma_wait3A_167 : memref<1x128xi32, #tpu.memory_space<hbm>> -> memref<128xi32, #tpu.memory_space<hbm>>
          %dma_wait3A_169 = arith.constant 0 : i32
          %dma_wait3A_170 = tpu.memref_slice %arg3[%dma_wait3A_165, %dma_wait3A_169] : memref<2x320000xi32, #tpu.memory_space<hbm>> -> memref<1x128xi32, #tpu.memory_space<hbm>>
          %dma_wait3A_171 = tpu.memref_squeeze %dma_wait3A_170 : memref<1x128xi32, #tpu.memory_space<hbm>> -> memref<128xi32, #tpu.memory_space<hbm>>
          tpu.wait_dma2 semaphore(%arg17 : memref<!tpu.dma_semaphore, #tpu.memory_space<semaphore_mem>>) src(%dma_wait3A_171 : memref<128xi32, #tpu.memory_space<hbm>>) dst(%arg7 : memref<128xi32, #tpu.memory_space<vmem>>)
          %dma_wait3A_172 = arith.constant 1 : i32
          %dma_wait3A_173 = arith.constant 0 : i32
          %dma_wait3A_174 = tpu.memref_slice %arg3[%dma_wait3A_172, %dma_wait3A_173] : memref<2x320000xi32, #tpu.memory_space<hbm>> -> memref<1x128xi32, #tpu.memory_space<hbm>>
          %dma_wait3A_175 = tpu.memref_squeeze %dma_wait3A_174 : memref<1x128xi32, #tpu.memory_space<hbm>> -> memref<128xi32, #tpu.memory_space<hbm>>
          %dma_wait3A_176 = arith.constant 0 : i32
          %dma_wait3A_177 = tpu.memref_slice %arg3[%dma_wait3A_172, %dma_wait3A_176] : memref<2x320000xi32, #tpu.memory_space<hbm>> -> memref<1x128xi32, #tpu.memory_space<hbm>>
          %dma_wait3A_178 = tpu.memref_squeeze %dma_wait3A_177 : memref<1x128xi32, #tpu.memory_space<hbm>> -> memref<128xi32, #tpu.memory_space<hbm>>
          tpu.wait_dma2 semaphore(%arg17 : memref<!tpu.dma_semaphore, #tpu.memory_space<semaphore_mem>>) src(%dma_wait3A_178 : memref<128xi32, #tpu.memory_space<hbm>>) dst(%arg10 : memref<128xi32, #tpu.memory_space<vmem>>)
          %dma_start3A_179 = arith.constant 0 : i32
          %dma_start3A_180 = arith.constant 0 : i32
          %dma_start3A_181 = tpu.memref_slice %arg2[%dma_start3A_179, %dma_start3A_180] : memref<10000x128xf32, #tpu.memory_space<hbm>> -> memref<10000x128xf32, #tpu.memory_space<hbm>>
          tpu.enqueue_indirect_dma source(%dma_start3A_181 : memref<10000x128xf32, #tpu.memory_space<hbm>>) target(%arg13 : memref<128x128xf32, #tpu.memory_space<vmem>>) offsets(%arg7 : memref<128xi32, #tpu.memory_space<vmem>>) semaphore(%arg20 : memref<!tpu.dma_semaphore, #tpu.memory_space<semaphore_mem>>)
        } else {
        }
      } else {
      }
      %mul3A_113 = arith.constant 3 : i32
      %mul3A_114 = arith.muli %scan3A_102, %mul3A_113 : i32
      %add3A_115 = arith.constant 1 : i32
      %add3A_116 = arith.addi %mul3A_114, %add3A_115 : i32
      %mul3A_117 = arith.constant 32 : i32
      %mul3A_118 = arith.muli %mul3A_117, %add3A_116 : i32
      %add3A_119 = arith.addi %add3A, %mul3A_118 : i32
      %lt3A_120 = arith.constant 2500 : i32
      %lt3A_121 = arith.cmpi slt, %add3A_119, %lt3A_120 : i32
      %convert_element_type3A_122 = arith.extui %lt3A_121 : i1 to i32
      %cond3A_123 = arith.constant 0 : i32
      %cond3A_124 = arith.cmpi ne, %convert_element_type3A_122, %cond3A_123 : i32
      scf.if %cond3A_124 {
        %dma_wait3A_138 = arith.constant 0 : i32
        %dma_wait3A_139 = arith.constant 0 : i32
        %dma_wait3A_140 = tpu.memref_slice %arg2[%dma_wait3A_138, %dma_wait3A_139] : memref<10000x128xf32, #tpu.memory_space<hbm>> -> memref<128x128xf32, #tpu.memory_space<hbm>>
        %dma_wait3A_141 = arith.constant 0 : i32
        %dma_wait3A_142 = arith.constant 0 : i32
        %dma_wait3A_143 = tpu.memref_slice %arg2[%dma_wait3A_141, %dma_wait3A_142] : memref<10000x128xf32, #tpu.memory_space<hbm>> -> memref<128x128xf32, #tpu.memory_space<hbm>>
        tpu.wait_dma2 semaphore(%arg19 : memref<!tpu.dma_semaphore, #tpu.memory_space<semaphore_mem>>) src(%dma_wait3A_143 : memref<128x128xf32, #tpu.memory_space<hbm>>) dst(%arg12 : memref<128x128xf32, #tpu.memory_space<vmem>>)
        %scan3A_144 = arith.constant 0 : i32
        %scan3A_145 = arith.constant 0 : i32
        %scan3A_146 = arith.constant 8 : i32
        %scan3A_147 = arith.addi %scan3A_145, %scan3A_146 : i32
        %scan3A_148 = arith.constant 1 : i32
        %scan3A_149 = scf.for %scan3A_165 = %scan3A_145 to %scan3A_147 step %scan3A_148 iter_args(%scan3A_166 = %scan3A_144) -> (i32)  : i32 {
          %mul3A_167 = arith.constant 16 : i32
          %mul3A_168 = arith.muli %scan3A_165, %mul3A_167 : i32
          %get3A = arith.index_cast %mul3A_168 : i32 to index
          %get3A_169 = tpu.vector_load %arg6[%get3A] {strides = array<i32>} : memref<128xi32, #tpu.memory_space<vmem>>, vector<16xi32>,
          %get3A_170 = vector.shape_cast %get3A_169 : vector<16xi32> to vector<16xi32>
          %mul3A_171 = arith.constant 16 : i32
          %mul3A_172 = arith.muli %scan3A_165, %mul3A_171 : i32
          %get3A_173 = arith.index_cast %mul3A_172 : i32 to index
          %get3A_174 = tpu.vector_load %arg9[%get3A_173] {strides = array<i32>} : memref<128xi32, #tpu.memory_space<vmem>>, vector<16xi32>,
          %get3A_175 = vector.shape_cast %get3A_174 : vector<16xi32> to vector<16xi32>
          %ne3A = arith.cmpi ne, %get3A_170, %get3A_175 : vector<16xi32>
          %jit3A = arith.constant 10000 : i32
          %broadcast_in_dim3A = vector.broadcast %jit3A : i32 to vector<16xi32>
          %select_n3A = arith.select %ne3A, %get3A_175, %broadcast_in_dim3A : vector<16xi1>, vector<16xi32>
          %mul3A_176 = arith.constant 16 : i32
          %mul3A_177 = arith.muli %scan3A_165, %mul3A_176 : i32
          %swap3A = arith.index_cast %mul3A_177 : i32 to index
          %swap3A_178 = tpu.vector_load %arg9[%swap3A] {strides = array<i32>} : memref<128xi32, #tpu.memory_space<vmem>>, vector<16xi32>,
          %swap3A_179 = vector.shape_cast %swap3A_178 : vector<16xi32> to vector<16xi32>
          %swap3A_180 = vector.shape_cast %select_n3A : vector<16xi32> to vector<16xi32>
          tpu.vector_store %arg9[%swap3A], %swap3A_180 {strides = array<i32>} : memref<128xi32, #tpu.memory_space<vmem>>, vector<16xi32>,
          %scan3A_181 = arith.constant 0 : i32
          scf.yield %scan3A_181 : i32
        }
        %scan3A_150 = arith.constant 8 : i32
        "tpu.region"() ({
          %run_scoped3A = tpu.sem_alloc : memref<!tpu.dma_semaphore, #tpu.memory_space<semaphore_mem>>
          %dma_start3A_165 = arith.constant 0 : i32
          %dma_start3A_166 = arith.constant 0 : i32
          %dma_start3A_167 = tpu.memref_slice %arg14[%dma_start3A_165, %dma_start3A_166] : memref<10112x128xf32, #tpu.memory_space<vmem_shared>> -> memref<10112x128xf32, #tpu.memory_space<vmem_shared>>
          tpu.enqueue_indirect_dma source(%arg12 : memref<128x128xf32, #tpu.memory_space<vmem>>) target(%dma_start3A_167 : memref<10112x128xf32, #tpu.memory_space<vmem_shared>>) offsets(%arg9 : memref<128xi32, #tpu.memory_space<vmem>>) semaphore(%run_scoped3A : memref<!tpu.dma_semaphore, #tpu.memory_space<semaphore_mem>>) {add = true}
          %dma_wait3A_168 = arith.constant 0 : i32
          %dma_wait3A_169 = arith.constant 0 : i32
          %dma_wait3A_170 = tpu.memref_slice %arg14[%dma_wait3A_168, %dma_wait3A_169] : memref<10112x128xf32, #tpu.memory_space<vmem_shared>> -> memref<10112x128xf32, #tpu.memory_space<vmem_shared>>
          tpu.wait_indirect_dma semaphore(%run_scoped3A : memref<!tpu.dma_semaphore, #tpu.memory_space<semaphore_mem>>) src(%arg12 : memref<128x128xf32, #tpu.memory_space<vmem>>) dst(%dma_wait3A_170 : memref<10112x128xf32, #tpu.memory_space<vmem_shared>>)
          tpu.yield
        }) : () -> ()
        %add3A_151 = arith.constant 96 : i32
        %add3A_152 = arith.addi %add3A_119, %add3A_151 : i32
        %lt3A_153 = arith.constant 2500 : i32
        %lt3A_154 = arith.cmpi slt, %add3A_152, %lt3A_153 : i32
        %convert_element_type3A_155 = arith.extui %lt3A_154 : i1 to i32
        %cond3A_156 = arith.constant 0 : i32
        %cond3A_157 = arith.cmpi ne, %convert_element_type3A_155, %cond3A_156 : i32
        scf.if %cond3A_157 {
          %add3A_165 = arith.constant 96 : i32
          %add3A_166 = arith.addi %add3A_119, %add3A_165 : i32
          %mul3A_167 = arith.constant 128 : i32
          %mul3A_168 = arith.muli %add3A_166, %mul3A_167 : i32
          %dma_start3A_169 = arith.constant 0 : i32
          %dma_start3A_170 = tpu.memref_slice %arg3[%dma_start3A_169, %mul3A_168] : memref<2x320000xi32, #tpu.memory_space<hbm>> -> memref<1x128xi32, #tpu.memory_space<hbm>>
          %dma_start3A_171 = tpu.memref_squeeze %dma_start3A_170 : memref<1x128xi32, #tpu.memory_space<hbm>> -> memref<128xi32, #tpu.memory_space<hbm>>
          %dma_start3A_172 = tpu.memref_slice %arg3[%dma_start3A_169, %mul3A_168] : memref<2x320000xi32, #tpu.memory_space<hbm>> -> memref<1x128xi32, #tpu.memory_space<hbm>>
          %dma_start3A_173 = tpu.memref_squeeze %dma_start3A_172 : memref<1x128xi32, #tpu.memory_space<hbm>> -> memref<128xi32, #tpu.memory_space<hbm>>
          tpu.enqueue_dma source(%dma_start3A_173 : memref<128xi32, #tpu.memory_space<hbm>>) target(%arg6 : memref<128xi32, #tpu.memory_space<vmem>>) target_semaphore(%arg16 : memref<!tpu.dma_semaphore, #tpu.memory_space<semaphore_mem>>)
          %dma_start3A_174 = arith.constant 1 : i32
          %dma_start3A_175 = tpu.memref_slice %arg3[%dma_start3A_174, %mul3A_168] : memref<2x320000xi32, #tpu.memory_space<hbm>> -> memref<1x128xi32, #tpu.memory_space<hbm>>
          %dma_start3A_176 = tpu.memref_squeeze %dma_start3A_175 : memref<1x128xi32, #tpu.memory_space<hbm>> -> memref<128xi32, #tpu.memory_space<hbm>>
          %dma_start3A_177 = tpu.memref_slice %arg3[%dma_start3A_174, %mul3A_168] : memref<2x320000xi32, #tpu.memory_space<hbm>> -> memref<1x128xi32, #tpu.memory_space<hbm>>
          %dma_start3A_178 = tpu.memref_squeeze %dma_start3A_177 : memref<1x128xi32, #tpu.memory_space<hbm>> -> memref<128xi32, #tpu.memory_space<hbm>>
          tpu.enqueue_dma source(%dma_start3A_178 : memref<128xi32, #tpu.memory_space<hbm>>) target(%arg9 : memref<128xi32, #tpu.memory_space<vmem>>) target_semaphore(%arg16 : memref<!tpu.dma_semaphore, #tpu.memory_space<semaphore_mem>>)
        } else {
        }
        %add3A_158 = arith.constant 64 : i32
        %add3A_159 = arith.addi %add3A_119, %add3A_158 : i32
        %lt3A_160 = arith.constant 2500 : i32
        %lt3A_161 = arith.cmpi slt, %add3A_159, %lt3A_160 : i32
        %convert_element_type3A_162 = arith.extui %lt3A_161 : i1 to i32
        %cond3A_163 = arith.constant 0 : i32
        %cond3A_164 = arith.cmpi ne, %convert_element_type3A_162, %cond3A_163 : i32
        scf.if %cond3A_164 {
          %dma_wait3A_165 = arith.constant 0 : i32
          %dma_wait3A_166 = arith.constant 0 : i32
          %dma_wait3A_167 = tpu.memref_slice %arg3[%dma_wait3A_165, %dma_wait3A_166] : memref<2x320000xi32, #tpu.memory_space<hbm>> -> memref<1x128xi32, #tpu.memory_space<hbm>>
          %dma_wait3A_168 = tpu.memref_squeeze %dma_wait3A_167 : memref<1x128xi32, #tpu.memory_space<hbm>> -> memref<128xi32, #tpu.memory_space<hbm>>
          %dma_wait3A_169 = arith.constant 0 : i32
          %dma_wait3A_170 = tpu.memref_slice %arg3[%dma_wait3A_165, %dma_wait3A_169] : memref<2x320000xi32, #tpu.memory_space<hbm>> -> memref<1x128xi32, #tpu.memory_space<hbm>>
          %dma_wait3A_171 = tpu.memref_squeeze %dma_wait3A_170 : memref<1x128xi32, #tpu.memory_space<hbm>> -> memref<128xi32, #tpu.memory_space<hbm>>
          tpu.wait_dma2 semaphore(%arg15 : memref<!tpu.dma_semaphore, #tpu.memory_space<semaphore_mem>>) src(%dma_wait3A_171 : memref<128xi32, #tpu.memory_space<hbm>>) dst(%arg5 : memref<128xi32, #tpu.memory_space<vmem>>)
          %dma_wait3A_172 = arith.constant 1 : i32
          %dma_wait3A_173 = arith.constant 0 : i32
          %dma_wait3A_174 = tpu.memref_slice %arg3[%dma_wait3A_172, %dma_wait3A_173] : memref<2x320000xi32, #tpu.memory_space<hbm>> -> memref<1x128xi32, #tpu.memory_space<hbm>>
          %dma_wait3A_175 = tpu.memref_squeeze %dma_wait3A_174 : memref<1x128xi32, #tpu.memory_space<hbm>> -> memref<128xi32, #tpu.memory_space<hbm>>
          %dma_wait3A_176 = arith.constant 0 : i32
          %dma_wait3A_177 = tpu.memref_slice %arg3[%dma_wait3A_172, %dma_wait3A_176] : memref<2x320000xi32, #tpu.memory_space<hbm>> -> memref<1x128xi32, #tpu.memory_space<hbm>>
          %dma_wait3A_178 = tpu.memref_squeeze %dma_wait3A_177 : memref<1x128xi32, #tpu.memory_space<hbm>> -> memref<128xi32, #tpu.memory_space<hbm>>
          tpu.wait_dma2 semaphore(%arg15 : memref<!tpu.dma_semaphore, #tpu.memory_space<semaphore_mem>>) src(%dma_wait3A_178 : memref<128xi32, #tpu.memory_space<hbm>>) dst(%arg8 : memref<128xi32, #tpu.memory_space<vmem>>)
          %dma_start3A_179 = arith.constant 0 : i32
          %dma_start3A_180 = arith.constant 0 : i32
          %dma_start3A_181 = tpu.memref_slice %arg2[%dma_start3A_179, %dma_start3A_180] : memref<10000x128xf32, #tpu.memory_space<hbm>> -> memref<10000x128xf32, #tpu.memory_space<hbm>>
          tpu.enqueue_indirect_dma source(%dma_start3A_181 : memref<10000x128xf32, #tpu.memory_space<hbm>>) target(%arg11 : memref<128x128xf32, #tpu.memory_space<vmem>>) offsets(%arg5 : memref<128xi32, #tpu.memory_space<vmem>>) semaphore(%arg18 : memref<!tpu.dma_semaphore, #tpu.memory_space<semaphore_mem>>)
        } else {
        }
      } else {
      }
      %mul3A_125 = arith.constant 3 : i32
      %mul3A_126 = arith.muli %scan3A_102, %mul3A_125 : i32
      %add3A_127 = arith.constant 2 : i32
      %add3A_128 = arith.addi %mul3A_126, %add3A_127 : i32
      %mul3A_129 = arith.constant 32 : i32
      %mul3A_130 = arith.muli %mul3A_129, %add3A_128 : i32
      %add3A_131 = arith.addi %add3A, %mul3A_130 : i32
      %lt3A_132 = arith.constant 2500 : i32
      %lt3A_133 = arith.cmpi slt, %add3A_131, %lt3A_132 : i32
      %convert_element_type3A_134 = arith.extui %lt3A_133 : i1 to i32
      %cond3A_135 = arith.constant 0 : i32
      %cond3A_136 = arith.cmpi ne, %convert_element_type3A_134, %cond3A_135 : i32
      scf.if %cond3A_136 {
        %dma_wait3A_138 = arith.constant 0 : i32
        %dma_wait3A_139 = arith.constant 0 : i32
        %dma_wait3A_140 = tpu.memref_slice %arg2[%dma_wait3A_138, %dma_wait3A_139] : memref<10000x128xf32, #tpu.memory_space<hbm>> -> memref<128x128xf32, #tpu.memory_space<hbm>>
        %dma_wait3A_141 = arith.constant 0 : i32
        %dma_wait3A_142 = arith.constant 0 : i32
        %dma_wait3A_143 = tpu.memref_slice %arg2[%dma_wait3A_141, %dma_wait3A_142] : memref<10000x128xf32, #tpu.memory_space<hbm>> -> memref<128x128xf32, #tpu.memory_space<hbm>>
        tpu.wait_dma2 semaphore(%arg20 : memref<!tpu.dma_semaphore, #tpu.memory_space<semaphore_mem>>) src(%dma_wait3A_143 : memref<128x128xf32, #tpu.memory_space<hbm>>) dst(%arg13 : memref<128x128xf32, #tpu.memory_space<vmem>>)
        %scan3A_144 = arith.constant 0 : i32
        %scan3A_145 = arith.constant 0 : i32
        %scan3A_146 = arith.constant 8 : i32
        %scan3A_147 = arith.addi %scan3A_145, %scan3A_146 : i32
        %scan3A_148 = arith.constant 1 : i32
        %scan3A_149 = scf.for %scan3A_165 = %scan3A_145 to %scan3A_147 step %scan3A_148 iter_args(%scan3A_166 = %scan3A_144) -> (i32)  : i32 {
          %mul3A_167 = arith.constant 16 : i32
          %mul3A_168 = arith.muli %scan3A_165, %mul3A_167 : i32
          %get3A = arith.index_cast %mul3A_168 : i32 to index
          %get3A_169 = tpu.vector_load %arg7[%get3A] {strides = array<i32>} : memref<128xi32, #tpu.memory_space<vmem>>, vector<16xi32>,
          %get3A_170 = vector.shape_cast %get3A_169 : vector<16xi32> to vector<16xi32>
          %mul3A_171 = arith.constant 16 : i32
          %mul3A_172 = arith.muli %scan3A_165, %mul3A_171 : i32
          %get3A_173 = arith.index_cast %mul3A_172 : i32 to index
          %get3A_174 = tpu.vector_load %arg10[%get3A_173] {strides = array<i32>} : memref<128xi32, #tpu.memory_space<vmem>>, vector<16xi32>,
          %get3A_175 = vector.shape_cast %get3A_174 : vector<16xi32> to vector<16xi32>
          %ne3A = arith.cmpi ne, %get3A_170, %get3A_175 : vector<16xi32>
          %jit3A = arith.constant 10000 : i32
          %broadcast_in_dim3A = vector.broadcast %jit3A : i32 to vector<16xi32>
          %select_n3A = arith.select %ne3A, %get3A_175, %broadcast_in_dim3A : vector<16xi1>, vector<16xi32>
          %mul3A_176 = arith.constant 16 : i32
          %mul3A_177 = arith.muli %scan3A_165, %mul3A_176 : i32
          %swap3A = arith.index_cast %mul3A_177 : i32 to index
          %swap3A_178 = tpu.vector_load %arg10[%swap3A] {strides = array<i32>} : memref<128xi32, #tpu.memory_space<vmem>>, vector<16xi32>,
          %swap3A_179 = vector.shape_cast %swap3A_178 : vector<16xi32> to vector<16xi32>
          %swap3A_180 = vector.shape_cast %select_n3A : vector<16xi32> to vector<16xi32>
          tpu.vector_store %arg10[%swap3A], %swap3A_180 {strides = array<i32>} : memref<128xi32, #tpu.memory_space<vmem>>, vector<16xi32>,
          %scan3A_181 = arith.constant 0 : i32
          scf.yield %scan3A_181 : i32
        }
        %scan3A_150 = arith.constant 8 : i32
        "tpu.region"() ({
          %run_scoped3A = tpu.sem_alloc : memref<!tpu.dma_semaphore, #tpu.memory_space<semaphore_mem>>
          %dma_start3A_165 = arith.constant 0 : i32
          %dma_start3A_166 = arith.constant 0 : i32
          %dma_start3A_167 = tpu.memref_slice %arg14[%dma_start3A_165, %dma_start3A_166] : memref<10112x128xf32, #tpu.memory_space<vmem_shared>> -> memref<10112x128xf32, #tpu.memory_space<vmem_shared>>
          tpu.enqueue_indirect_dma source(%arg13 : memref<128x128xf32, #tpu.memory_space<vmem>>) target(%dma_start3A_167 : memref<10112x128xf32, #tpu.memory_space<vmem_shared>>) offsets(%arg10 : memref<128xi32, #tpu.memory_space<vmem>>) semaphore(%run_scoped3A : memref<!tpu.dma_semaphore, #tpu.memory_space<semaphore_mem>>) {add = true}
          %dma_wait3A_168 = arith.constant 0 : i32
          %dma_wait3A_169 = arith.constant 0 : i32
          %dma_wait3A_170 = tpu.memref_slice %arg14[%dma_wait3A_168, %dma_wait3A_169] : memref<10112x128xf32, #tpu.memory_space<vmem_shared>> -> memref<10112x128xf32, #tpu.memory_space<vmem_shared>>
          tpu.wait_indirect_dma semaphore(%run_scoped3A : memref<!tpu.dma_semaphore, #tpu.memory_space<semaphore_mem>>) src(%arg13 : memref<128x128xf32, #tpu.memory_space<vmem>>) dst(%dma_wait3A_170 : memref<10112x128xf32, #tpu.memory_space<vmem_shared>>)
          tpu.yield
        }) : () -> ()
        %add3A_151 = arith.constant 96 : i32
        %add3A_152 = arith.addi %add3A_131, %add3A_151 : i32
        %lt3A_153 = arith.constant 2500 : i32
        %lt3A_154 = arith.cmpi slt, %add3A_152, %lt3A_153 : i32
        %convert_element_type3A_155 = arith.extui %lt3A_154 : i1 to i32
        %cond3A_156 = arith.constant 0 : i32
        %cond3A_157 = arith.cmpi ne, %convert_element_type3A_155, %cond3A_156 : i32
        scf.if %cond3A_157 {
          %add3A_165 = arith.constant 96 : i32
          %add3A_166 = arith.addi %add3A_131, %add3A_165 : i32
          %mul3A_167 = arith.constant 128 : i32
          %mul3A_168 = arith.muli %add3A_166, %mul3A_167 : i32
          %dma_start3A_169 = arith.constant 0 : i32
          %dma_start3A_170 = tpu.memref_slice %arg3[%dma_start3A_169, %mul3A_168] : memref<2x320000xi32, #tpu.memory_space<hbm>> -> memref<1x128xi32, #tpu.memory_space<hbm>>
          %dma_start3A_171 = tpu.memref_squeeze %dma_start3A_170 : memref<1x128xi32, #tpu.memory_space<hbm>> -> memref<128xi32, #tpu.memory_space<hbm>>
          %dma_start3A_172 = tpu.memref_slice %arg3[%dma_start3A_169, %mul3A_168] : memref<2x320000xi32, #tpu.memory_space<hbm>> -> memref<1x128xi32, #tpu.memory_space<hbm>>
          %dma_start3A_173 = tpu.memref_squeeze %dma_start3A_172 : memref<1x128xi32, #tpu.memory_space<hbm>> -> memref<128xi32, #tpu.memory_space<hbm>>
          tpu.enqueue_dma source(%dma_start3A_173 : memref<128xi32, #tpu.memory_space<hbm>>) target(%arg7 : memref<128xi32, #tpu.memory_space<vmem>>) target_semaphore(%arg17 : memref<!tpu.dma_semaphore, #tpu.memory_space<semaphore_mem>>)
          %dma_start3A_174 = arith.constant 1 : i32
          %dma_start3A_175 = tpu.memref_slice %arg3[%dma_start3A_174, %mul3A_168] : memref<2x320000xi32, #tpu.memory_space<hbm>> -> memref<1x128xi32, #tpu.memory_space<hbm>>
          %dma_start3A_176 = tpu.memref_squeeze %dma_start3A_175 : memref<1x128xi32, #tpu.memory_space<hbm>> -> memref<128xi32, #tpu.memory_space<hbm>>
          %dma_start3A_177 = tpu.memref_slice %arg3[%dma_start3A_174, %mul3A_168] : memref<2x320000xi32, #tpu.memory_space<hbm>> -> memref<1x128xi32, #tpu.memory_space<hbm>>
          %dma_start3A_178 = tpu.memref_squeeze %dma_start3A_177 : memref<1x128xi32, #tpu.memory_space<hbm>> -> memref<128xi32, #tpu.memory_space<hbm>>
          tpu.enqueue_dma source(%dma_start3A_178 : memref<128xi32, #tpu.memory_space<hbm>>) target(%arg10 : memref<128xi32, #tpu.memory_space<vmem>>) target_semaphore(%arg17 : memref<!tpu.dma_semaphore, #tpu.memory_space<semaphore_mem>>)
        } else {
        }
        %add3A_158 = arith.constant 64 : i32
        %add3A_159 = arith.addi %add3A_131, %add3A_158 : i32
        %lt3A_160 = arith.constant 2500 : i32
        %lt3A_161 = arith.cmpi slt, %add3A_159, %lt3A_160 : i32
        %convert_element_type3A_162 = arith.extui %lt3A_161 : i1 to i32
        %cond3A_163 = arith.constant 0 : i32
        %cond3A_164 = arith.cmpi ne, %convert_element_type3A_162, %cond3A_163 : i32
        scf.if %cond3A_164 {
          %dma_wait3A_165 = arith.constant 0 : i32
          %dma_wait3A_166 = arith.constant 0 : i32
          %dma_wait3A_167 = tpu.memref_slice %arg3[%dma_wait3A_165, %dma_wait3A_166] : memref<2x320000xi32, #tpu.memory_space<hbm>> -> memref<1x128xi32, #tpu.memory_space<hbm>>
          %dma_wait3A_168 = tpu.memref_squeeze %dma_wait3A_167 : memref<1x128xi32, #tpu.memory_space<hbm>> -> memref<128xi32, #tpu.memory_space<hbm>>
          %dma_wait3A_169 = arith.constant 0 : i32
          %dma_wait3A_170 = tpu.memref_slice %arg3[%dma_wait3A_165, %dma_wait3A_169] : memref<2x320000xi32, #tpu.memory_space<hbm>> -> memref<1x128xi32, #tpu.memory_space<hbm>>
          %dma_wait3A_171 = tpu.memref_squeeze %dma_wait3A_170 : memref<1x128xi32, #tpu.memory_space<hbm>> -> memref<128xi32, #tpu.memory_space<hbm>>
          tpu.wait_dma2 semaphore(%arg16 : memref<!tpu.dma_semaphore, #tpu.memory_space<semaphore_mem>>) src(%dma_wait3A_171 : memref<128xi32, #tpu.memory_space<hbm>>) dst(%arg6 : memref<128xi32, #tpu.memory_space<vmem>>)
          %dma_wait3A_172 = arith.constant 1 : i32
          %dma_wait3A_173 = arith.constant 0 : i32
          %dma_wait3A_174 = tpu.memref_slice %arg3[%dma_wait3A_172, %dma_wait3A_173] : memref<2x320000xi32, #tpu.memory_space<hbm>> -> memref<1x128xi32, #tpu.memory_space<hbm>>
          %dma_wait3A_175 = tpu.memref_squeeze %dma_wait3A_174 : memref<1x128xi32, #tpu.memory_space<hbm>> -> memref<128xi32, #tpu.memory_space<hbm>>
          %dma_wait3A_176 = arith.constant 0 : i32
          %dma_wait3A_177 = tpu.memref_slice %arg3[%dma_wait3A_172, %dma_wait3A_176] : memref<2x320000xi32, #tpu.memory_space<hbm>> -> memref<1x128xi32, #tpu.memory_space<hbm>>
          %dma_wait3A_178 = tpu.memref_squeeze %dma_wait3A_177 : memref<1x128xi32, #tpu.memory_space<hbm>> -> memref<128xi32, #tpu.memory_space<hbm>>
          tpu.wait_dma2 semaphore(%arg16 : memref<!tpu.dma_semaphore, #tpu.memory_space<semaphore_mem>>) src(%dma_wait3A_178 : memref<128xi32, #tpu.memory_space<hbm>>) dst(%arg9 : memref<128xi32, #tpu.memory_space<vmem>>)
          %dma_start3A_179 = arith.constant 0 : i32
          %dma_start3A_180 = arith.constant 0 : i32
          %dma_start3A_181 = tpu.memref_slice %arg2[%dma_start3A_179, %dma_start3A_180] : memref<10000x128xf32, #tpu.memory_space<hbm>> -> memref<10000x128xf32, #tpu.memory_space<hbm>>
          tpu.enqueue_indirect_dma source(%dma_start3A_181 : memref<10000x128xf32, #tpu.memory_space<hbm>>) target(%arg12 : memref<128x128xf32, #tpu.memory_space<vmem>>) offsets(%arg6 : memref<128xi32, #tpu.memory_space<vmem>>) semaphore(%arg19 : memref<!tpu.dma_semaphore, #tpu.memory_space<semaphore_mem>>)
        } else {
        }
      } else {
      }
      %scan3A_137 = arith.constant 0 : i32
      scf.yield %scan3A_137 : i32
    }
    %scan3A_96 = arith.constant 27 : i32
    %barrier3A_97 = arith.constant 0 : index
    tpu.barrier barrier_id(%barrier3A_97)
    %mul3A_98 = arith.constant 632 : i32
    %mul3A_99 = arith.muli %arg1, %mul3A_98 : i32
    %mul3A_100 = arith.constant 632 : i32
    %mul3A_101 = arith.muli %arg1, %mul3A_100 : i32
    "tpu.region"() ({
      %run_scoped3A = tpu.sem_alloc : memref<!tpu.dma_semaphore, #tpu.memory_space<semaphore_mem>>
      %dma_start3A_102 = arith.constant 0 : i32
      %dma_start3A_103 = tpu.memref_slice %arg4[%arg0, %mul3A_101, %dma_start3A_102] : memref<2x10112x128xf32, #tpu.memory_space<hbm>> -> memref<1x632x128xf32, #tpu.memory_space<hbm>>
      %dma_start3A_104 = tpu.memref_squeeze %dma_start3A_103 : memref<1x632x128xf32, #tpu.memory_space<hbm>> -> memref<632x128xf32, #tpu.memory_space<hbm>>
      %dma_start3A_105 = arith.constant 0 : i32
      %dma_start3A_106 = tpu.memref_slice %arg14[%mul3A_99, %dma_start3A_105] : memref<10112x128xf32, #tpu.memory_space<vmem_shared>> -> memref<632x128xf32, #tpu.memory_space<vmem_shared>>
      tpu.enqueue_dma source(%dma_start3A_106 : memref<632x128xf32, #tpu.memory_space<vmem_shared>>) target(%dma_start3A_104 : memref<632x128xf32, #tpu.memory_space<hbm>>) target_semaphore(%run_scoped3A : memref<!tpu.dma_semaphore, #tpu.memory_space<semaphore_mem>>)
      %dma_wait3A_107 = arith.constant 0 : i32
      %dma_wait3A_108 = tpu.memref_slice %arg4[%arg0, %mul3A_101, %dma_wait3A_107] : memref<2x10112x128xf32, #tpu.memory_space<hbm>> -> memref<1x632x128xf32, #tpu.memory_space<hbm>>
      %dma_wait3A_109 = tpu.memref_squeeze %dma_wait3A_108 : memref<1x632x128xf32, #tpu.memory_space<hbm>> -> memref<632x128xf32, #tpu.memory_space<hbm>>
      %dma_wait3A_110 = arith.constant 0 : i32
      %dma_wait3A_111 = tpu.memref_slice %arg14[%mul3A_99, %dma_wait3A_110] : memref<10112x128xf32, #tpu.memory_space<vmem_shared>> -> memref<632x128xf32, #tpu.memory_space<vmem_shared>>
      tpu.wait_dma2 semaphore(%run_scoped3A : memref<!tpu.dma_semaphore, #tpu.memory_space<semaphore_mem>>) src(%dma_wait3A_111 : memref<632x128xf32, #tpu.memory_space<vmem_shared>>) dst(%dma_wait3A_109 : memref<632x128xf32, #tpu.memory_space<hbm>>)
      tpu.yield
    }) : () -> ()
    return
  }
}

#map = affine_map<(d0, d1) -> (0, 0)>
module attributes {stable_mosaic.version = 14 : i64} {
  func.func @_deg_body(%arg0: i32, %arg1: i32, %arg2: memref<2x320000xi32, #tpu.memory_space<hbm>>, %arg3: memref<2x10240xf32, #tpu.memory_space<hbm>>, %arg4: memref<128xi32, #tpu.memory_space<vmem>>, %arg5: memref<128xi32, #tpu.memory_space<vmem>>, %arg6: memref<128xi32, #tpu.memory_space<vmem>>, %arg7: memref<128xi32, #tpu.memory_space<vmem>>, %arg8: memref<128xi32, #tpu.memory_space<vmem>>, %arg9: memref<128xi32, #tpu.memory_space<vmem>>, %arg10: memref<128xf32, #tpu.memory_space<vmem>>, %arg11: memref<128xf32, #tpu.memory_space<vmem>>, %arg12: memref<128xf32, #tpu.memory_space<vmem>>, %arg13: memref<640xf32, #tpu.memory_space<vmem>>, %arg14: memref<10240xf32, #tpu.memory_space<vmem_shared>>, %arg15: memref<!tpu.dma_semaphore, #tpu.memory_space<semaphore_mem>>, %arg16: memref<!tpu.dma_semaphore, #tpu.memory_space<semaphore_mem>>, %arg17: memref<!tpu.dma_semaphore, #tpu.memory_space<semaphore_mem>>) attributes {dimension_semantics = [#tpu.dimension_semantics<core_parallel>, #tpu.dimension_semantics<subcore_parallel>], iteration_bounds = array<i64: 2, 16>, scalar_prefetch = 0 : i64, scratch_operands = 14 : i64, tpu.core_type = #tpu.core_type<sc_vector_subcore>, window_params = [{transform_indices = #map}, {transform_indices = #map}]} {
    %mul3A = arith.constant 2 : i32
    %mul3A_0 = arith.muli %arg1, %mul3A : i32
    %add3A = arith.addi %mul3A_0, %arg0 : i32
    %scan3A = arith.constant 0 : i32
    %scan3A_1 = arith.constant 0 : i32
    %scan3A_2 = arith.constant 40 : i32
    %scan3A_3 = arith.addi %scan3A_1, %scan3A_2 : i32
    %scan3A_4 = arith.constant 1 : i32
    %scan3A_5 = scf.for %scan3A_60 = %scan3A_1 to %scan3A_3 step %scan3A_4 iter_args(%scan3A_61 = %scan3A) -> (i32)  : i32 {
      %broadcast_in_dim3A = arith.constant 0.000000e+00 : f32
      %broadcast_in_dim3A_62 = vector.broadcast %broadcast_in_dim3A : f32 to vector<16xf32>
      %mul3A_63 = arith.constant 16 : i32
      %mul3A_64 = arith.muli %scan3A_60, %mul3A_63 : i32
      %swap3A = arith.index_cast %mul3A_64 : i32 to index
      %swap3A_65 = tpu.vector_load %arg13[%swap3A] {strides = array<i32>} : memref<640xf32, #tpu.memory_space<vmem>>, vector<16xf32>,
      %swap3A_66 = vector.shape_cast %swap3A_65 : vector<16xf32> to vector<16xf32>
      %swap3A_67 = vector.shape_cast %broadcast_in_dim3A_62 : vector<16xf32> to vector<16xf32>
      tpu.vector_store %arg13[%swap3A], %swap3A_67 {strides = array<i32>} : memref<640xf32, #tpu.memory_space<vmem>>, vector<16xf32>,
      %scan3A_68 = arith.constant 0 : i32
      scf.yield %scan3A_68 : i32
    }
    %scan3A_6 = arith.constant 40 : i32
    %mul3A_7 = arith.constant 640 : i32
    %mul3A_8 = arith.muli %arg1, %mul3A_7 : i32
    "tpu.region"() ({
      %run_scoped3A = tpu.sem_alloc : memref<!tpu.dma_semaphore, #tpu.memory_space<semaphore_mem>>
      %dma_start3A_60 = tpu.memref_slice %arg14[%mul3A_8] : memref<10240xf32, #tpu.memory_space<vmem_shared>> -> memref<640xf32, #tpu.memory_space<vmem_shared>>
      %dma_start3A_61 = tpu.memref_slice %arg14[%mul3A_8] : memref<10240xf32, #tpu.memory_space<vmem_shared>> -> memref<640xf32, #tpu.memory_space<vmem_shared>>
      tpu.enqueue_dma source(%arg13 : memref<640xf32, #tpu.memory_space<vmem>>) target(%dma_start3A_61 : memref<640xf32, #tpu.memory_space<vmem_shared>>) target_semaphore(%run_scoped3A : memref<!tpu.dma_semaphore, #tpu.memory_space<semaphore_mem>>)
      %dma_wait3A = tpu.memref_slice %arg14[%mul3A_8] : memref<10240xf32, #tpu.memory_space<vmem_shared>> -> memref<640xf32, #tpu.memory_space<vmem_shared>>
      %dma_wait3A_62 = tpu.memref_slice %arg14[%mul3A_8] : memref<10240xf32, #tpu.memory_space<vmem_shared>> -> memref<640xf32, #tpu.memory_space<vmem_shared>>
      tpu.wait_dma2 semaphore(%run_scoped3A : memref<!tpu.dma_semaphore, #tpu.memory_space<semaphore_mem>>) src(%arg13 : memref<640xf32, #tpu.memory_space<vmem>>) dst(%dma_wait3A_62 : memref<640xf32, #tpu.memory_space<vmem_shared>>)
      tpu.yield
    }) : () -> ()
    %mul3A_9 = arith.constant 128 : i32
    %mul3A_10 = arith.muli %add3A, %mul3A_9 : i32
    %dma_start3A = arith.constant 0 : i32
    %dma_start3A_11 = tpu.memref_slice %arg2[%dma_start3A, %mul3A_10] : memref<2x320000xi32, #tpu.memory_space<hbm>> -> memref<1x128xi32, #tpu.memory_space<hbm>>
    %dma_start3A_12 = tpu.memref_squeeze %dma_start3A_11 : memref<1x128xi32, #tpu.memory_space<hbm>> -> memref<128xi32, #tpu.memory_space<hbm>>
    %dma_start3A_13 = tpu.memref_slice %arg2[%dma_start3A, %mul3A_10] : memref<2x320000xi32, #tpu.memory_space<hbm>> -> memref<1x128xi32, #tpu.memory_space<hbm>>
    %dma_start3A_14 = tpu.memref_squeeze %dma_start3A_13 : memref<1x128xi32, #tpu.memory_space<hbm>> -> memref<128xi32, #tpu.memory_space<hbm>>
    tpu.enqueue_dma source(%dma_start3A_14 : memref<128xi32, #tpu.memory_space<hbm>>) target(%arg4 : memref<128xi32, #tpu.memory_space<vmem>>) target_semaphore(%arg15 : memref<!tpu.dma_semaphore, #tpu.memory_space<semaphore_mem>>)
    %dma_start3A_15 = arith.constant 1 : i32
    %dma_start3A_16 = tpu.memref_slice %arg2[%dma_start3A_15, %mul3A_10] : memref<2x320000xi32, #tpu.memory_space<hbm>> -> memref<1x128xi32, #tpu.memory_space<hbm>>
    %dma_start3A_17 = tpu.memref_squeeze %dma_start3A_16 : memref<1x128xi32, #tpu.memory_space<hbm>> -> memref<128xi32, #tpu.memory_space<hbm>>
    %dma_start3A_18 = tpu.memref_slice %arg2[%dma_start3A_15, %mul3A_10] : memref<2x320000xi32, #tpu.memory_space<hbm>> -> memref<1x128xi32, #tpu.memory_space<hbm>>
    %dma_start3A_19 = tpu.memref_squeeze %dma_start3A_18 : memref<1x128xi32, #tpu.memory_space<hbm>> -> memref<128xi32, #tpu.memory_space<hbm>>
    tpu.enqueue_dma source(%dma_start3A_19 : memref<128xi32, #tpu.memory_space<hbm>>) target(%arg7 : memref<128xi32, #tpu.memory_space<vmem>>) target_semaphore(%arg15 : memref<!tpu.dma_semaphore, #tpu.memory_space<semaphore_mem>>)
    %add3A_20 = arith.constant 32 : i32
    %add3A_21 = arith.addi %add3A, %add3A_20 : i32
    %mul3A_22 = arith.constant 128 : i32
    %mul3A_23 = arith.muli %add3A_21, %mul3A_22 : i32
    %dma_start3A_24 = arith.constant 0 : i32
    %dma_start3A_25 = tpu.memref_slice %arg2[%dma_start3A_24, %mul3A_23] : memref<2x320000xi32, #tpu.memory_space<hbm>> -> memref<1x128xi32, #tpu.memory_space<hbm>>
    %dma_start3A_26 = tpu.memref_squeeze %dma_start3A_25 : memref<1x128xi32, #tpu.memory_space<hbm>> -> memref<128xi32, #tpu.memory_space<hbm>>
    %dma_start3A_27 = tpu.memref_slice %arg2[%dma_start3A_24, %mul3A_23] : memref<2x320000xi32, #tpu.memory_space<hbm>> -> memref<1x128xi32, #tpu.memory_space<hbm>>
    %dma_start3A_28 = tpu.memref_squeeze %dma_start3A_27 : memref<1x128xi32, #tpu.memory_space<hbm>> -> memref<128xi32, #tpu.memory_space<hbm>>
    tpu.enqueue_dma source(%dma_start3A_28 : memref<128xi32, #tpu.memory_space<hbm>>) target(%arg5 : memref<128xi32, #tpu.memory_space<vmem>>) target_semaphore(%arg16 : memref<!tpu.dma_semaphore, #tpu.memory_space<semaphore_mem>>)
    %dma_start3A_29 = arith.constant 1 : i32
    %dma_start3A_30 = tpu.memref_slice %arg2[%dma_start3A_29, %mul3A_23] : memref<2x320000xi32, #tpu.memory_space<hbm>> -> memref<1x128xi32, #tpu.memory_space<hbm>>
    %dma_start3A_31 = tpu.memref_squeeze %dma_start3A_30 : memref<1x128xi32, #tpu.memory_space<hbm>> -> memref<128xi32, #tpu.memory_space<hbm>>
    %dma_start3A_32 = tpu.memref_slice %arg2[%dma_start3A_29, %mul3A_23] : memref<2x320000xi32, #tpu.memory_space<hbm>> -> memref<1x128xi32, #tpu.memory_space<hbm>>
    %dma_start3A_33 = tpu.memref_squeeze %dma_start3A_32 : memref<1x128xi32, #tpu.memory_space<hbm>> -> memref<128xi32, #tpu.memory_space<hbm>>
    tpu.enqueue_dma source(%dma_start3A_33 : memref<128xi32, #tpu.memory_space<hbm>>) target(%arg8 : memref<128xi32, #tpu.memory_space<vmem>>) target_semaphore(%arg16 : memref<!tpu.dma_semaphore, #tpu.memory_space<semaphore_mem>>)
    %add3A_34 = arith.constant 64 : i32
    %add3A_35 = arith.addi %add3A, %add3A_34 : i32
    %mul3A_36 = arith.constant 128 : i32
    %mul3A_37 = arith.muli %add3A_35, %mul3A_36 : i32
    %dma_start3A_38 = arith.constant 0 : i32
    %dma_start3A_39 = tpu.memref_slice %arg2[%dma_start3A_38, %mul3A_37] : memref<2x320000xi32, #tpu.memory_space<hbm>> -> memref<1x128xi32, #tpu.memory_space<hbm>>
    %dma_start3A_40 = tpu.memref_squeeze %dma_start3A_39 : memref<1x128xi32, #tpu.memory_space<hbm>> -> memref<128xi32, #tpu.memory_space<hbm>>
    %dma_start3A_41 = tpu.memref_slice %arg2[%dma_start3A_38, %mul3A_37] : memref<2x320000xi32, #tpu.memory_space<hbm>> -> memref<1x128xi32, #tpu.memory_space<hbm>>
    %dma_start3A_42 = tpu.memref_squeeze %dma_start3A_41 : memref<1x128xi32, #tpu.memory_space<hbm>> -> memref<128xi32, #tpu.memory_space<hbm>>
    tpu.enqueue_dma source(%dma_start3A_42 : memref<128xi32, #tpu.memory_space<hbm>>) target(%arg6 : memref<128xi32, #tpu.memory_space<vmem>>) target_semaphore(%arg17 : memref<!tpu.dma_semaphore, #tpu.memory_space<semaphore_mem>>)
    %dma_start3A_43 = arith.constant 1 : i32
    %dma_start3A_44 = tpu.memref_slice %arg2[%dma_start3A_43, %mul3A_37] : memref<2x320000xi32, #tpu.memory_space<hbm>> -> memref<1x128xi32, #tpu.memory_space<hbm>>
    %dma_start3A_45 = tpu.memref_squeeze %dma_start3A_44 : memref<1x128xi32, #tpu.memory_space<hbm>> -> memref<128xi32, #tpu.memory_space<hbm>>
    %dma_start3A_46 = tpu.memref_slice %arg2[%dma_start3A_43, %mul3A_37] : memref<2x320000xi32, #tpu.memory_space<hbm>> -> memref<1x128xi32, #tpu.memory_space<hbm>>
    %dma_start3A_47 = tpu.memref_squeeze %dma_start3A_46 : memref<1x128xi32, #tpu.memory_space<hbm>> -> memref<128xi32, #tpu.memory_space<hbm>>
    tpu.enqueue_dma source(%dma_start3A_47 : memref<128xi32, #tpu.memory_space<hbm>>) target(%arg9 : memref<128xi32, #tpu.memory_space<vmem>>) target_semaphore(%arg17 : memref<!tpu.dma_semaphore, #tpu.memory_space<semaphore_mem>>)
    %barrier3A = arith.constant 0 : index
    tpu.barrier barrier_id(%barrier3A)
    %scan3A_48 = arith.constant 0 : i32
    %scan3A_49 = arith.constant 0 : i32
    %scan3A_50 = arith.constant 27 : i32
    %scan3A_51 = arith.addi %scan3A_49, %scan3A_50 : i32
    %scan3A_52 = arith.constant 1 : i32
    %scan3A_53 = scf.for %scan3A_60 = %scan3A_49 to %scan3A_51 step %scan3A_52 iter_args(%scan3A_61 = %scan3A_48) -> (i32)  : i32 {
      %mul3A_62 = arith.constant 3 : i32
      %mul3A_63 = arith.muli %scan3A_60, %mul3A_62 : i32
      %add3A_64 = arith.constant 0 : i32
      %add3A_65 = arith.addi %mul3A_63, %add3A_64 : i32
      %mul3A_66 = arith.constant 32 : i32
      %mul3A_67 = arith.muli %mul3A_66, %add3A_65 : i32
      %add3A_68 = arith.addi %add3A, %mul3A_67 : i32
      %lt3A = arith.constant 2500 : i32
      %lt3A_69 = arith.cmpi slt, %add3A_68, %lt3A : i32
      %convert_element_type3A = arith.extui %lt3A_69 : i1 to i32
      %cond3A = arith.constant 0 : i32
      %cond3A_70 = arith.cmpi ne, %convert_element_type3A, %cond3A : i32
      scf.if %cond3A_70 {
        %dma_wait3A = arith.constant 0 : i32
        %dma_wait3A_96 = arith.constant 0 : i32
        %dma_wait3A_97 = tpu.memref_slice %arg2[%dma_wait3A, %dma_wait3A_96] : memref<2x320000xi32, #tpu.memory_space<hbm>> -> memref<1x128xi32, #tpu.memory_space<hbm>>
        %dma_wait3A_98 = tpu.memref_squeeze %dma_wait3A_97 : memref<1x128xi32, #tpu.memory_space<hbm>> -> memref<128xi32, #tpu.memory_space<hbm>>
        %dma_wait3A_99 = arith.constant 0 : i32
        %dma_wait3A_100 = tpu.memref_slice %arg2[%dma_wait3A, %dma_wait3A_99] : memref<2x320000xi32, #tpu.memory_space<hbm>> -> memref<1x128xi32, #tpu.memory_space<hbm>>
        %dma_wait3A_101 = tpu.memref_squeeze %dma_wait3A_100 : memref<1x128xi32, #tpu.memory_space<hbm>> -> memref<128xi32, #tpu.memory_space<hbm>>
        tpu.wait_dma2 semaphore(%arg15 : memref<!tpu.dma_semaphore, #tpu.memory_space<semaphore_mem>>) src(%dma_wait3A_101 : memref<128xi32, #tpu.memory_space<hbm>>) dst(%arg4 : memref<128xi32, #tpu.memory_space<vmem>>)
        %dma_wait3A_102 = arith.constant 1 : i32
        %dma_wait3A_103 = arith.constant 0 : i32
        %dma_wait3A_104 = tpu.memref_slice %arg2[%dma_wait3A_102, %dma_wait3A_103] : memref<2x320000xi32, #tpu.memory_space<hbm>> -> memref<1x128xi32, #tpu.memory_space<hbm>>
        %dma_wait3A_105 = tpu.memref_squeeze %dma_wait3A_104 : memref<1x128xi32, #tpu.memory_space<hbm>> -> memref<128xi32, #tpu.memory_space<hbm>>
        %dma_wait3A_106 = arith.constant 0 : i32
        %dma_wait3A_107 = tpu.memref_slice %arg2[%dma_wait3A_102, %dma_wait3A_106] : memref<2x320000xi32, #tpu.memory_space<hbm>> -> memref<1x128xi32, #tpu.memory_space<hbm>>
        %dma_wait3A_108 = tpu.memref_squeeze %dma_wait3A_107 : memref<1x128xi32, #tpu.memory_space<hbm>> -> memref<128xi32, #tpu.memory_space<hbm>>
        tpu.wait_dma2 semaphore(%arg15 : memref<!tpu.dma_semaphore, #tpu.memory_space<semaphore_mem>>) src(%dma_wait3A_108 : memref<128xi32, #tpu.memory_space<hbm>>) dst(%arg7 : memref<128xi32, #tpu.memory_space<vmem>>)
        %scan3A_109 = arith.constant 0 : i32
        %scan3A_110 = arith.constant 0 : i32
        %scan3A_111 = arith.constant 8 : i32
        %scan3A_112 = arith.addi %scan3A_110, %scan3A_111 : i32
        %scan3A_113 = arith.constant 1 : i32
        %scan3A_114 = scf.for %scan3A_123 = %scan3A_110 to %scan3A_112 step %scan3A_113 iter_args(%scan3A_124 = %scan3A_109) -> (i32)  : i32 {
          %mul3A_125 = arith.constant 16 : i32
          %mul3A_126 = arith.muli %scan3A_123, %mul3A_125 : i32
          %get3A = arith.index_cast %mul3A_126 : i32 to index
          %get3A_127 = tpu.vector_load %arg4[%get3A] {strides = array<i32>} : memref<128xi32, #tpu.memory_space<vmem>>, vector<16xi32>,
          %get3A_128 = vector.shape_cast %get3A_127 : vector<16xi32> to vector<16xi32>
          %mul3A_129 = arith.constant 16 : i32
          %mul3A_130 = arith.muli %scan3A_123, %mul3A_129 : i32
          %get3A_131 = arith.index_cast %mul3A_130 : i32 to index
          %get3A_132 = tpu.vector_load %arg7[%get3A_131] {strides = array<i32>} : memref<128xi32, #tpu.memory_space<vmem>>, vector<16xi32>,
          %get3A_133 = vector.shape_cast %get3A_132 : vector<16xi32> to vector<16xi32>
          %ne3A = arith.cmpi ne, %get3A_128, %get3A_133 : vector<16xi32>
          %jit3A = arith.constant 1.000000e+00 : f32
          %jit3A_134 = arith.constant 0.000000e+00 : f32
          %broadcast_in_dim3A = vector.broadcast %jit3A : f32 to vector<16xf32>
          %broadcast_in_dim3A_135 = vector.broadcast %jit3A_134 : f32 to vector<16xf32>
          %select_n3A = arith.select %ne3A, %broadcast_in_dim3A, %broadcast_in_dim3A_135 : vector<16xi1>, vector<16xf32>
          %mul3A_136 = arith.constant 16 : i32
          %mul3A_137 = arith.muli %scan3A_123, %mul3A_136 : i32
          %swap3A = arith.index_cast %mul3A_137 : i32 to index
          %swap3A_138 = tpu.vector_load %arg10[%swap3A] {strides = array<i32>} : memref<128xf32, #tpu.memory_space<vmem>>, vector<16xf32>,
          %swap3A_139 = vector.shape_cast %swap3A_138 : vector<16xf32> to vector<16xf32>
          %swap3A_140 = vector.shape_cast %select_n3A : vector<16xf32> to vector<16xf32>
          tpu.vector_store %arg10[%swap3A], %swap3A_140 {strides = array<i32>} : memref<128xf32, #tpu.memory_space<vmem>>, vector<16xf32>,
          %scan3A_141 = arith.constant 0 : i32
          scf.yield %scan3A_141 : i32
        }
        %scan3A_115 = arith.constant 8 : i32
        "tpu.region"() ({
          %run_scoped3A = tpu.sem_alloc : memref<!tpu.dma_semaphore, #tpu.memory_space<semaphore_mem>>
          %dma_start3A_123 = arith.constant 0 : i32
          %dma_start3A_124 = tpu.memref_slice %arg14[%dma_start3A_123] : memref<10240xf32, #tpu.memory_space<vmem_shared>> -> memref<10240xf32, #tpu.memory_space<vmem_shared>>
          tpu.enqueue_indirect_dma source(%arg10 : memref<128xf32, #tpu.memory_space<vmem>>) target(%dma_start3A_124 : memref<10240xf32, #tpu.memory_space<vmem_shared>>) offsets(%arg4 : memref<128xi32, #tpu.memory_space<vmem>>) semaphore(%run_scoped3A : memref<!tpu.dma_semaphore, #tpu.memory_space<semaphore_mem>>) {add = true}
          %dma_wait3A_125 = arith.constant 0 : i32
          %dma_wait3A_126 = tpu.memref_slice %arg14[%dma_wait3A_125] : memref<10240xf32, #tpu.memory_space<vmem_shared>> -> memref<10240xf32, #tpu.memory_space<vmem_shared>>
          tpu.wait_indirect_dma semaphore(%run_scoped3A : memref<!tpu.dma_semaphore, #tpu.memory_space<semaphore_mem>>) src(%arg10 : memref<128xf32, #tpu.memory_space<vmem>>) dst(%dma_wait3A_126 : memref<10240xf32, #tpu.memory_space<vmem_shared>>)
          tpu.yield
        }) : () -> ()
        %add3A_116 = arith.constant 96 : i32
        %add3A_117 = arith.addi %add3A_68, %add3A_116 : i32
        %lt3A_118 = arith.constant 2500 : i32
        %lt3A_119 = arith.cmpi slt, %add3A_117, %lt3A_118 : i32
        %convert_element_type3A_120 = arith.extui %lt3A_119 : i1 to i32
        %cond3A_121 = arith.constant 0 : i32
        %cond3A_122 = arith.cmpi ne, %convert_element_type3A_120, %cond3A_121 : i32
        scf.if %cond3A_122 {
          %add3A_123 = arith.constant 96 : i32
          %add3A_124 = arith.addi %add3A_68, %add3A_123 : i32
          %mul3A_125 = arith.constant 128 : i32
          %mul3A_126 = arith.muli %add3A_124, %mul3A_125 : i32
          %dma_start3A_127 = arith.constant 0 : i32
          %dma_start3A_128 = tpu.memref_slice %arg2[%dma_start3A_127, %mul3A_126] : memref<2x320000xi32, #tpu.memory_space<hbm>> -> memref<1x128xi32, #tpu.memory_space<hbm>>
          %dma_start3A_129 = tpu.memref_squeeze %dma_start3A_128 : memref<1x128xi32, #tpu.memory_space<hbm>> -> memref<128xi32, #tpu.memory_space<hbm>>
          %dma_start3A_130 = tpu.memref_slice %arg2[%dma_start3A_127, %mul3A_126] : memref<2x320000xi32, #tpu.memory_space<hbm>> -> memref<1x128xi32, #tpu.memory_space<hbm>>
          %dma_start3A_131 = tpu.memref_squeeze %dma_start3A_130 : memref<1x128xi32, #tpu.memory_space<hbm>> -> memref<128xi32, #tpu.memory_space<hbm>>
          tpu.enqueue_dma source(%dma_start3A_131 : memref<128xi32, #tpu.memory_space<hbm>>) target(%arg4 : memref<128xi32, #tpu.memory_space<vmem>>) target_semaphore(%arg15 : memref<!tpu.dma_semaphore, #tpu.memory_space<semaphore_mem>>)
          %dma_start3A_132 = arith.constant 1 : i32
          %dma_start3A_133 = tpu.memref_slice %arg2[%dma_start3A_132, %mul3A_126] : memref<2x320000xi32, #tpu.memory_space<hbm>> -> memref<1x128xi32, #tpu.memory_space<hbm>>
          %dma_start3A_134 = tpu.memref_squeeze %dma_start3A_133 : memref<1x128xi32, #tpu.memory_space<hbm>> -> memref<128xi32, #tpu.memory_space<hbm>>
          %dma_start3A_135 = tpu.memref_slice %arg2[%dma_start3A_132, %mul3A_126] : memref<2x320000xi32, #tpu.memory_space<hbm>> -> memref<1x128xi32, #tpu.memory_space<hbm>>
          %dma_start3A_136 = tpu.memref_squeeze %dma_start3A_135 : memref<1x128xi32, #tpu.memory_space<hbm>> -> memref<128xi32, #tpu.memory_space<hbm>>
          tpu.enqueue_dma source(%dma_start3A_136 : memref<128xi32, #tpu.memory_space<hbm>>) target(%arg7 : memref<128xi32, #tpu.memory_space<vmem>>) target_semaphore(%arg15 : memref<!tpu.dma_semaphore, #tpu.memory_space<semaphore_mem>>)
        } else {
        }
      } else {
      }
      %mul3A_71 = arith.constant 3 : i32
      %mul3A_72 = arith.muli %scan3A_60, %mul3A_71 : i32
      %add3A_73 = arith.constant 1 : i32
      %add3A_74 = arith.addi %mul3A_72, %add3A_73 : i32
      %mul3A_75 = arith.constant 32 : i32
      %mul3A_76 = arith.muli %mul3A_75, %add3A_74 : i32
      %add3A_77 = arith.addi %add3A, %mul3A_76 : i32
      %lt3A_78 = arith.constant 2500 : i32
      %lt3A_79 = arith.cmpi slt, %add3A_77, %lt3A_78 : i32
      %convert_element_type3A_80 = arith.extui %lt3A_79 : i1 to i32
      %cond3A_81 = arith.constant 0 : i32
      %cond3A_82 = arith.cmpi ne, %convert_element_type3A_80, %cond3A_81 : i32
      scf.if %cond3A_82 {
        %dma_wait3A = arith.constant 0 : i32
        %dma_wait3A_96 = arith.constant 0 : i32
        %dma_wait3A_97 = tpu.memref_slice %arg2[%dma_wait3A, %dma_wait3A_96] : memref<2x320000xi32, #tpu.memory_space<hbm>> -> memref<1x128xi32, #tpu.memory_space<hbm>>
        %dma_wait3A_98 = tpu.memref_squeeze %dma_wait3A_97 : memref<1x128xi32, #tpu.memory_space<hbm>> -> memref<128xi32, #tpu.memory_space<hbm>>
        %dma_wait3A_99 = arith.constant 0 : i32
        %dma_wait3A_100 = tpu.memref_slice %arg2[%dma_wait3A, %dma_wait3A_99] : memref<2x320000xi32, #tpu.memory_space<hbm>> -> memref<1x128xi32, #tpu.memory_space<hbm>>
        %dma_wait3A_101 = tpu.memref_squeeze %dma_wait3A_100 : memref<1x128xi32, #tpu.memory_space<hbm>> -> memref<128xi32, #tpu.memory_space<hbm>>
        tpu.wait_dma2 semaphore(%arg16 : memref<!tpu.dma_semaphore, #tpu.memory_space<semaphore_mem>>) src(%dma_wait3A_101 : memref<128xi32, #tpu.memory_space<hbm>>) dst(%arg5 : memref<128xi32, #tpu.memory_space<vmem>>)
        %dma_wait3A_102 = arith.constant 1 : i32
        %dma_wait3A_103 = arith.constant 0 : i32
        %dma_wait3A_104 = tpu.memref_slice %arg2[%dma_wait3A_102, %dma_wait3A_103] : memref<2x320000xi32, #tpu.memory_space<hbm>> -> memref<1x128xi32, #tpu.memory_space<hbm>>
        %dma_wait3A_105 = tpu.memref_squeeze %dma_wait3A_104 : memref<1x128xi32, #tpu.memory_space<hbm>> -> memref<128xi32, #tpu.memory_space<hbm>>
        %dma_wait3A_106 = arith.constant 0 : i32
        %dma_wait3A_107 = tpu.memref_slice %arg2[%dma_wait3A_102, %dma_wait3A_106] : memref<2x320000xi32, #tpu.memory_space<hbm>> -> memref<1x128xi32, #tpu.memory_space<hbm>>
        %dma_wait3A_108 = tpu.memref_squeeze %dma_wait3A_107 : memref<1x128xi32, #tpu.memory_space<hbm>> -> memref<128xi32, #tpu.memory_space<hbm>>
        tpu.wait_dma2 semaphore(%arg16 : memref<!tpu.dma_semaphore, #tpu.memory_space<semaphore_mem>>) src(%dma_wait3A_108 : memref<128xi32, #tpu.memory_space<hbm>>) dst(%arg8 : memref<128xi32, #tpu.memory_space<vmem>>)
        %scan3A_109 = arith.constant 0 : i32
        %scan3A_110 = arith.constant 0 : i32
        %scan3A_111 = arith.constant 8 : i32
        %scan3A_112 = arith.addi %scan3A_110, %scan3A_111 : i32
        %scan3A_113 = arith.constant 1 : i32
        %scan3A_114 = scf.for %scan3A_123 = %scan3A_110 to %scan3A_112 step %scan3A_113 iter_args(%scan3A_124 = %scan3A_109) -> (i32)  : i32 {
          %mul3A_125 = arith.constant 16 : i32
          %mul3A_126 = arith.muli %scan3A_123, %mul3A_125 : i32
          %get3A = arith.index_cast %mul3A_126 : i32 to index
          %get3A_127 = tpu.vector_load %arg5[%get3A] {strides = array<i32>} : memref<128xi32, #tpu.memory_space<vmem>>, vector<16xi32>,
          %get3A_128 = vector.shape_cast %get3A_127 : vector<16xi32> to vector<16xi32>
          %mul3A_129 = arith.constant 16 : i32
          %mul3A_130 = arith.muli %scan3A_123, %mul3A_129 : i32
          %get3A_131 = arith.index_cast %mul3A_130 : i32 to index
          %get3A_132 = tpu.vector_load %arg8[%get3A_131] {strides = array<i32>} : memref<128xi32, #tpu.memory_space<vmem>>, vector<16xi32>,
          %get3A_133 = vector.shape_cast %get3A_132 : vector<16xi32> to vector<16xi32>
          %ne3A = arith.cmpi ne, %get3A_128, %get3A_133 : vector<16xi32>
          %jit3A = arith.constant 1.000000e+00 : f32
          %jit3A_134 = arith.constant 0.000000e+00 : f32
          %broadcast_in_dim3A = vector.broadcast %jit3A : f32 to vector<16xf32>
          %broadcast_in_dim3A_135 = vector.broadcast %jit3A_134 : f32 to vector<16xf32>
          %select_n3A = arith.select %ne3A, %broadcast_in_dim3A, %broadcast_in_dim3A_135 : vector<16xi1>, vector<16xf32>
          %mul3A_136 = arith.constant 16 : i32
          %mul3A_137 = arith.muli %scan3A_123, %mul3A_136 : i32
          %swap3A = arith.index_cast %mul3A_137 : i32 to index
          %swap3A_138 = tpu.vector_load %arg11[%swap3A] {strides = array<i32>} : memref<128xf32, #tpu.memory_space<vmem>>, vector<16xf32>,
          %swap3A_139 = vector.shape_cast %swap3A_138 : vector<16xf32> to vector<16xf32>
          %swap3A_140 = vector.shape_cast %select_n3A : vector<16xf32> to vector<16xf32>
          tpu.vector_store %arg11[%swap3A], %swap3A_140 {strides = array<i32>} : memref<128xf32, #tpu.memory_space<vmem>>, vector<16xf32>,
          %scan3A_141 = arith.constant 0 : i32
          scf.yield %scan3A_141 : i32
        }
        %scan3A_115 = arith.constant 8 : i32
        "tpu.region"() ({
          %run_scoped3A = tpu.sem_alloc : memref<!tpu.dma_semaphore, #tpu.memory_space<semaphore_mem>>
          %dma_start3A_123 = arith.constant 0 : i32
          %dma_start3A_124 = tpu.memref_slice %arg14[%dma_start3A_123] : memref<10240xf32, #tpu.memory_space<vmem_shared>> -> memref<10240xf32, #tpu.memory_space<vmem_shared>>
          tpu.enqueue_indirect_dma source(%arg11 : memref<128xf32, #tpu.memory_space<vmem>>) target(%dma_start3A_124 : memref<10240xf32, #tpu.memory_space<vmem_shared>>) offsets(%arg5 : memref<128xi32, #tpu.memory_space<vmem>>) semaphore(%run_scoped3A : memref<!tpu.dma_semaphore, #tpu.memory_space<semaphore_mem>>) {add = true}
          %dma_wait3A_125 = arith.constant 0 : i32
          %dma_wait3A_126 = tpu.memref_slice %arg14[%dma_wait3A_125] : memref<10240xf32, #tpu.memory_space<vmem_shared>> -> memref<10240xf32, #tpu.memory_space<vmem_shared>>
          tpu.wait_indirect_dma semaphore(%run_scoped3A : memref<!tpu.dma_semaphore, #tpu.memory_space<semaphore_mem>>) src(%arg11 : memref<128xf32, #tpu.memory_space<vmem>>) dst(%dma_wait3A_126 : memref<10240xf32, #tpu.memory_space<vmem_shared>>)
          tpu.yield
        }) : () -> ()
        %add3A_116 = arith.constant 96 : i32
        %add3A_117 = arith.addi %add3A_77, %add3A_116 : i32
        %lt3A_118 = arith.constant 2500 : i32
        %lt3A_119 = arith.cmpi slt, %add3A_117, %lt3A_118 : i32
        %convert_element_type3A_120 = arith.extui %lt3A_119 : i1 to i32
        %cond3A_121 = arith.constant 0 : i32
        %cond3A_122 = arith.cmpi ne, %convert_element_type3A_120, %cond3A_121 : i32
        scf.if %cond3A_122 {
          %add3A_123 = arith.constant 96 : i32
          %add3A_124 = arith.addi %add3A_77, %add3A_123 : i32
          %mul3A_125 = arith.constant 128 : i32
          %mul3A_126 = arith.muli %add3A_124, %mul3A_125 : i32
          %dma_start3A_127 = arith.constant 0 : i32
          %dma_start3A_128 = tpu.memref_slice %arg2[%dma_start3A_127, %mul3A_126] : memref<2x320000xi32, #tpu.memory_space<hbm>> -> memref<1x128xi32, #tpu.memory_space<hbm>>
          %dma_start3A_129 = tpu.memref_squeeze %dma_start3A_128 : memref<1x128xi32, #tpu.memory_space<hbm>> -> memref<128xi32, #tpu.memory_space<hbm>>
          %dma_start3A_130 = tpu.memref_slice %arg2[%dma_start3A_127, %mul3A_126] : memref<2x320000xi32, #tpu.memory_space<hbm>> -> memref<1x128xi32, #tpu.memory_space<hbm>>
          %dma_start3A_131 = tpu.memref_squeeze %dma_start3A_130 : memref<1x128xi32, #tpu.memory_space<hbm>> -> memref<128xi32, #tpu.memory_space<hbm>>
          tpu.enqueue_dma source(%dma_start3A_131 : memref<128xi32, #tpu.memory_space<hbm>>) target(%arg5 : memref<128xi32, #tpu.memory_space<vmem>>) target_semaphore(%arg16 : memref<!tpu.dma_semaphore, #tpu.memory_space<semaphore_mem>>)
          %dma_start3A_132 = arith.constant 1 : i32
          %dma_start3A_133 = tpu.memref_slice %arg2[%dma_start3A_132, %mul3A_126] : memref<2x320000xi32, #tpu.memory_space<hbm>> -> memref<1x128xi32, #tpu.memory_space<hbm>>
          %dma_start3A_134 = tpu.memref_squeeze %dma_start3A_133 : memref<1x128xi32, #tpu.memory_space<hbm>> -> memref<128xi32, #tpu.memory_space<hbm>>
          %dma_start3A_135 = tpu.memref_slice %arg2[%dma_start3A_132, %mul3A_126] : memref<2x320000xi32, #tpu.memory_space<hbm>> -> memref<1x128xi32, #tpu.memory_space<hbm>>
          %dma_start3A_136 = tpu.memref_squeeze %dma_start3A_135 : memref<1x128xi32, #tpu.memory_space<hbm>> -> memref<128xi32, #tpu.memory_space<hbm>>
          tpu.enqueue_dma source(%dma_start3A_136 : memref<128xi32, #tpu.memory_space<hbm>>) target(%arg8 : memref<128xi32, #tpu.memory_space<vmem>>) target_semaphore(%arg16 : memref<!tpu.dma_semaphore, #tpu.memory_space<semaphore_mem>>)
        } else {
        }
      } else {
      }
      %mul3A_83 = arith.constant 3 : i32
      %mul3A_84 = arith.muli %scan3A_60, %mul3A_83 : i32
      %add3A_85 = arith.constant 2 : i32
      %add3A_86 = arith.addi %mul3A_84, %add3A_85 : i32
      %mul3A_87 = arith.constant 32 : i32
      %mul3A_88 = arith.muli %mul3A_87, %add3A_86 : i32
      %add3A_89 = arith.addi %add3A, %mul3A_88 : i32
      %lt3A_90 = arith.constant 2500 : i32
      %lt3A_91 = arith.cmpi slt, %add3A_89, %lt3A_90 : i32
      %convert_element_type3A_92 = arith.extui %lt3A_91 : i1 to i32
      %cond3A_93 = arith.constant 0 : i32
      %cond3A_94 = arith.cmpi ne, %convert_element_type3A_92, %cond3A_93 : i32
      scf.if %cond3A_94 {
        %dma_wait3A = arith.constant 0 : i32
        %dma_wait3A_96 = arith.constant 0 : i32
        %dma_wait3A_97 = tpu.memref_slice %arg2[%dma_wait3A, %dma_wait3A_96] : memref<2x320000xi32, #tpu.memory_space<hbm>> -> memref<1x128xi32, #tpu.memory_space<hbm>>
        %dma_wait3A_98 = tpu.memref_squeeze %dma_wait3A_97 : memref<1x128xi32, #tpu.memory_space<hbm>> -> memref<128xi32, #tpu.memory_space<hbm>>
        %dma_wait3A_99 = arith.constant 0 : i32
        %dma_wait3A_100 = tpu.memref_slice %arg2[%dma_wait3A, %dma_wait3A_99] : memref<2x320000xi32, #tpu.memory_space<hbm>> -> memref<1x128xi32, #tpu.memory_space<hbm>>
        %dma_wait3A_101 = tpu.memref_squeeze %dma_wait3A_100 : memref<1x128xi32, #tpu.memory_space<hbm>> -> memref<128xi32, #tpu.memory_space<hbm>>
        tpu.wait_dma2 semaphore(%arg17 : memref<!tpu.dma_semaphore, #tpu.memory_space<semaphore_mem>>) src(%dma_wait3A_101 : memref<128xi32, #tpu.memory_space<hbm>>) dst(%arg6 : memref<128xi32, #tpu.memory_space<vmem>>)
        %dma_wait3A_102 = arith.constant 1 : i32
        %dma_wait3A_103 = arith.constant 0 : i32
        %dma_wait3A_104 = tpu.memref_slice %arg2[%dma_wait3A_102, %dma_wait3A_103] : memref<2x320000xi32, #tpu.memory_space<hbm>> -> memref<1x128xi32, #tpu.memory_space<hbm>>
        %dma_wait3A_105 = tpu.memref_squeeze %dma_wait3A_104 : memref<1x128xi32, #tpu.memory_space<hbm>> -> memref<128xi32, #tpu.memory_space<hbm>>
        %dma_wait3A_106 = arith.constant 0 : i32
        %dma_wait3A_107 = tpu.memref_slice %arg2[%dma_wait3A_102, %dma_wait3A_106] : memref<2x320000xi32, #tpu.memory_space<hbm>> -> memref<1x128xi32, #tpu.memory_space<hbm>>
        %dma_wait3A_108 = tpu.memref_squeeze %dma_wait3A_107 : memref<1x128xi32, #tpu.memory_space<hbm>> -> memref<128xi32, #tpu.memory_space<hbm>>
        tpu.wait_dma2 semaphore(%arg17 : memref<!tpu.dma_semaphore, #tpu.memory_space<semaphore_mem>>) src(%dma_wait3A_108 : memref<128xi32, #tpu.memory_space<hbm>>) dst(%arg9 : memref<128xi32, #tpu.memory_space<vmem>>)
        %scan3A_109 = arith.constant 0 : i32
        %scan3A_110 = arith.constant 0 : i32
        %scan3A_111 = arith.constant 8 : i32
        %scan3A_112 = arith.addi %scan3A_110, %scan3A_111 : i32
        %scan3A_113 = arith.constant 1 : i32
        %scan3A_114 = scf.for %scan3A_123 = %scan3A_110 to %scan3A_112 step %scan3A_113 iter_args(%scan3A_124 = %scan3A_109) -> (i32)  : i32 {
          %mul3A_125 = arith.constant 16 : i32
          %mul3A_126 = arith.muli %scan3A_123, %mul3A_125 : i32
          %get3A = arith.index_cast %mul3A_126 : i32 to index
          %get3A_127 = tpu.vector_load %arg6[%get3A] {strides = array<i32>} : memref<128xi32, #tpu.memory_space<vmem>>, vector<16xi32>,
          %get3A_128 = vector.shape_cast %get3A_127 : vector<16xi32> to vector<16xi32>
          %mul3A_129 = arith.constant 16 : i32
          %mul3A_130 = arith.muli %scan3A_123, %mul3A_129 : i32
          %get3A_131 = arith.index_cast %mul3A_130 : i32 to index
          %get3A_132 = tpu.vector_load %arg9[%get3A_131] {strides = array<i32>} : memref<128xi32, #tpu.memory_space<vmem>>, vector<16xi32>,
          %get3A_133 = vector.shape_cast %get3A_132 : vector<16xi32> to vector<16xi32>
          %ne3A = arith.cmpi ne, %get3A_128, %get3A_133 : vector<16xi32>
          %jit3A = arith.constant 1.000000e+00 : f32
          %jit3A_134 = arith.constant 0.000000e+00 : f32
          %broadcast_in_dim3A = vector.broadcast %jit3A : f32 to vector<16xf32>
          %broadcast_in_dim3A_135 = vector.broadcast %jit3A_134 : f32 to vector<16xf32>
          %select_n3A = arith.select %ne3A, %broadcast_in_dim3A, %broadcast_in_dim3A_135 : vector<16xi1>, vector<16xf32>
          %mul3A_136 = arith.constant 16 : i32
          %mul3A_137 = arith.muli %scan3A_123, %mul3A_136 : i32
          %swap3A = arith.index_cast %mul3A_137 : i32 to index
          %swap3A_138 = tpu.vector_load %arg12[%swap3A] {strides = array<i32>} : memref<128xf32, #tpu.memory_space<vmem>>, vector<16xf32>,
          %swap3A_139 = vector.shape_cast %swap3A_138 : vector<16xf32> to vector<16xf32>
          %swap3A_140 = vector.shape_cast %select_n3A : vector<16xf32> to vector<16xf32>
          tpu.vector_store %arg12[%swap3A], %swap3A_140 {strides = array<i32>} : memref<128xf32, #tpu.memory_space<vmem>>, vector<16xf32>,
          %scan3A_141 = arith.constant 0 : i32
          scf.yield %scan3A_141 : i32
        }
        %scan3A_115 = arith.constant 8 : i32
        "tpu.region"() ({
          %run_scoped3A = tpu.sem_alloc : memref<!tpu.dma_semaphore, #tpu.memory_space<semaphore_mem>>
          %dma_start3A_123 = arith.constant 0 : i32
          %dma_start3A_124 = tpu.memref_slice %arg14[%dma_start3A_123] : memref<10240xf32, #tpu.memory_space<vmem_shared>> -> memref<10240xf32, #tpu.memory_space<vmem_shared>>
          tpu.enqueue_indirect_dma source(%arg12 : memref<128xf32, #tpu.memory_space<vmem>>) target(%dma_start3A_124 : memref<10240xf32, #tpu.memory_space<vmem_shared>>) offsets(%arg6 : memref<128xi32, #tpu.memory_space<vmem>>) semaphore(%run_scoped3A : memref<!tpu.dma_semaphore, #tpu.memory_space<semaphore_mem>>) {add = true}
          %dma_wait3A_125 = arith.constant 0 : i32
          %dma_wait3A_126 = tpu.memref_slice %arg14[%dma_wait3A_125] : memref<10240xf32, #tpu.memory_space<vmem_shared>> -> memref<10240xf32, #tpu.memory_space<vmem_shared>>
          tpu.wait_indirect_dma semaphore(%run_scoped3A : memref<!tpu.dma_semaphore, #tpu.memory_space<semaphore_mem>>) src(%arg12 : memref<128xf32, #tpu.memory_space<vmem>>) dst(%dma_wait3A_126 : memref<10240xf32, #tpu.memory_space<vmem_shared>>)
          tpu.yield
        }) : () -> ()
        %add3A_116 = arith.constant 96 : i32
        %add3A_117 = arith.addi %add3A_89, %add3A_116 : i32
        %lt3A_118 = arith.constant 2500 : i32
        %lt3A_119 = arith.cmpi slt, %add3A_117, %lt3A_118 : i32
        %convert_element_type3A_120 = arith.extui %lt3A_119 : i1 to i32
        %cond3A_121 = arith.constant 0 : i32
        %cond3A_122 = arith.cmpi ne, %convert_element_type3A_120, %cond3A_121 : i32
        scf.if %cond3A_122 {
          %add3A_123 = arith.constant 96 : i32
          %add3A_124 = arith.addi %add3A_89, %add3A_123 : i32
          %mul3A_125 = arith.constant 128 : i32
          %mul3A_126 = arith.muli %add3A_124, %mul3A_125 : i32
          %dma_start3A_127 = arith.constant 0 : i32
          %dma_start3A_128 = tpu.memref_slice %arg2[%dma_start3A_127, %mul3A_126] : memref<2x320000xi32, #tpu.memory_space<hbm>> -> memref<1x128xi32, #tpu.memory_space<hbm>>
          %dma_start3A_129 = tpu.memref_squeeze %dma_start3A_128 : memref<1x128xi32, #tpu.memory_space<hbm>> -> memref<128xi32, #tpu.memory_space<hbm>>
          %dma_start3A_130 = tpu.memref_slice %arg2[%dma_start3A_127, %mul3A_126] : memref<2x320000xi32, #tpu.memory_space<hbm>> -> memref<1x128xi32, #tpu.memory_space<hbm>>
          %dma_start3A_131 = tpu.memref_squeeze %dma_start3A_130 : memref<1x128xi32, #tpu.memory_space<hbm>> -> memref<128xi32, #tpu.memory_space<hbm>>
          tpu.enqueue_dma source(%dma_start3A_131 : memref<128xi32, #tpu.memory_space<hbm>>) target(%arg6 : memref<128xi32, #tpu.memory_space<vmem>>) target_semaphore(%arg17 : memref<!tpu.dma_semaphore, #tpu.memory_space<semaphore_mem>>)
          %dma_start3A_132 = arith.constant 1 : i32
          %dma_start3A_133 = tpu.memref_slice %arg2[%dma_start3A_132, %mul3A_126] : memref<2x320000xi32, #tpu.memory_space<hbm>> -> memref<1x128xi32, #tpu.memory_space<hbm>>
          %dma_start3A_134 = tpu.memref_squeeze %dma_start3A_133 : memref<1x128xi32, #tpu.memory_space<hbm>> -> memref<128xi32, #tpu.memory_space<hbm>>
          %dma_start3A_135 = tpu.memref_slice %arg2[%dma_start3A_132, %mul3A_126] : memref<2x320000xi32, #tpu.memory_space<hbm>> -> memref<1x128xi32, #tpu.memory_space<hbm>>
          %dma_start3A_136 = tpu.memref_squeeze %dma_start3A_135 : memref<1x128xi32, #tpu.memory_space<hbm>> -> memref<128xi32, #tpu.memory_space<hbm>>
          tpu.enqueue_dma source(%dma_start3A_136 : memref<128xi32, #tpu.memory_space<hbm>>) target(%arg9 : memref<128xi32, #tpu.memory_space<vmem>>) target_semaphore(%arg17 : memref<!tpu.dma_semaphore, #tpu.memory_space<semaphore_mem>>)
        } else {
        }
      } else {
      }
      %scan3A_95 = arith.constant 0 : i32
      scf.yield %scan3A_95 : i32
    }
    %scan3A_54 = arith.constant 27 : i32
    %barrier3A_55 = arith.constant 0 : index
    tpu.barrier barrier_id(%barrier3A_55)
    %mul3A_56 = arith.constant 640 : i32
    %mul3A_57 = arith.muli %arg1, %mul3A_56 : i32
    %mul3A_58 = arith.constant 640 : i32
    %mul3A_59 = arith.muli %arg1, %mul3A_58 : i32
    "tpu.region"() ({
      %run_scoped3A = tpu.sem_alloc : memref<!tpu.dma_semaphore, #tpu.memory_space<semaphore_mem>>
      %dma_start3A_60 = tpu.memref_slice %arg3[%arg0, %mul3A_59] : memref<2x10240xf32, #tpu.memory_space<hbm>> -> memref<1x640xf32, #tpu.memory_space<hbm>>
      %dma_start3A_61 = tpu.memref_squeeze %dma_start3A_60 : memref<1x640xf32, #tpu.memory_space<hbm>> -> memref<640xf32, #tpu.memory_space<hbm>>
      %dma_start3A_62 = tpu.memref_slice %arg14[%mul3A_57] : memref<10240xf32, #tpu.memory_space<vmem_shared>> -> memref<640xf32, #tpu.memory_space<vmem_shared>>
      tpu.enqueue_dma source(%dma_start3A_62 : memref<640xf32, #tpu.memory_space<vmem_shared>>) target(%dma_start3A_61 : memref<640xf32, #tpu.memory_space<hbm>>) target_semaphore(%run_scoped3A : memref<!tpu.dma_semaphore, #tpu.memory_space<semaphore_mem>>)
      %dma_wait3A = tpu.memref_slice %arg3[%arg0, %mul3A_59] : memref<2x10240xf32, #tpu.memory_space<hbm>> -> memref<1x640xf32, #tpu.memory_space<hbm>>
      %dma_wait3A_63 = tpu.memref_squeeze %dma_wait3A : memref<1x640xf32, #tpu.memory_space<hbm>> -> memref<640xf32, #tpu.memory_space<hbm>>
      %dma_wait3A_64 = tpu.memref_slice %arg14[%mul3A_57] : memref<10240xf32, #tpu.memory_space<vmem_shared>> -> memref<640xf32, #tpu.memory_space<vmem_shared>>
      tpu.wait_dma2 semaphore(%run_scoped3A : memref<!tpu.dma_semaphore, #tpu.memory_space<semaphore_mem>>) src(%dma_wait3A_64 : memref<640xf32, #tpu.memory_space<vmem_shared>>) dst(%dma_wait3A_63 : memref<640xf32, #tpu.memory_space<hbm>>)
      tpu.yield
    }) : () -> ()
    return
  }
}

#map = affine_map<(d0, d1) -> (0, 0)>
#map1 = affine_map<(d0, d1) -> (0, 0, 0)>
module attributes {stable_mosaic.version = 14 : i64} {
  func.func @_spmm_body(%arg0: i32, %arg1: i32, %arg2: memref<10000x128xf32, #tpu.memory_space<hbm>>, %arg3: memref<2x320000xi32, #tpu.memory_space<hbm>>, %arg4: memref<2x10112x128xf32, #tpu.memory_space<hbm>>, %arg5: memref<128xi32, #tpu.memory_space<vmem>>, %arg6: memref<128xi32, #tpu.memory_space<vmem>>, %arg7: memref<128xi32, #tpu.memory_space<vmem>>, %arg8: memref<128xi32, #tpu.memory_space<vmem>>, %arg9: memref<128xi32, #tpu.memory_space<vmem>>, %arg10: memref<128xi32, #tpu.memory_space<vmem>>, %arg11: memref<128x128xf32, #tpu.memory_space<vmem>>, %arg12: memref<128x128xf32, #tpu.memory_space<vmem>>, %arg13: memref<128x128xf32, #tpu.memory_space<vmem>>, %arg14: memref<10112x128xf32, #tpu.memory_space<vmem_shared>>, %arg15: memref<!tpu.dma_semaphore, #tpu.memory_space<semaphore_mem>>, %arg16: memref<!tpu.dma_semaphore, #tpu.memory_space<semaphore_mem>>, %arg17: memref<!tpu.dma_semaphore, #tpu.memory_space<semaphore_mem>>, %arg18: memref<!tpu.dma_semaphore, #tpu.memory_space<semaphore_mem>>, %arg19: memref<!tpu.dma_semaphore, #tpu.memory_space<semaphore_mem>>, %arg20: memref<!tpu.dma_semaphore, #tpu.memory_space<semaphore_mem>>, %arg21: memref<!tpu.dma_semaphore, #tpu.memory_space<semaphore_mem>>, %arg22: memref<!tpu.dma_semaphore, #tpu.memory_space<semaphore_mem>>, %arg23: memref<!tpu.dma_semaphore, #tpu.memory_space<semaphore_mem>>) attributes {dimension_semantics = [#tpu.dimension_semantics<core_parallel>, #tpu.dimension_semantics<subcore_parallel>], iteration_bounds = array<i64: 2, 16>, scalar_prefetch = 0 : i64, scratch_operands = 19 : i64, tpu.core_type = #tpu.core_type<sc_vector_subcore>, window_params = [{transform_indices = #map}, {transform_indices = #map}, {transform_indices = #map1}]} {
    %mul3A = arith.constant 2 : i32
    %mul3A_0 = arith.muli %arg1, %mul3A : i32
    %add3A = arith.addi %mul3A_0, %arg0 : i32
    %scan3A = arith.constant 0 : i32
    %scan3A_1 = arith.constant 0 : i32
    %scan3A_2 = arith.constant 128 : i32
    %scan3A_3 = arith.addi %scan3A_1, %scan3A_2 : i32
    %scan3A_4 = arith.constant 1 : i32
    %scan3A_5 = scf.for %scan3A_102 = %scan3A_1 to %scan3A_3 step %scan3A_4 iter_args(%scan3A_103 = %scan3A) -> (i32)  : i32 {
      %scan3A_104 = arith.constant 0 : i32
      %scan3A_105 = arith.constant 0 : i32
      %scan3A_106 = arith.constant 8 : i32
      %scan3A_107 = arith.addi %scan3A_105, %scan3A_106 : i32
      %scan3A_108 = arith.constant 1 : i32
      %scan3A_109 = scf.for %scan3A_112 = %scan3A_105 to %scan3A_107 step %scan3A_108 iter_args(%scan3A_113 = %scan3A_104) -> (i32)  : i32 {
        %broadcast_in_dim3A = arith.constant 0.000000e+00 : f32
        %broadcast_in_dim3A_114 = vector.broadcast %broadcast_in_dim3A : f32 to vector<16xf32>
        %mul3A_115 = arith.constant 16 : i32
        %mul3A_116 = arith.muli %scan3A_112, %mul3A_115 : i32
        %swap3A = arith.index_cast %scan3A_102 : i32 to index
        %swap3A_117 = arith.index_cast %mul3A_116 : i32 to index
        %swap3A_118 = tpu.vector_load %arg11[%swap3A, %swap3A_117] {strides = array<i32>} : memref<128x128xf32, #tpu.memory_space<vmem>>, vector<1x16xf32>,
        %swap3A_119 = vector.shape_cast %swap3A_118 : vector<1x16xf32> to vector<16xf32>
        %swap3A_120 = vector.shape_cast %broadcast_in_dim3A_114 : vector<16xf32> to vector<1x16xf32>
        tpu.vector_store %arg11[%swap3A, %swap3A_117], %swap3A_120 {strides = array<i32>} : memref<128x128xf32, #tpu.memory_space<vmem>>, vector<1x16xf32>,
        %scan3A_121 = arith.constant 0 : i32
        scf.yield %scan3A_121 : i32
      }
      %scan3A_110 = arith.constant 8 : i32
      %scan3A_111 = arith.constant 0 : i32
      scf.yield %scan3A_111 : i32
    }
    %scan3A_6 = arith.constant 128 : i32
    %scan3A_7 = arith.constant 0 : i32
    %scan3A_8 = arith.constant 0 : i32
    %scan3A_9 = arith.constant 4 : i32
    %scan3A_10 = arith.addi %scan3A_8, %scan3A_9 : i32
    %scan3A_11 = arith.constant 1 : i32
    %scan3A_12 = scf.for %scan3A_102 = %scan3A_8 to %scan3A_10 step %scan3A_11 iter_args(%scan3A_103 = %scan3A_7) -> (i32)  : i32 {
      %mul3A_104 = arith.constant 632 : i32
      %mul3A_105 = arith.muli %arg1, %mul3A_104 : i32
      %mul3A_106 = arith.constant 128 : i32
      %mul3A_107 = arith.muli %scan3A_102, %mul3A_106 : i32
      %add3A_108 = arith.addi %mul3A_105, %mul3A_107 : i32
      "tpu.region"() ({
        %run_scoped3A = tpu.sem_alloc : memref<!tpu.dma_semaphore, #tpu.memory_space<semaphore_mem>>
        %dma_start3A_110 = arith.constant 0 : i32
        %dma_start3A_111 = tpu.memref_slice %arg14[%add3A_108, %dma_start3A_110] : memref<10112x128xf32, #tpu.memory_space<vmem_shared>> -> memref<128x128xf32, #tpu.memory_space<vmem_shared>>
        %dma_start3A_112 = arith.constant 0 : i32
        %dma_start3A_113 = tpu.memref_slice %arg14[%add3A_108, %dma_start3A_112] : memref<10112x128xf32, #tpu.memory_space<vmem_shared>> -> memref<128x128xf32, #tpu.memory_space<vmem_shared>>
        tpu.enqueue_dma source(%arg11 : memref<128x128xf32, #tpu.memory_space<vmem>>) target(%dma_start3A_113 : memref<128x128xf32, #tpu.memory_space<vmem_shared>>) target_semaphore(%run_scoped3A : memref<!tpu.dma_semaphore, #tpu.memory_space<semaphore_mem>>)
        %dma_wait3A_114 = arith.constant 0 : i32
        %dma_wait3A_115 = tpu.memref_slice %arg14[%add3A_108, %dma_wait3A_114] : memref<10112x128xf32, #tpu.memory_space<vmem_shared>> -> memref<128x128xf32, #tpu.memory_space<vmem_shared>>
        %dma_wait3A_116 = arith.constant 0 : i32
        %dma_wait3A_117 = tpu.memref_slice %arg14[%add3A_108, %dma_wait3A_116] : memref<10112x128xf32, #tpu.memory_space<vmem_shared>> -> memref<128x128xf32, #tpu.memory_space<vmem_shared>>
        tpu.wait_dma2 semaphore(%run_scoped3A : memref<!tpu.dma_semaphore, #tpu.memory_space<semaphore_mem>>) src(%arg11 : memref<128x128xf32, #tpu.memory_space<vmem>>) dst(%dma_wait3A_117 : memref<128x128xf32, #tpu.memory_space<vmem_shared>>)
        tpu.yield
      }) : () -> ()
      %scan3A_109 = arith.constant 0 : i32
      scf.yield %scan3A_109 : i32
    }
    %scan3A_13 = arith.constant 4 : i32
    %mul3A_14 = arith.constant 632 : i32
    %mul3A_15 = arith.muli %arg1, %mul3A_14 : i32
    %add3A_16 = arith.constant 512 : i32
    %add3A_17 = arith.addi %mul3A_15, %add3A_16 : i32
    "tpu.region"() ({
      %run_scoped3A = tpu.sem_alloc : memref<!tpu.dma_semaphore, #tpu.memory_space<semaphore_mem>>
      %dma_start3A_102 = arith.constant 0 : i32
      %dma_start3A_103 = arith.constant 0 : i32
      %dma_start3A_104 = tpu.memref_slice %arg11[%dma_start3A_102, %dma_start3A_103] : memref<128x128xf32, #tpu.memory_space<vmem>> -> memref<120x128xf32, #tpu.memory_space<vmem>>
      %dma_start3A_105 = arith.constant 0 : i32
      %dma_start3A_106 = tpu.memref_slice %arg14[%add3A_17, %dma_start3A_105] : memref<10112x128xf32, #tpu.memory_space<vmem_shared>> -> memref<120x128xf32, #tpu.memory_space<vmem_shared>>
      %dma_start3A_107 = arith.constant 0 : i32
      %dma_start3A_108 = tpu.memref_slice %arg14[%add3A_17, %dma_start3A_107] : memref<10112x128xf32, #tpu.memory_space<vmem_shared>> -> memref<120x128xf32, #tpu.memory_space<vmem_shared>>
      %dma_start3A_109 = arith.constant 0 : i32
      %dma_start3A_110 = arith.constant 0 : i32
      %dma_start3A_111 = tpu.memref_slice %arg11[%dma_start3A_109, %dma_start3A_110] : memref<128x128xf32, #tpu.memory_space<vmem>> -> memref<120x128xf32, #tpu.memory_space<vmem>>
      tpu.enqueue_dma source(%dma_start3A_111 : memref<120x128xf32, #tpu.memory_space<vmem>>) target(%dma_start3A_108 : memref<120x128xf32, #tpu.memory_space<vmem_shared>>) target_semaphore(%run_scoped3A : memref<!tpu.dma_semaphore, #tpu.memory_space<semaphore_mem>>)
      %dma_wait3A_112 = arith.constant 0 : i32
      %dma_wait3A_113 = arith.constant 0 : i32
      %dma_wait3A_114 = tpu.memref_slice %arg11[%dma_wait3A_112, %dma_wait3A_113] : memref<128x128xf32, #tpu.memory_space<vmem>> -> memref<120x128xf32, #tpu.memory_space<vmem>>
      %dma_wait3A_115 = arith.constant 0 : i32
      %dma_wait3A_116 = tpu.memref_slice %arg14[%add3A_17, %dma_wait3A_115] : memref<10112x128xf32, #tpu.memory_space<vmem_shared>> -> memref<120x128xf32, #tpu.memory_space<vmem_shared>>
      %dma_wait3A_117 = arith.constant 0 : i32
      %dma_wait3A_118 = tpu.memref_slice %arg14[%add3A_17, %dma_wait3A_117] : memref<10112x128xf32, #tpu.memory_space<vmem_shared>> -> memref<120x128xf32, #tpu.memory_space<vmem_shared>>
      %dma_wait3A_119 = arith.constant 0 : i32
      %dma_wait3A_120 = arith.constant 0 : i32
      %dma_wait3A_121 = tpu.memref_slice %arg11[%dma_wait3A_119, %dma_wait3A_120] : memref<128x128xf32, #tpu.memory_space<vmem>> -> memref<120x128xf32, #tpu.memory_space<vmem>>
      tpu.wait_dma2 semaphore(%run_scoped3A : memref<!tpu.dma_semaphore, #tpu.memory_space<semaphore_mem>>) src(%dma_wait3A_121 : memref<120x128xf32, #tpu.memory_space<vmem>>) dst(%dma_wait3A_118 : memref<120x128xf32, #tpu.memory_space<vmem_shared>>)
      tpu.yield
    }) : () -> ()
    %mul3A_18 = arith.constant 128 : i32
    %mul3A_19 = arith.muli %add3A, %mul3A_18 : i32
    %dma_start3A = arith.constant 0 : i32
    %dma_start3A_20 = tpu.memref_slice %arg3[%dma_start3A, %mul3A_19] : memref<2x320000xi32, #tpu.memory_space<hbm>> -> memref<1x128xi32, #tpu.memory_space<hbm>>
    %dma_start3A_21 = tpu.memref_squeeze %dma_start3A_20 : memref<1x128xi32, #tpu.memory_space<hbm>> -> memref<128xi32, #tpu.memory_space<hbm>>
    %dma_start3A_22 = tpu.memref_slice %arg3[%dma_start3A, %mul3A_19] : memref<2x320000xi32, #tpu.memory_space<hbm>> -> memref<1x128xi32, #tpu.memory_space<hbm>>
    %dma_start3A_23 = tpu.memref_squeeze %dma_start3A_22 : memref<1x128xi32, #tpu.memory_space<hbm>> -> memref<128xi32, #tpu.memory_space<hbm>>
    tpu.enqueue_dma source(%dma_start3A_23 : memref<128xi32, #tpu.memory_space<hbm>>) target(%arg5 : memref<128xi32, #tpu.memory_space<vmem>>) target_semaphore(%arg15 : memref<!tpu.dma_semaphore, #tpu.memory_space<semaphore_mem>>)
    %dma_start3A_24 = arith.constant 1 : i32
    %dma_start3A_25 = tpu.memref_slice %arg3[%dma_start3A_24, %mul3A_19] : memref<2x320000xi32, #tpu.memory_space<hbm>> -> memref<1x128xi32, #tpu.memory_space<hbm>>
    %dma_start3A_26 = tpu.memref_squeeze %dma_start3A_25 : memref<1x128xi32, #tpu.memory_space<hbm>> -> memref<128xi32, #tpu.memory_space<hbm>>
    %dma_start3A_27 = tpu.memref_slice %arg3[%dma_start3A_24, %mul3A_19] : memref<2x320000xi32, #tpu.memory_space<hbm>> -> memref<1x128xi32, #tpu.memory_space<hbm>>
    %dma_start3A_28 = tpu.memref_squeeze %dma_start3A_27 : memref<1x128xi32, #tpu.memory_space<hbm>> -> memref<128xi32, #tpu.memory_space<hbm>>
    tpu.enqueue_dma source(%dma_start3A_28 : memref<128xi32, #tpu.memory_space<hbm>>) target(%arg8 : memref<128xi32, #tpu.memory_space<vmem>>) target_semaphore(%arg15 : memref<!tpu.dma_semaphore, #tpu.memory_space<semaphore_mem>>)
    %add3A_29 = arith.constant 32 : i32
    %add3A_30 = arith.addi %add3A, %add3A_29 : i32
    %mul3A_31 = arith.constant 128 : i32
    %mul3A_32 = arith.muli %add3A_30, %mul3A_31 : i32
    %dma_start3A_33 = arith.constant 0 : i32
    %dma_start3A_34 = tpu.memref_slice %arg3[%dma_start3A_33, %mul3A_32] : memref<2x320000xi32, #tpu.memory_space<hbm>> -> memref<1x128xi32, #tpu.memory_space<hbm>>
    %dma_start3A_35 = tpu.memref_squeeze %dma_start3A_34 : memref<1x128xi32, #tpu.memory_space<hbm>> -> memref<128xi32, #tpu.memory_space<hbm>>
    %dma_start3A_36 = tpu.memref_slice %arg3[%dma_start3A_33, %mul3A_32] : memref<2x320000xi32, #tpu.memory_space<hbm>> -> memref<1x128xi32, #tpu.memory_space<hbm>>
    %dma_start3A_37 = tpu.memref_squeeze %dma_start3A_36 : memref<1x128xi32, #tpu.memory_space<hbm>> -> memref<128xi32, #tpu.memory_space<hbm>>
    tpu.enqueue_dma source(%dma_start3A_37 : memref<128xi32, #tpu.memory_space<hbm>>) target(%arg6 : memref<128xi32, #tpu.memory_space<vmem>>) target_semaphore(%arg16 : memref<!tpu.dma_semaphore, #tpu.memory_space<semaphore_mem>>)
    %dma_start3A_38 = arith.constant 1 : i32
    %dma_start3A_39 = tpu.memref_slice %arg3[%dma_start3A_38, %mul3A_32] : memref<2x320000xi32, #tpu.memory_space<hbm>> -> memref<1x128xi32, #tpu.memory_space<hbm>>
    %dma_start3A_40 = tpu.memref_squeeze %dma_start3A_39 : memref<1x128xi32, #tpu.memory_space<hbm>> -> memref<128xi32, #tpu.memory_space<hbm>>
    %dma_start3A_41 = tpu.memref_slice %arg3[%dma_start3A_38, %mul3A_32] : memref<2x320000xi32, #tpu.memory_space<hbm>> -> memref<1x128xi32, #tpu.memory_space<hbm>>
    %dma_start3A_42 = tpu.memref_squeeze %dma_start3A_41 : memref<1x128xi32, #tpu.memory_space<hbm>> -> memref<128xi32, #tpu.memory_space<hbm>>
    tpu.enqueue_dma source(%dma_start3A_42 : memref<128xi32, #tpu.memory_space<hbm>>) target(%arg9 : memref<128xi32, #tpu.memory_space<vmem>>) target_semaphore(%arg16 : memref<!tpu.dma_semaphore, #tpu.memory_space<semaphore_mem>>)
    %dma_wait3A = arith.constant 0 : i32
    %dma_wait3A_43 = arith.constant 0 : i32
    %dma_wait3A_44 = tpu.memref_slice %arg3[%dma_wait3A, %dma_wait3A_43] : memref<2x320000xi32, #tpu.memory_space<hbm>> -> memref<1x128xi32, #tpu.memory_space<hbm>>
    %dma_wait3A_45 = tpu.memref_squeeze %dma_wait3A_44 : memref<1x128xi32, #tpu.memory_space<hbm>> -> memref<128xi32, #tpu.memory_space<hbm>>
    %dma_wait3A_46 = arith.constant 0 : i32
    %dma_wait3A_47 = tpu.memref_slice %arg3[%dma_wait3A, %dma_wait3A_46] : memref<2x320000xi32, #tpu.memory_space<hbm>> -> memref<1x128xi32, #tpu.memory_space<hbm>>
    %dma_wait3A_48 = tpu.memref_squeeze %dma_wait3A_47 : memref<1x128xi32, #tpu.memory_space<hbm>> -> memref<128xi32, #tpu.memory_space<hbm>>
    tpu.wait_dma2 semaphore(%arg15 : memref<!tpu.dma_semaphore, #tpu.memory_space<semaphore_mem>>) src(%dma_wait3A_48 : memref<128xi32, #tpu.memory_space<hbm>>) dst(%arg5 : memref<128xi32, #tpu.memory_space<vmem>>)
    %dma_wait3A_49 = arith.constant 1 : i32
    %dma_wait3A_50 = arith.constant 0 : i32
    %dma_wait3A_51 = tpu.memref_slice %arg3[%dma_wait3A_49, %dma_wait3A_50] : memref<2x320000xi32, #tpu.memory_space<hbm>> -> memref<1x128xi32, #tpu.memory_space<hbm>>
    %dma_wait3A_52 = tpu.memref_squeeze %dma_wait3A_51 : memref<1x128xi32, #tpu.memory_space<hbm>> -> memref<128xi32, #tpu.memory_space<hbm>>
    %dma_wait3A_53 = arith.constant 0 : i32
    %dma_wait3A_54 = tpu.memref_slice %arg3[%dma_wait3A_49, %dma_wait3A_53] : memref<2x320000xi32, #tpu.memory_space<hbm>> -> memref<1x128xi32, #tpu.memory_space<hbm>>
    %dma_wait3A_55 = tpu.memref_squeeze %dma_wait3A_54 : memref<1x128xi32, #tpu.memory_space<hbm>> -> memref<128xi32, #tpu.memory_space<hbm>>
    tpu.wait_dma2 semaphore(%arg15 : memref<!tpu.dma_semaphore, #tpu.memory_space<semaphore_mem>>) src(%dma_wait3A_55 : memref<128xi32, #tpu.memory_space<hbm>>) dst(%arg8 : memref<128xi32, #tpu.memory_space<vmem>>)
    %dma_start3A_56 = arith.constant 0 : i32
    %dma_start3A_57 = arith.constant 0 : i32
    %dma_start3A_58 = tpu.memref_slice %arg2[%dma_start3A_56, %dma_start3A_57] : memref<10000x128xf32, #tpu.memory_space<hbm>> -> memref<10000x128xf32, #tpu.memory_space<hbm>>
    tpu.enqueue_indirect_dma source(%dma_start3A_58 : memref<10000x128xf32, #tpu.memory_space<hbm>>) target(%arg11 : memref<128x128xf32, #tpu.memory_space<vmem>>) offsets(%arg5 : memref<128xi32, #tpu.memory_space<vmem>>) semaphore(%arg18 : memref<!tpu.dma_semaphore, #tpu.memory_space<semaphore_mem>>)
    %add3A_59 = arith.constant 64 : i32
    %add3A_60 = arith.addi %add3A, %add3A_59 : i32
    %mul3A_61 = arith.constant 128 : i32
    %mul3A_62 = arith.muli %add3A_60, %mul3A_61 : i32
    %dma_start3A_63 = arith.constant 0 : i32
    %dma_start3A_64 = tpu.memref_slice %arg3[%dma_start3A_63, %mul3A_62] : memref<2x320000xi32, #tpu.memory_space<hbm>> -> memref<1x128xi32, #tpu.memory_space<hbm>>
    %dma_start3A_65 = tpu.memref_squeeze %dma_start3A_64 : memref<1x128xi32, #tpu.memory_space<hbm>> -> memref<128xi32, #tpu.memory_space<hbm>>
    %dma_start3A_66 = tpu.memref_slice %arg3[%dma_start3A_63, %mul3A_62] : memref<2x320000xi32, #tpu.memory_space<hbm>> -> memref<1x128xi32, #tpu.memory_space<hbm>>
    %dma_start3A_67 = tpu.memref_squeeze %dma_start3A_66 : memref<1x128xi32, #tpu.memory_space<hbm>> -> memref<128xi32, #tpu.memory_space<hbm>>
    tpu.enqueue_dma source(%dma_start3A_67 : memref<128xi32, #tpu.memory_space<hbm>>) target(%arg7 : memref<128xi32, #tpu.memory_space<vmem>>) target_semaphore(%arg17 : memref<!tpu.dma_semaphore, #tpu.memory_space<semaphore_mem>>)
    %dma_start3A_68 = arith.constant 1 : i32
    %dma_start3A_69 = tpu.memref_slice %arg3[%dma_start3A_68, %mul3A_62] : memref<2x320000xi32, #tpu.memory_space<hbm>> -> memref<1x128xi32, #tpu.memory_space<hbm>>
    %dma_start3A_70 = tpu.memref_squeeze %dma_start3A_69 : memref<1x128xi32, #tpu.memory_space<hbm>> -> memref<128xi32, #tpu.memory_space<hbm>>
    %dma_start3A_71 = tpu.memref_slice %arg3[%dma_start3A_68, %mul3A_62] : memref<2x320000xi32, #tpu.memory_space<hbm>> -> memref<1x128xi32, #tpu.memory_space<hbm>>
    %dma_start3A_72 = tpu.memref_squeeze %dma_start3A_71 : memref<1x128xi32, #tpu.memory_space<hbm>> -> memref<128xi32, #tpu.memory_space<hbm>>
    tpu.enqueue_dma source(%dma_start3A_72 : memref<128xi32, #tpu.memory_space<hbm>>) target(%arg10 : memref<128xi32, #tpu.memory_space<vmem>>) target_semaphore(%arg17 : memref<!tpu.dma_semaphore, #tpu.memory_space<semaphore_mem>>)
    %dma_wait3A_73 = arith.constant 0 : i32
    %dma_wait3A_74 = arith.constant 0 : i32
    %dma_wait3A_75 = tpu.memref_slice %arg3[%dma_wait3A_73, %dma_wait3A_74] : memref<2x320000xi32, #tpu.memory_space<hbm>> -> memref<1x128xi32, #tpu.memory_space<hbm>>
    %dma_wait3A_76 = tpu.memref_squeeze %dma_wait3A_75 : memref<1x128xi32, #tpu.memory_space<hbm>> -> memref<128xi32, #tpu.memory_space<hbm>>
    %dma_wait3A_77 = arith.constant 0 : i32
    %dma_wait3A_78 = tpu.memref_slice %arg3[%dma_wait3A_73, %dma_wait3A_77] : memref<2x320000xi32, #tpu.memory_space<hbm>> -> memref<1x128xi32, #tpu.memory_space<hbm>>
    %dma_wait3A_79 = tpu.memref_squeeze %dma_wait3A_78 : memref<1x128xi32, #tpu.memory_space<hbm>> -> memref<128xi32, #tpu.memory_space<hbm>>
    tpu.wait_dma2 semaphore(%arg16 : memref<!tpu.dma_semaphore, #tpu.memory_space<semaphore_mem>>) src(%dma_wait3A_79 : memref<128xi32, #tpu.memory_space<hbm>>) dst(%arg6 : memref<128xi32, #tpu.memory_space<vmem>>)
    %dma_wait3A_80 = arith.constant 1 : i32
    %dma_wait3A_81 = arith.constant 0 : i32
    %dma_wait3A_82 = tpu.memref_slice %arg3[%dma_wait3A_80, %dma_wait3A_81] : memref<2x320000xi32, #tpu.memory_space<hbm>> -> memref<1x128xi32, #tpu.memory_space<hbm>>
    %dma_wait3A_83 = tpu.memref_squeeze %dma_wait3A_82 : memref<1x128xi32, #tpu.memory_space<hbm>> -> memref<128xi32, #tpu.memory_space<hbm>>
    %dma_wait3A_84 = arith.constant 0 : i32
    %dma_wait3A_85 = tpu.memref_slice %arg3[%dma_wait3A_80, %dma_wait3A_84] : memref<2x320000xi32, #tpu.memory_space<hbm>> -> memref<1x128xi32, #tpu.memory_space<hbm>>
    %dma_wait3A_86 = tpu.memref_squeeze %dma_wait3A_85 : memref<1x128xi32, #tpu.memory_space<hbm>> -> memref<128xi32, #tpu.memory_space<hbm>>
    tpu.wait_dma2 semaphore(%arg16 : memref<!tpu.dma_semaphore, #tpu.memory_space<semaphore_mem>>) src(%dma_wait3A_86 : memref<128xi32, #tpu.memory_space<hbm>>) dst(%arg9 : memref<128xi32, #tpu.memory_space<vmem>>)
    %dma_start3A_87 = arith.constant 0 : i32
    %dma_start3A_88 = arith.constant 0 : i32
    %dma_start3A_89 = tpu.memref_slice %arg2[%dma_start3A_87, %dma_start3A_88] : memref<10000x128xf32, #tpu.memory_space<hbm>> -> memref<10000x128xf32, #tpu.memory_space<hbm>>
    tpu.enqueue_indirect_dma source(%dma_start3A_89 : memref<10000x128xf32, #tpu.memory_space<hbm>>) target(%arg12 : memref<128x128xf32, #tpu.memory_space<vmem>>) offsets(%arg6 : memref<128xi32, #tpu.memory_space<vmem>>) semaphore(%arg19 : memref<!tpu.dma_semaphore, #tpu.memory_space<semaphore_mem>>)
    %barrier3A = arith.constant 0 : index
    tpu.barrier barrier_id(%barrier3A)
    %scan3A_90 = arith.constant 0 : i32
    %scan3A_91 = arith.constant 0 : i32
    %scan3A_92 = arith.constant 27 : i32
    %scan3A_93 = arith.addi %scan3A_91, %scan3A_92 : i32
    %scan3A_94 = arith.constant 1 : i32
    %scan3A_95 = scf.for %scan3A_102 = %scan3A_91 to %scan3A_93 step %scan3A_94 iter_args(%scan3A_103 = %scan3A_90) -> (i32)  : i32 {
      %mul3A_104 = arith.constant 3 : i32
      %mul3A_105 = arith.muli %scan3A_102, %mul3A_104 : i32
      %add3A_106 = arith.constant 0 : i32
      %add3A_107 = arith.addi %mul3A_105, %add3A_106 : i32
      %mul3A_108 = arith.constant 32 : i32
      %mul3A_109 = arith.muli %mul3A_108, %add3A_107 : i32
      %add3A_110 = arith.addi %add3A, %mul3A_109 : i32
      %lt3A = arith.constant 2500 : i32
      %lt3A_111 = arith.cmpi slt, %add3A_110, %lt3A : i32
      %convert_element_type3A = arith.extui %lt3A_111 : i1 to i32
      %cond3A = arith.constant 0 : i32
      %cond3A_112 = arith.cmpi ne, %convert_element_type3A, %cond3A : i32
      scf.if %cond3A_112 {
        %dma_wait3A_138 = arith.constant 0 : i32
        %dma_wait3A_139 = arith.constant 0 : i32
        %dma_wait3A_140 = tpu.memref_slice %arg2[%dma_wait3A_138, %dma_wait3A_139] : memref<10000x128xf32, #tpu.memory_space<hbm>> -> memref<128x128xf32, #tpu.memory_space<hbm>>
        %dma_wait3A_141 = arith.constant 0 : i32
        %dma_wait3A_142 = arith.constant 0 : i32
        %dma_wait3A_143 = tpu.memref_slice %arg2[%dma_wait3A_141, %dma_wait3A_142] : memref<10000x128xf32, #tpu.memory_space<hbm>> -> memref<128x128xf32, #tpu.memory_space<hbm>>
        tpu.wait_dma2 semaphore(%arg18 : memref<!tpu.dma_semaphore, #tpu.memory_space<semaphore_mem>>) src(%dma_wait3A_143 : memref<128x128xf32, #tpu.memory_space<hbm>>) dst(%arg11 : memref<128x128xf32, #tpu.memory_space<vmem>>)
        %scan3A_144 = arith.constant 0 : i32
        %scan3A_145 = arith.constant 0 : i32
        %scan3A_146 = arith.constant 8 : i32
        %scan3A_147 = arith.addi %scan3A_145, %scan3A_146 : i32
        %scan3A_148 = arith.constant 1 : i32
        %scan3A_149 = scf.for %scan3A_165 = %scan3A_145 to %scan3A_147 step %scan3A_148 iter_args(%scan3A_166 = %scan3A_144) -> (i32)  : i32 {
          %mul3A_167 = arith.constant 16 : i32
          %mul3A_168 = arith.muli %scan3A_165, %mul3A_167 : i32
          %get3A = arith.index_cast %mul3A_168 : i32 to index
          %get3A_169 = tpu.vector_load %arg5[%get3A] {strides = array<i32>} : memref<128xi32, #tpu.memory_space<vmem>>, vector<16xi32>,
          %get3A_170 = vector.shape_cast %get3A_169 : vector<16xi32> to vector<16xi32>
          %mul3A_171 = arith.constant 16 : i32
          %mul3A_172 = arith.muli %scan3A_165, %mul3A_171 : i32
          %get3A_173 = arith.index_cast %mul3A_172 : i32 to index
          %get3A_174 = tpu.vector_load %arg8[%get3A_173] {strides = array<i32>} : memref<128xi32, #tpu.memory_space<vmem>>, vector<16xi32>,
          %get3A_175 = vector.shape_cast %get3A_174 : vector<16xi32> to vector<16xi32>
          %ne3A = arith.cmpi ne, %get3A_170, %get3A_175 : vector<16xi32>
          %jit3A = arith.constant 10000 : i32
          %broadcast_in_dim3A = vector.broadcast %jit3A : i32 to vector<16xi32>
          %select_n3A = arith.select %ne3A, %get3A_175, %broadcast_in_dim3A : vector<16xi1>, vector<16xi32>
          %mul3A_176 = arith.constant 16 : i32
          %mul3A_177 = arith.muli %scan3A_165, %mul3A_176 : i32
          %swap3A = arith.index_cast %mul3A_177 : i32 to index
          %swap3A_178 = tpu.vector_load %arg8[%swap3A] {strides = array<i32>} : memref<128xi32, #tpu.memory_space<vmem>>, vector<16xi32>,
          %swap3A_179 = vector.shape_cast %swap3A_178 : vector<16xi32> to vector<16xi32>
          %swap3A_180 = vector.shape_cast %select_n3A : vector<16xi32> to vector<16xi32>
          tpu.vector_store %arg8[%swap3A], %swap3A_180 {strides = array<i32>} : memref<128xi32, #tpu.memory_space<vmem>>, vector<16xi32>,
          %scan3A_181 = arith.constant 0 : i32
          scf.yield %scan3A_181 : i32
        }
        %scan3A_150 = arith.constant 8 : i32
        "tpu.region"() ({
          %run_scoped3A = tpu.sem_alloc : memref<!tpu.dma_semaphore, #tpu.memory_space<semaphore_mem>>
          %dma_start3A_165 = arith.constant 0 : i32
          %dma_start3A_166 = arith.constant 0 : i32
          %dma_start3A_167 = tpu.memref_slice %arg14[%dma_start3A_165, %dma_start3A_166] : memref<10112x128xf32, #tpu.memory_space<vmem_shared>> -> memref<10112x128xf32, #tpu.memory_space<vmem_shared>>
          tpu.enqueue_indirect_dma source(%arg11 : memref<128x128xf32, #tpu.memory_space<vmem>>) target(%dma_start3A_167 : memref<10112x128xf32, #tpu.memory_space<vmem_shared>>) offsets(%arg8 : memref<128xi32, #tpu.memory_space<vmem>>) semaphore(%run_scoped3A : memref<!tpu.dma_semaphore, #tpu.memory_space<semaphore_mem>>) {add = true}
          %dma_wait3A_168 = arith.constant 0 : i32
          %dma_wait3A_169 = arith.constant 0 : i32
          %dma_wait3A_170 = tpu.memref_slice %arg14[%dma_wait3A_168, %dma_wait3A_169] : memref<10112x128xf32, #tpu.memory_space<vmem_shared>> -> memref<10112x128xf32, #tpu.memory_space<vmem_shared>>
          tpu.wait_indirect_dma semaphore(%run_scoped3A : memref<!tpu.dma_semaphore, #tpu.memory_space<semaphore_mem>>) src(%arg11 : memref<128x128xf32, #tpu.memory_space<vmem>>) dst(%dma_wait3A_170 : memref<10112x128xf32, #tpu.memory_space<vmem_shared>>)
          tpu.yield
        }) : () -> ()
        %add3A_151 = arith.constant 96 : i32
        %add3A_152 = arith.addi %add3A_110, %add3A_151 : i32
        %lt3A_153 = arith.constant 2500 : i32
        %lt3A_154 = arith.cmpi slt, %add3A_152, %lt3A_153 : i32
        %convert_element_type3A_155 = arith.extui %lt3A_154 : i1 to i32
        %cond3A_156 = arith.constant 0 : i32
        %cond3A_157 = arith.cmpi ne, %convert_element_type3A_155, %cond3A_156 : i32
        scf.if %cond3A_157 {
          %add3A_165 = arith.constant 96 : i32
          %add3A_166 = arith.addi %add3A_110, %add3A_165 : i32
          %mul3A_167 = arith.constant 128 : i32
          %mul3A_168 = arith.muli %add3A_166, %mul3A_167 : i32
          %dma_start3A_169 = arith.constant 0 : i32
          %dma_start3A_170 = tpu.memref_slice %arg3[%dma_start3A_169, %mul3A_168] : memref<2x320000xi32, #tpu.memory_space<hbm>> -> memref<1x128xi32, #tpu.memory_space<hbm>>
          %dma_start3A_171 = tpu.memref_squeeze %dma_start3A_170 : memref<1x128xi32, #tpu.memory_space<hbm>> -> memref<128xi32, #tpu.memory_space<hbm>>
          %dma_start3A_172 = tpu.memref_slice %arg3[%dma_start3A_169, %mul3A_168] : memref<2x320000xi32, #tpu.memory_space<hbm>> -> memref<1x128xi32, #tpu.memory_space<hbm>>
          %dma_start3A_173 = tpu.memref_squeeze %dma_start3A_172 : memref<1x128xi32, #tpu.memory_space<hbm>> -> memref<128xi32, #tpu.memory_space<hbm>>
          tpu.enqueue_dma source(%dma_start3A_173 : memref<128xi32, #tpu.memory_space<hbm>>) target(%arg5 : memref<128xi32, #tpu.memory_space<vmem>>) target_semaphore(%arg15 : memref<!tpu.dma_semaphore, #tpu.memory_space<semaphore_mem>>)
          %dma_start3A_174 = arith.constant 1 : i32
          %dma_start3A_175 = tpu.memref_slice %arg3[%dma_start3A_174, %mul3A_168] : memref<2x320000xi32, #tpu.memory_space<hbm>> -> memref<1x128xi32, #tpu.memory_space<hbm>>
          %dma_start3A_176 = tpu.memref_squeeze %dma_start3A_175 : memref<1x128xi32, #tpu.memory_space<hbm>> -> memref<128xi32, #tpu.memory_space<hbm>>
          %dma_start3A_177 = tpu.memref_slice %arg3[%dma_start3A_174, %mul3A_168] : memref<2x320000xi32, #tpu.memory_space<hbm>> -> memref<1x128xi32, #tpu.memory_space<hbm>>
          %dma_start3A_178 = tpu.memref_squeeze %dma_start3A_177 : memref<1x128xi32, #tpu.memory_space<hbm>> -> memref<128xi32, #tpu.memory_space<hbm>>
          tpu.enqueue_dma source(%dma_start3A_178 : memref<128xi32, #tpu.memory_space<hbm>>) target(%arg8 : memref<128xi32, #tpu.memory_space<vmem>>) target_semaphore(%arg15 : memref<!tpu.dma_semaphore, #tpu.memory_space<semaphore_mem>>)
        } else {
        }
        %add3A_158 = arith.constant 64 : i32
        %add3A_159 = arith.addi %add3A_110, %add3A_158 : i32
        %lt3A_160 = arith.constant 2500 : i32
        %lt3A_161 = arith.cmpi slt, %add3A_159, %lt3A_160 : i32
        %convert_element_type3A_162 = arith.extui %lt3A_161 : i1 to i32
        %cond3A_163 = arith.constant 0 : i32
        %cond3A_164 = arith.cmpi ne, %convert_element_type3A_162, %cond3A_163 : i32
        scf.if %cond3A_164 {
          %dma_wait3A_165 = arith.constant 0 : i32
          %dma_wait3A_166 = arith.constant 0 : i32
          %dma_wait3A_167 = tpu.memref_slice %arg3[%dma_wait3A_165, %dma_wait3A_166] : memref<2x320000xi32, #tpu.memory_space<hbm>> -> memref<1x128xi32, #tpu.memory_space<hbm>>
          %dma_wait3A_168 = tpu.memref_squeeze %dma_wait3A_167 : memref<1x128xi32, #tpu.memory_space<hbm>> -> memref<128xi32, #tpu.memory_space<hbm>>
          %dma_wait3A_169 = arith.constant 0 : i32
          %dma_wait3A_170 = tpu.memref_slice %arg3[%dma_wait3A_165, %dma_wait3A_169] : memref<2x320000xi32, #tpu.memory_space<hbm>> -> memref<1x128xi32, #tpu.memory_space<hbm>>
          %dma_wait3A_171 = tpu.memref_squeeze %dma_wait3A_170 : memref<1x128xi32, #tpu.memory_space<hbm>> -> memref<128xi32, #tpu.memory_space<hbm>>
          tpu.wait_dma2 semaphore(%arg17 : memref<!tpu.dma_semaphore, #tpu.memory_space<semaphore_mem>>) src(%dma_wait3A_171 : memref<128xi32, #tpu.memory_space<hbm>>) dst(%arg7 : memref<128xi32, #tpu.memory_space<vmem>>)
          %dma_wait3A_172 = arith.constant 1 : i32
          %dma_wait3A_173 = arith.constant 0 : i32
          %dma_wait3A_174 = tpu.memref_slice %arg3[%dma_wait3A_172, %dma_wait3A_173] : memref<2x320000xi32, #tpu.memory_space<hbm>> -> memref<1x128xi32, #tpu.memory_space<hbm>>
          %dma_wait3A_175 = tpu.memref_squeeze %dma_wait3A_174 : memref<1x128xi32, #tpu.memory_space<hbm>> -> memref<128xi32, #tpu.memory_space<hbm>>
          %dma_wait3A_176 = arith.constant 0 : i32
          %dma_wait3A_177 = tpu.memref_slice %arg3[%dma_wait3A_172, %dma_wait3A_176] : memref<2x320000xi32, #tpu.memory_space<hbm>> -> memref<1x128xi32, #tpu.memory_space<hbm>>
          %dma_wait3A_178 = tpu.memref_squeeze %dma_wait3A_177 : memref<1x128xi32, #tpu.memory_space<hbm>> -> memref<128xi32, #tpu.memory_space<hbm>>
          tpu.wait_dma2 semaphore(%arg17 : memref<!tpu.dma_semaphore, #tpu.memory_space<semaphore_mem>>) src(%dma_wait3A_178 : memref<128xi32, #tpu.memory_space<hbm>>) dst(%arg10 : memref<128xi32, #tpu.memory_space<vmem>>)
          %dma_start3A_179 = arith.constant 0 : i32
          %dma_start3A_180 = arith.constant 0 : i32
          %dma_start3A_181 = tpu.memref_slice %arg2[%dma_start3A_179, %dma_start3A_180] : memref<10000x128xf32, #tpu.memory_space<hbm>> -> memref<10000x128xf32, #tpu.memory_space<hbm>>
          tpu.enqueue_indirect_dma source(%dma_start3A_181 : memref<10000x128xf32, #tpu.memory_space<hbm>>) target(%arg13 : memref<128x128xf32, #tpu.memory_space<vmem>>) offsets(%arg7 : memref<128xi32, #tpu.memory_space<vmem>>) semaphore(%arg20 : memref<!tpu.dma_semaphore, #tpu.memory_space<semaphore_mem>>)
        } else {
        }
      } else {
      }
      %mul3A_113 = arith.constant 3 : i32
      %mul3A_114 = arith.muli %scan3A_102, %mul3A_113 : i32
      %add3A_115 = arith.constant 1 : i32
      %add3A_116 = arith.addi %mul3A_114, %add3A_115 : i32
      %mul3A_117 = arith.constant 32 : i32
      %mul3A_118 = arith.muli %mul3A_117, %add3A_116 : i32
      %add3A_119 = arith.addi %add3A, %mul3A_118 : i32
      %lt3A_120 = arith.constant 2500 : i32
      %lt3A_121 = arith.cmpi slt, %add3A_119, %lt3A_120 : i32
      %convert_element_type3A_122 = arith.extui %lt3A_121 : i1 to i32
      %cond3A_123 = arith.constant 0 : i32
      %cond3A_124 = arith.cmpi ne, %convert_element_type3A_122, %cond3A_123 : i32
      scf.if %cond3A_124 {
        %dma_wait3A_138 = arith.constant 0 : i32
        %dma_wait3A_139 = arith.constant 0 : i32
        %dma_wait3A_140 = tpu.memref_slice %arg2[%dma_wait3A_138, %dma_wait3A_139] : memref<10000x128xf32, #tpu.memory_space<hbm>> -> memref<128x128xf32, #tpu.memory_space<hbm>>
        %dma_wait3A_141 = arith.constant 0 : i32
        %dma_wait3A_142 = arith.constant 0 : i32
        %dma_wait3A_143 = tpu.memref_slice %arg2[%dma_wait3A_141, %dma_wait3A_142] : memref<10000x128xf32, #tpu.memory_space<hbm>> -> memref<128x128xf32, #tpu.memory_space<hbm>>
        tpu.wait_dma2 semaphore(%arg19 : memref<!tpu.dma_semaphore, #tpu.memory_space<semaphore_mem>>) src(%dma_wait3A_143 : memref<128x128xf32, #tpu.memory_space<hbm>>) dst(%arg12 : memref<128x128xf32, #tpu.memory_space<vmem>>)
        %scan3A_144 = arith.constant 0 : i32
        %scan3A_145 = arith.constant 0 : i32
        %scan3A_146 = arith.constant 8 : i32
        %scan3A_147 = arith.addi %scan3A_145, %scan3A_146 : i32
        %scan3A_148 = arith.constant 1 : i32
        %scan3A_149 = scf.for %scan3A_165 = %scan3A_145 to %scan3A_147 step %scan3A_148 iter_args(%scan3A_166 = %scan3A_144) -> (i32)  : i32 {
          %mul3A_167 = arith.constant 16 : i32
          %mul3A_168 = arith.muli %scan3A_165, %mul3A_167 : i32
          %get3A = arith.index_cast %mul3A_168 : i32 to index
          %get3A_169 = tpu.vector_load %arg6[%get3A] {strides = array<i32>} : memref<128xi32, #tpu.memory_space<vmem>>, vector<16xi32>,
          %get3A_170 = vector.shape_cast %get3A_169 : vector<16xi32> to vector<16xi32>
          %mul3A_171 = arith.constant 16 : i32
          %mul3A_172 = arith.muli %scan3A_165, %mul3A_171 : i32
          %get3A_173 = arith.index_cast %mul3A_172 : i32 to index
          %get3A_174 = tpu.vector_load %arg9[%get3A_173] {strides = array<i32>} : memref<128xi32, #tpu.memory_space<vmem>>, vector<16xi32>,
          %get3A_175 = vector.shape_cast %get3A_174 : vector<16xi32> to vector<16xi32>
          %ne3A = arith.cmpi ne, %get3A_170, %get3A_175 : vector<16xi32>
          %jit3A = arith.constant 10000 : i32
          %broadcast_in_dim3A = vector.broadcast %jit3A : i32 to vector<16xi32>
          %select_n3A = arith.select %ne3A, %get3A_175, %broadcast_in_dim3A : vector<16xi1>, vector<16xi32>
          %mul3A_176 = arith.constant 16 : i32
          %mul3A_177 = arith.muli %scan3A_165, %mul3A_176 : i32
          %swap3A = arith.index_cast %mul3A_177 : i32 to index
          %swap3A_178 = tpu.vector_load %arg9[%swap3A] {strides = array<i32>} : memref<128xi32, #tpu.memory_space<vmem>>, vector<16xi32>,
          %swap3A_179 = vector.shape_cast %swap3A_178 : vector<16xi32> to vector<16xi32>
          %swap3A_180 = vector.shape_cast %select_n3A : vector<16xi32> to vector<16xi32>
          tpu.vector_store %arg9[%swap3A], %swap3A_180 {strides = array<i32>} : memref<128xi32, #tpu.memory_space<vmem>>, vector<16xi32>,
          %scan3A_181 = arith.constant 0 : i32
          scf.yield %scan3A_181 : i32
        }
        %scan3A_150 = arith.constant 8 : i32
        "tpu.region"() ({
          %run_scoped3A = tpu.sem_alloc : memref<!tpu.dma_semaphore, #tpu.memory_space<semaphore_mem>>
          %dma_start3A_165 = arith.constant 0 : i32
          %dma_start3A_166 = arith.constant 0 : i32
          %dma_start3A_167 = tpu.memref_slice %arg14[%dma_start3A_165, %dma_start3A_166] : memref<10112x128xf32, #tpu.memory_space<vmem_shared>> -> memref<10112x128xf32, #tpu.memory_space<vmem_shared>>
          tpu.enqueue_indirect_dma source(%arg12 : memref<128x128xf32, #tpu.memory_space<vmem>>) target(%dma_start3A_167 : memref<10112x128xf32, #tpu.memory_space<vmem_shared>>) offsets(%arg9 : memref<128xi32, #tpu.memory_space<vmem>>) semaphore(%run_scoped3A : memref<!tpu.dma_semaphore, #tpu.memory_space<semaphore_mem>>) {add = true}
          %dma_wait3A_168 = arith.constant 0 : i32
          %dma_wait3A_169 = arith.constant 0 : i32
          %dma_wait3A_170 = tpu.memref_slice %arg14[%dma_wait3A_168, %dma_wait3A_169] : memref<10112x128xf32, #tpu.memory_space<vmem_shared>> -> memref<10112x128xf32, #tpu.memory_space<vmem_shared>>
          tpu.wait_indirect_dma semaphore(%run_scoped3A : memref<!tpu.dma_semaphore, #tpu.memory_space<semaphore_mem>>) src(%arg12 : memref<128x128xf32, #tpu.memory_space<vmem>>) dst(%dma_wait3A_170 : memref<10112x128xf32, #tpu.memory_space<vmem_shared>>)
          tpu.yield
        }) : () -> ()
        %add3A_151 = arith.constant 96 : i32
        %add3A_152 = arith.addi %add3A_119, %add3A_151 : i32
        %lt3A_153 = arith.constant 2500 : i32
        %lt3A_154 = arith.cmpi slt, %add3A_152, %lt3A_153 : i32
        %convert_element_type3A_155 = arith.extui %lt3A_154 : i1 to i32
        %cond3A_156 = arith.constant 0 : i32
        %cond3A_157 = arith.cmpi ne, %convert_element_type3A_155, %cond3A_156 : i32
        scf.if %cond3A_157 {
          %add3A_165 = arith.constant 96 : i32
          %add3A_166 = arith.addi %add3A_119, %add3A_165 : i32
          %mul3A_167 = arith.constant 128 : i32
          %mul3A_168 = arith.muli %add3A_166, %mul3A_167 : i32
          %dma_start3A_169 = arith.constant 0 : i32
          %dma_start3A_170 = tpu.memref_slice %arg3[%dma_start3A_169, %mul3A_168] : memref<2x320000xi32, #tpu.memory_space<hbm>> -> memref<1x128xi32, #tpu.memory_space<hbm>>
          %dma_start3A_171 = tpu.memref_squeeze %dma_start3A_170 : memref<1x128xi32, #tpu.memory_space<hbm>> -> memref<128xi32, #tpu.memory_space<hbm>>
          %dma_start3A_172 = tpu.memref_slice %arg3[%dma_start3A_169, %mul3A_168] : memref<2x320000xi32, #tpu.memory_space<hbm>> -> memref<1x128xi32, #tpu.memory_space<hbm>>
          %dma_start3A_173 = tpu.memref_squeeze %dma_start3A_172 : memref<1x128xi32, #tpu.memory_space<hbm>> -> memref<128xi32, #tpu.memory_space<hbm>>
          tpu.enqueue_dma source(%dma_start3A_173 : memref<128xi32, #tpu.memory_space<hbm>>) target(%arg6 : memref<128xi32, #tpu.memory_space<vmem>>) target_semaphore(%arg16 : memref<!tpu.dma_semaphore, #tpu.memory_space<semaphore_mem>>)
          %dma_start3A_174 = arith.constant 1 : i32
          %dma_start3A_175 = tpu.memref_slice %arg3[%dma_start3A_174, %mul3A_168] : memref<2x320000xi32, #tpu.memory_space<hbm>> -> memref<1x128xi32, #tpu.memory_space<hbm>>
          %dma_start3A_176 = tpu.memref_squeeze %dma_start3A_175 : memref<1x128xi32, #tpu.memory_space<hbm>> -> memref<128xi32, #tpu.memory_space<hbm>>
          %dma_start3A_177 = tpu.memref_slice %arg3[%dma_start3A_174, %mul3A_168] : memref<2x320000xi32, #tpu.memory_space<hbm>> -> memref<1x128xi32, #tpu.memory_space<hbm>>
          %dma_start3A_178 = tpu.memref_squeeze %dma_start3A_177 : memref<1x128xi32, #tpu.memory_space<hbm>> -> memref<128xi32, #tpu.memory_space<hbm>>
          tpu.enqueue_dma source(%dma_start3A_178 : memref<128xi32, #tpu.memory_space<hbm>>) target(%arg9 : memref<128xi32, #tpu.memory_space<vmem>>) target_semaphore(%arg16 : memref<!tpu.dma_semaphore, #tpu.memory_space<semaphore_mem>>)
        } else {
        }
        %add3A_158 = arith.constant 64 : i32
        %add3A_159 = arith.addi %add3A_119, %add3A_158 : i32
        %lt3A_160 = arith.constant 2500 : i32
        %lt3A_161 = arith.cmpi slt, %add3A_159, %lt3A_160 : i32
        %convert_element_type3A_162 = arith.extui %lt3A_161 : i1 to i32
        %cond3A_163 = arith.constant 0 : i32
        %cond3A_164 = arith.cmpi ne, %convert_element_type3A_162, %cond3A_163 : i32
        scf.if %cond3A_164 {
          %dma_wait3A_165 = arith.constant 0 : i32
          %dma_wait3A_166 = arith.constant 0 : i32
          %dma_wait3A_167 = tpu.memref_slice %arg3[%dma_wait3A_165, %dma_wait3A_166] : memref<2x320000xi32, #tpu.memory_space<hbm>> -> memref<1x128xi32, #tpu.memory_space<hbm>>
          %dma_wait3A_168 = tpu.memref_squeeze %dma_wait3A_167 : memref<1x128xi32, #tpu.memory_space<hbm>> -> memref<128xi32, #tpu.memory_space<hbm>>
          %dma_wait3A_169 = arith.constant 0 : i32
          %dma_wait3A_170 = tpu.memref_slice %arg3[%dma_wait3A_165, %dma_wait3A_169] : memref<2x320000xi32, #tpu.memory_space<hbm>> -> memref<1x128xi32, #tpu.memory_space<hbm>>
          %dma_wait3A_171 = tpu.memref_squeeze %dma_wait3A_170 : memref<1x128xi32, #tpu.memory_space<hbm>> -> memref<128xi32, #tpu.memory_space<hbm>>
          tpu.wait_dma2 semaphore(%arg15 : memref<!tpu.dma_semaphore, #tpu.memory_space<semaphore_mem>>) src(%dma_wait3A_171 : memref<128xi32, #tpu.memory_space<hbm>>) dst(%arg5 : memref<128xi32, #tpu.memory_space<vmem>>)
          %dma_wait3A_172 = arith.constant 1 : i32
          %dma_wait3A_173 = arith.constant 0 : i32
          %dma_wait3A_174 = tpu.memref_slice %arg3[%dma_wait3A_172, %dma_wait3A_173] : memref<2x320000xi32, #tpu.memory_space<hbm>> -> memref<1x128xi32, #tpu.memory_space<hbm>>
          %dma_wait3A_175 = tpu.memref_squeeze %dma_wait3A_174 : memref<1x128xi32, #tpu.memory_space<hbm>> -> memref<128xi32, #tpu.memory_space<hbm>>
          %dma_wait3A_176 = arith.constant 0 : i32
          %dma_wait3A_177 = tpu.memref_slice %arg3[%dma_wait3A_172, %dma_wait3A_176] : memref<2x320000xi32, #tpu.memory_space<hbm>> -> memref<1x128xi32, #tpu.memory_space<hbm>>
          %dma_wait3A_178 = tpu.memref_squeeze %dma_wait3A_177 : memref<1x128xi32, #tpu.memory_space<hbm>> -> memref<128xi32, #tpu.memory_space<hbm>>
          tpu.wait_dma2 semaphore(%arg15 : memref<!tpu.dma_semaphore, #tpu.memory_space<semaphore_mem>>) src(%dma_wait3A_178 : memref<128xi32, #tpu.memory_space<hbm>>) dst(%arg8 : memref<128xi32, #tpu.memory_space<vmem>>)
          %dma_start3A_179 = arith.constant 0 : i32
          %dma_start3A_180 = arith.constant 0 : i32
          %dma_start3A_181 = tpu.memref_slice %arg2[%dma_start3A_179, %dma_start3A_180] : memref<10000x128xf32, #tpu.memory_space<hbm>> -> memref<10000x128xf32, #tpu.memory_space<hbm>>
          tpu.enqueue_indirect_dma source(%dma_start3A_181 : memref<10000x128xf32, #tpu.memory_space<hbm>>) target(%arg11 : memref<128x128xf32, #tpu.memory_space<vmem>>) offsets(%arg5 : memref<128xi32, #tpu.memory_space<vmem>>) semaphore(%arg18 : memref<!tpu.dma_semaphore, #tpu.memory_space<semaphore_mem>>)
        } else {
        }
      } else {
      }
      %mul3A_125 = arith.constant 3 : i32
      %mul3A_126 = arith.muli %scan3A_102, %mul3A_125 : i32
      %add3A_127 = arith.constant 2 : i32
      %add3A_128 = arith.addi %mul3A_126, %add3A_127 : i32
      %mul3A_129 = arith.constant 32 : i32
      %mul3A_130 = arith.muli %mul3A_129, %add3A_128 : i32
      %add3A_131 = arith.addi %add3A, %mul3A_130 : i32
      %lt3A_132 = arith.constant 2500 : i32
      %lt3A_133 = arith.cmpi slt, %add3A_131, %lt3A_132 : i32
      %convert_element_type3A_134 = arith.extui %lt3A_133 : i1 to i32
      %cond3A_135 = arith.constant 0 : i32
      %cond3A_136 = arith.cmpi ne, %convert_element_type3A_134, %cond3A_135 : i32
      scf.if %cond3A_136 {
        %dma_wait3A_138 = arith.constant 0 : i32
        %dma_wait3A_139 = arith.constant 0 : i32
        %dma_wait3A_140 = tpu.memref_slice %arg2[%dma_wait3A_138, %dma_wait3A_139] : memref<10000x128xf32, #tpu.memory_space<hbm>> -> memref<128x128xf32, #tpu.memory_space<hbm>>
        %dma_wait3A_141 = arith.constant 0 : i32
        %dma_wait3A_142 = arith.constant 0 : i32
        %dma_wait3A_143 = tpu.memref_slice %arg2[%dma_wait3A_141, %dma_wait3A_142] : memref<10000x128xf32, #tpu.memory_space<hbm>> -> memref<128x128xf32, #tpu.memory_space<hbm>>
        tpu.wait_dma2 semaphore(%arg20 : memref<!tpu.dma_semaphore, #tpu.memory_space<semaphore_mem>>) src(%dma_wait3A_143 : memref<128x128xf32, #tpu.memory_space<hbm>>) dst(%arg13 : memref<128x128xf32, #tpu.memory_space<vmem>>)
        %scan3A_144 = arith.constant 0 : i32
        %scan3A_145 = arith.constant 0 : i32
        %scan3A_146 = arith.constant 8 : i32
        %scan3A_147 = arith.addi %scan3A_145, %scan3A_146 : i32
        %scan3A_148 = arith.constant 1 : i32
        %scan3A_149 = scf.for %scan3A_165 = %scan3A_145 to %scan3A_147 step %scan3A_148 iter_args(%scan3A_166 = %scan3A_144) -> (i32)  : i32 {
          %mul3A_167 = arith.constant 16 : i32
          %mul3A_168 = arith.muli %scan3A_165, %mul3A_167 : i32
          %get3A = arith.index_cast %mul3A_168 : i32 to index
          %get3A_169 = tpu.vector_load %arg7[%get3A] {strides = array<i32>} : memref<128xi32, #tpu.memory_space<vmem>>, vector<16xi32>,
          %get3A_170 = vector.shape_cast %get3A_169 : vector<16xi32> to vector<16xi32>
          %mul3A_171 = arith.constant 16 : i32
          %mul3A_172 = arith.muli %scan3A_165, %mul3A_171 : i32
          %get3A_173 = arith.index_cast %mul3A_172 : i32 to index
          %get3A_174 = tpu.vector_load %arg10[%get3A_173] {strides = array<i32>} : memref<128xi32, #tpu.memory_space<vmem>>, vector<16xi32>,
          %get3A_175 = vector.shape_cast %get3A_174 : vector<16xi32> to vector<16xi32>
          %ne3A = arith.cmpi ne, %get3A_170, %get3A_175 : vector<16xi32>
          %jit3A = arith.constant 10000 : i32
          %broadcast_in_dim3A = vector.broadcast %jit3A : i32 to vector<16xi32>
          %select_n3A = arith.select %ne3A, %get3A_175, %broadcast_in_dim3A : vector<16xi1>, vector<16xi32>
          %mul3A_176 = arith.constant 16 : i32
          %mul3A_177 = arith.muli %scan3A_165, %mul3A_176 : i32
          %swap3A = arith.index_cast %mul3A_177 : i32 to index
          %swap3A_178 = tpu.vector_load %arg10[%swap3A] {strides = array<i32>} : memref<128xi32, #tpu.memory_space<vmem>>, vector<16xi32>,
          %swap3A_179 = vector.shape_cast %swap3A_178 : vector<16xi32> to vector<16xi32>
          %swap3A_180 = vector.shape_cast %select_n3A : vector<16xi32> to vector<16xi32>
          tpu.vector_store %arg10[%swap3A], %swap3A_180 {strides = array<i32>} : memref<128xi32, #tpu.memory_space<vmem>>, vector<16xi32>,
          %scan3A_181 = arith.constant 0 : i32
          scf.yield %scan3A_181 : i32
        }
        %scan3A_150 = arith.constant 8 : i32
        "tpu.region"() ({
          %run_scoped3A = tpu.sem_alloc : memref<!tpu.dma_semaphore, #tpu.memory_space<semaphore_mem>>
          %dma_start3A_165 = arith.constant 0 : i32
          %dma_start3A_166 = arith.constant 0 : i32
          %dma_start3A_167 = tpu.memref_slice %arg14[%dma_start3A_165, %dma_start3A_166] : memref<10112x128xf32, #tpu.memory_space<vmem_shared>> -> memref<10112x128xf32, #tpu.memory_space<vmem_shared>>
          tpu.enqueue_indirect_dma source(%arg13 : memref<128x128xf32, #tpu.memory_space<vmem>>) target(%dma_start3A_167 : memref<10112x128xf32, #tpu.memory_space<vmem_shared>>) offsets(%arg10 : memref<128xi32, #tpu.memory_space<vmem>>) semaphore(%run_scoped3A : memref<!tpu.dma_semaphore, #tpu.memory_space<semaphore_mem>>) {add = true}
          %dma_wait3A_168 = arith.constant 0 : i32
          %dma_wait3A_169 = arith.constant 0 : i32
          %dma_wait3A_170 = tpu.memref_slice %arg14[%dma_wait3A_168, %dma_wait3A_169] : memref<10112x128xf32, #tpu.memory_space<vmem_shared>> -> memref<10112x128xf32, #tpu.memory_space<vmem_shared>>
          tpu.wait_indirect_dma semaphore(%run_scoped3A : memref<!tpu.dma_semaphore, #tpu.memory_space<semaphore_mem>>) src(%arg13 : memref<128x128xf32, #tpu.memory_space<vmem>>) dst(%dma_wait3A_170 : memref<10112x128xf32, #tpu.memory_space<vmem_shared>>)
          tpu.yield
        }) : () -> ()
        %add3A_151 = arith.constant 96 : i32
        %add3A_152 = arith.addi %add3A_131, %add3A_151 : i32
        %lt3A_153 = arith.constant 2500 : i32
        %lt3A_154 = arith.cmpi slt, %add3A_152, %lt3A_153 : i32
        %convert_element_type3A_155 = arith.extui %lt3A_154 : i1 to i32
        %cond3A_156 = arith.constant 0 : i32
        %cond3A_157 = arith.cmpi ne, %convert_element_type3A_155, %cond3A_156 : i32
        scf.if %cond3A_157 {
          %add3A_165 = arith.constant 96 : i32
          %add3A_166 = arith.addi %add3A_131, %add3A_165 : i32
          %mul3A_167 = arith.constant 128 : i32
          %mul3A_168 = arith.muli %add3A_166, %mul3A_167 : i32
          %dma_start3A_169 = arith.constant 0 : i32
          %dma_start3A_170 = tpu.memref_slice %arg3[%dma_start3A_169, %mul3A_168] : memref<2x320000xi32, #tpu.memory_space<hbm>> -> memref<1x128xi32, #tpu.memory_space<hbm>>
          %dma_start3A_171 = tpu.memref_squeeze %dma_start3A_170 : memref<1x128xi32, #tpu.memory_space<hbm>> -> memref<128xi32, #tpu.memory_space<hbm>>
          %dma_start3A_172 = tpu.memref_slice %arg3[%dma_start3A_169, %mul3A_168] : memref<2x320000xi32, #tpu.memory_space<hbm>> -> memref<1x128xi32, #tpu.memory_space<hbm>>
          %dma_start3A_173 = tpu.memref_squeeze %dma_start3A_172 : memref<1x128xi32, #tpu.memory_space<hbm>> -> memref<128xi32, #tpu.memory_space<hbm>>
          tpu.enqueue_dma source(%dma_start3A_173 : memref<128xi32, #tpu.memory_space<hbm>>) target(%arg7 : memref<128xi32, #tpu.memory_space<vmem>>) target_semaphore(%arg17 : memref<!tpu.dma_semaphore, #tpu.memory_space<semaphore_mem>>)
          %dma_start3A_174 = arith.constant 1 : i32
          %dma_start3A_175 = tpu.memref_slice %arg3[%dma_start3A_174, %mul3A_168] : memref<2x320000xi32, #tpu.memory_space<hbm>> -> memref<1x128xi32, #tpu.memory_space<hbm>>
          %dma_start3A_176 = tpu.memref_squeeze %dma_start3A_175 : memref<1x128xi32, #tpu.memory_space<hbm>> -> memref<128xi32, #tpu.memory_space<hbm>>
          %dma_start3A_177 = tpu.memref_slice %arg3[%dma_start3A_174, %mul3A_168] : memref<2x320000xi32, #tpu.memory_space<hbm>> -> memref<1x128xi32, #tpu.memory_space<hbm>>
          %dma_start3A_178 = tpu.memref_squeeze %dma_start3A_177 : memref<1x128xi32, #tpu.memory_space<hbm>> -> memref<128xi32, #tpu.memory_space<hbm>>
          tpu.enqueue_dma source(%dma_start3A_178 : memref<128xi32, #tpu.memory_space<hbm>>) target(%arg10 : memref<128xi32, #tpu.memory_space<vmem>>) target_semaphore(%arg17 : memref<!tpu.dma_semaphore, #tpu.memory_space<semaphore_mem>>)
        } else {
        }
        %add3A_158 = arith.constant 64 : i32
        %add3A_159 = arith.addi %add3A_131, %add3A_158 : i32
        %lt3A_160 = arith.constant 2500 : i32
        %lt3A_161 = arith.cmpi slt, %add3A_159, %lt3A_160 : i32
        %convert_element_type3A_162 = arith.extui %lt3A_161 : i1 to i32
        %cond3A_163 = arith.constant 0 : i32
        %cond3A_164 = arith.cmpi ne, %convert_element_type3A_162, %cond3A_163 : i32
        scf.if %cond3A_164 {
          %dma_wait3A_165 = arith.constant 0 : i32
          %dma_wait3A_166 = arith.constant 0 : i32
          %dma_wait3A_167 = tpu.memref_slice %arg3[%dma_wait3A_165, %dma_wait3A_166] : memref<2x320000xi32, #tpu.memory_space<hbm>> -> memref<1x128xi32, #tpu.memory_space<hbm>>
          %dma_wait3A_168 = tpu.memref_squeeze %dma_wait3A_167 : memref<1x128xi32, #tpu.memory_space<hbm>> -> memref<128xi32, #tpu.memory_space<hbm>>
          %dma_wait3A_169 = arith.constant 0 : i32
          %dma_wait3A_170 = tpu.memref_slice %arg3[%dma_wait3A_165, %dma_wait3A_169] : memref<2x320000xi32, #tpu.memory_space<hbm>> -> memref<1x128xi32, #tpu.memory_space<hbm>>
          %dma_wait3A_171 = tpu.memref_squeeze %dma_wait3A_170 : memref<1x128xi32, #tpu.memory_space<hbm>> -> memref<128xi32, #tpu.memory_space<hbm>>
          tpu.wait_dma2 semaphore(%arg16 : memref<!tpu.dma_semaphore, #tpu.memory_space<semaphore_mem>>) src(%dma_wait3A_171 : memref<128xi32, #tpu.memory_space<hbm>>) dst(%arg6 : memref<128xi32, #tpu.memory_space<vmem>>)
          %dma_wait3A_172 = arith.constant 1 : i32
          %dma_wait3A_173 = arith.constant 0 : i32
          %dma_wait3A_174 = tpu.memref_slice %arg3[%dma_wait3A_172, %dma_wait3A_173] : memref<2x320000xi32, #tpu.memory_space<hbm>> -> memref<1x128xi32, #tpu.memory_space<hbm>>
          %dma_wait3A_175 = tpu.memref_squeeze %dma_wait3A_174 : memref<1x128xi32, #tpu.memory_space<hbm>> -> memref<128xi32, #tpu.memory_space<hbm>>
          %dma_wait3A_176 = arith.constant 0 : i32
          %dma_wait3A_177 = tpu.memref_slice %arg3[%dma_wait3A_172, %dma_wait3A_176] : memref<2x320000xi32, #tpu.memory_space<hbm>> -> memref<1x128xi32, #tpu.memory_space<hbm>>
          %dma_wait3A_178 = tpu.memref_squeeze %dma_wait3A_177 : memref<1x128xi32, #tpu.memory_space<hbm>> -> memref<128xi32, #tpu.memory_space<hbm>>
          tpu.wait_dma2 semaphore(%arg16 : memref<!tpu.dma_semaphore, #tpu.memory_space<semaphore_mem>>) src(%dma_wait3A_178 : memref<128xi32, #tpu.memory_space<hbm>>) dst(%arg9 : memref<128xi32, #tpu.memory_space<vmem>>)
          %dma_start3A_179 = arith.constant 0 : i32
          %dma_start3A_180 = arith.constant 0 : i32
          %dma_start3A_181 = tpu.memref_slice %arg2[%dma_start3A_179, %dma_start3A_180] : memref<10000x128xf32, #tpu.memory_space<hbm>> -> memref<10000x128xf32, #tpu.memory_space<hbm>>
          tpu.enqueue_indirect_dma source(%dma_start3A_181 : memref<10000x128xf32, #tpu.memory_space<hbm>>) target(%arg12 : memref<128x128xf32, #tpu.memory_space<vmem>>) offsets(%arg6 : memref<128xi32, #tpu.memory_space<vmem>>) semaphore(%arg19 : memref<!tpu.dma_semaphore, #tpu.memory_space<semaphore_mem>>)
        } else {
        }
      } else {
      }
      %scan3A_137 = arith.constant 0 : i32
      scf.yield %scan3A_137 : i32
    }
    %scan3A_96 = arith.constant 27 : i32
    %barrier3A_97 = arith.constant 0 : index
    tpu.barrier barrier_id(%barrier3A_97)
    %mul3A_98 = arith.constant 632 : i32
    %mul3A_99 = arith.muli %arg1, %mul3A_98 : i32
    %mul3A_100 = arith.constant 632 : i32
    %mul3A_101 = arith.muli %arg1, %mul3A_100 : i32
    "tpu.region"() ({
      %run_scoped3A = tpu.sem_alloc : memref<!tpu.dma_semaphore, #tpu.memory_space<semaphore_mem>>
      %dma_start3A_102 = arith.constant 0 : i32
      %dma_start3A_103 = tpu.memref_slice %arg4[%arg0, %mul3A_101, %dma_start3A_102] : memref<2x10112x128xf32, #tpu.memory_space<hbm>> -> memref<1x632x128xf32, #tpu.memory_space<hbm>>
      %dma_start3A_104 = tpu.memref_squeeze %dma_start3A_103 : memref<1x632x128xf32, #tpu.memory_space<hbm>> -> memref<632x128xf32, #tpu.memory_space<hbm>>
      %dma_start3A_105 = arith.constant 0 : i32
      %dma_start3A_106 = tpu.memref_slice %arg14[%mul3A_99, %dma_start3A_105] : memref<10112x128xf32, #tpu.memory_space<vmem_shared>> -> memref<632x128xf32, #tpu.memory_space<vmem_shared>>
      tpu.enqueue_dma source(%dma_start3A_106 : memref<632x128xf32, #tpu.memory_space<vmem_shared>>) target(%dma_start3A_104 : memref<632x128xf32, #tpu.memory_space<hbm>>) target_semaphore(%run_scoped3A : memref<!tpu.dma_semaphore, #tpu.memory_space<semaphore_mem>>)
      %dma_wait3A_107 = arith.constant 0 : i32
      %dma_wait3A_108 = tpu.memref_slice %arg4[%arg0, %mul3A_101, %dma_wait3A_107] : memref<2x10112x128xf32, #tpu.memory_space<hbm>> -> memref<1x632x128xf32, #tpu.memory_space<hbm>>
      %dma_wait3A_109 = tpu.memref_squeeze %dma_wait3A_108 : memref<1x632x128xf32, #tpu.memory_space<hbm>> -> memref<632x128xf32, #tpu.memory_space<hbm>>
      %dma_wait3A_110 = arith.constant 0 : i32
      %dma_wait3A_111 = tpu.memref_slice %arg14[%mul3A_99, %dma_wait3A_110] : memref<10112x128xf32, #tpu.memory_space<vmem_shared>> -> memref<632x128xf32, #tpu.memory_space<vmem_shared>>
      tpu.wait_dma2 semaphore(%run_scoped3A : memref<!tpu.dma_semaphore, #tpu.memory_space<semaphore_mem>>) src(%dma_wait3A_111 : memref<632x128xf32, #tpu.memory_space<vmem_shared>>) dst(%dma_wait3A_109 : memref<632x128xf32, #tpu.memory_space<hbm>>)
      tpu.yield
    }) : () -> ()
    return
  }
}

module attributes {stable_mosaic.version = 14 : i64} {
  func.func @_norm_body(%arg0: i32, %arg1: memref<5000x128xf32, #tpu.memory_space<vmem>>, %arg2: memref<5000x128xf32, #tpu.memory_space<vmem>>) attributes {dimension_semantics = [#tpu.dimension_semantics<arbitrary>], iteration_bounds = array<i64: 2>, scalar_prefetch = 0 : i64, scratch_operands = 0 : i64, tpu.core_type = #tpu.core_type<tc>, window_params = [{transform_indices = @transform_0, window_bounds = array<i64: 5000, 128>}, {transform_indices = @transform_1, window_bounds = array<i64: 5000, 128>}]} {
    %get3A = arith.constant 0 : index
    %get3A_0 = arith.constant 0 : index
    %get3A_1 = vector.load %arg1[%get3A, %get3A_0] : memref<5000x128xf32, #tpu.memory_space<vmem>>, vector<5000x128xf32>
    %mul3A = arith.mulf %get3A_1, %get3A_1 : vector<5000x128xf32>
    %reduce_sum3A = arith.constant dense<0.000000e+00> : vector<5000xf32>
    %reduce_sum3A_2 = vector.multi_reduction <add>, %mul3A, %reduce_sum3A [1] : vector<5000x128xf32> to vector<5000xf32>
    %broadcast_in_dim3A = vector.shape_cast %reduce_sum3A_2 : vector<5000xf32> to vector<5000x1xf32>
    %sqrt3A = math.sqrt %broadcast_in_dim3A : vector<5000x1xf32>
    %max3A = arith.constant 9.99999996E-13 : f32
    %max3A_3 = vector.broadcast %max3A : f32 to vector<5000x1xf32>
    %max3A_4 = arith.maximumf %sqrt3A, %max3A_3 : vector<5000x1xf32>
    %div3A = vector.broadcast %max3A_4 : vector<5000x1xf32> to vector<5000x128xf32>
    %div3A_5 = arith.divf %get3A_1, %div3A : vector<5000x128xf32>
    %swap3A = arith.constant 0 : index
    %swap3A_6 = arith.constant 0 : index
    %swap3A_7 = vector.load %arg2[%swap3A, %swap3A_6] : memref<5000x128xf32, #tpu.memory_space<vmem>>, vector<5000x128xf32>
    tpu.vector_store %arg2[%swap3A, %swap3A_6], %div3A_5 {strides = array<i32>} : memref<5000x128xf32, #tpu.memory_space<vmem>>, vector<5000x128xf32>,
    return
  }
  func.func @transform_0(%arg0: i32) -> (i32, i32) {
    %c0_i32 = arith.constant 0 : i32
    %c0_i32_0 = arith.constant 0 : i32
    return %arg0, %c0_i32 : i32, i32
  }
  func.func @transform_1(%arg0: i32) -> (i32, i32) {
    %c0_i32 = arith.constant 0 : i32
    %c0_i32_0 = arith.constant 0 : i32
    return %arg0, %c0_i32 : i32, i32
  }
}

module attributes {stable_mosaic.version = 14 : i64} {
  func.func @_scale_body(%arg0: i32, %arg1: memref<5000x128xf32, #tpu.memory_space<vmem>>, %arg2: memref<2x5000x1xf32, #tpu.memory_space<vmem>>, %arg3: memref<5000x128xf32, #tpu.memory_space<vmem>>) attributes {dimension_semantics = [#tpu.dimension_semantics<arbitrary>], iteration_bounds = array<i64: 2>, scalar_prefetch = 0 : i64, scratch_operands = 0 : i64, tpu.core_type = #tpu.core_type<tc>, window_params = [{transform_indices = @transform_0, window_bounds = array<i64: 5000, 128>}, {transform_indices = @transform_1, window_bounds = array<i64: 2, 5000, 1>}, {transform_indices = @transform_2, window_bounds = array<i64: 5000, 128>}]} {
    %get3A = arith.constant 0 : index
    %get3A_0 = arith.constant 0 : index
    %get3A_1 = arith.constant 0 : index
    %get3A_2 = vector.load %arg2[%get3A, %get3A_0, %get3A_1] : memref<2x5000x1xf32, #tpu.memory_space<vmem>>, vector<1x5000x1xf32>
    %get3A_3 = vector.shape_cast %get3A_2 : vector<1x5000x1xf32> to vector<5000x1xf32>
    %get3A_4 = arith.constant 1 : index
    %get3A_5 = arith.constant 0 : index
    %get3A_6 = arith.constant 0 : index
    %get3A_7 = vector.load %arg2[%get3A_4, %get3A_5, %get3A_6] : memref<2x5000x1xf32, #tpu.memory_space<vmem>>, vector<1x5000x1xf32>
    %get3A_8 = vector.shape_cast %get3A_7 : vector<1x5000x1xf32> to vector<5000x1xf32>
    %add3A = arith.addf %get3A_3, %get3A_8 : vector<5000x1xf32>
    %rsqrt3A = math.rsqrt %add3A : vector<5000x1xf32>
    %get3A_9 = arith.constant 0 : index
    %get3A_10 = arith.constant 0 : index
    %get3A_11 = vector.load %arg1[%get3A_9, %get3A_10] : memref<5000x128xf32, #tpu.memory_space<vmem>>, vector<5000x128xf32>
    %mul3A = vector.broadcast %rsqrt3A : vector<5000x1xf32> to vector<5000x128xf32>
    %mul3A_12 = arith.mulf %mul3A, %get3A_11 : vector<5000x128xf32>
    %swap3A = arith.constant 0 : index
    %swap3A_13 = arith.constant 0 : index
    %swap3A_14 = vector.load %arg3[%swap3A, %swap3A_13] : memref<5000x128xf32, #tpu.memory_space<vmem>>, vector<5000x128xf32>
    tpu.vector_store %arg3[%swap3A, %swap3A_13], %mul3A_12 {strides = array<i32>} : memref<5000x128xf32, #tpu.memory_space<vmem>>, vector<5000x128xf32>,
    return
  }
  func.func @transform_0(%arg0: i32) -> (i32, i32) {
    %c0_i32 = arith.constant 0 : i32
    %c0_i32_0 = arith.constant 0 : i32
    return %arg0, %c0_i32 : i32, i32
  }
  func.func @transform_1(%arg0: i32) -> (i32, i32, i32) {
    %c0_i32 = arith.constant 0 : i32
    %c0_i32_0 = arith.constant 0 : i32
    %c0_i32_1 = arith.constant 0 : i32
    return %c0_i32, %arg0, %c0_i32_0 : i32, i32, i32
  }
  func.func @transform_2(%arg0: i32) -> (i32, i32) {
    %c0_i32 = arith.constant 0 : i32
    %c0_i32_0 = arith.constant 0 : i32
    return %arg0, %c0_i32 : i32, i32
  }
}

module attributes {stable_mosaic.version = 14 : i64} {
  func.func @_combine_mid_body(%arg0: i32, %arg1: memref<2x5000x128xf32, #tpu.memory_space<vmem>>, %arg2: memref<2x5000x1xf32, #tpu.memory_space<vmem>>, %arg3: memref<5000x128xf32, #tpu.memory_space<vmem>>, %arg4: memref<5000x128xf32, #tpu.memory_space<vmem>>, %arg5: memref<5000x128xf32, #tpu.memory_space<vmem>>) attributes {dimension_semantics = [#tpu.dimension_semantics<arbitrary>], iteration_bounds = array<i64: 2>, scalar_prefetch = 0 : i64, scratch_operands = 0 : i64, tpu.core_type = #tpu.core_type<tc>, window_params = [{transform_indices = @transform_0, window_bounds = array<i64: 2, 5000, 128>}, {transform_indices = @transform_1, window_bounds = array<i64: 2, 5000, 1>}, {transform_indices = @transform_2, window_bounds = array<i64: 5000, 128>}, {transform_indices = @transform_3, window_bounds = array<i64: 5000, 128>}, {transform_indices = @transform_4, window_bounds = array<i64: 5000, 128>}]} {
    %get3A = arith.constant 0 : index
    %get3A_0 = arith.constant 0 : index
    %get3A_1 = arith.constant 0 : index
    %get3A_2 = vector.load %arg2[%get3A, %get3A_0, %get3A_1] : memref<2x5000x1xf32, #tpu.memory_space<vmem>>, vector<1x5000x1xf32>
    %get3A_3 = vector.shape_cast %get3A_2 : vector<1x5000x1xf32> to vector<5000x1xf32>
    %get3A_4 = arith.constant 1 : index
    %get3A_5 = arith.constant 0 : index
    %get3A_6 = arith.constant 0 : index
    %get3A_7 = vector.load %arg2[%get3A_4, %get3A_5, %get3A_6] : memref<2x5000x1xf32, #tpu.memory_space<vmem>>, vector<1x5000x1xf32>
    %get3A_8 = vector.shape_cast %get3A_7 : vector<1x5000x1xf32> to vector<5000x1xf32>
    %add3A = arith.addf %get3A_3, %get3A_8 : vector<5000x1xf32>
    %rsqrt3A = math.rsqrt %add3A : vector<5000x1xf32>
    %get3A_9 = arith.constant 0 : index
    %get3A_10 = arith.constant 0 : index
    %get3A_11 = arith.constant 0 : index
    %get3A_12 = vector.load %arg1[%get3A_9, %get3A_10, %get3A_11] : memref<2x5000x128xf32, #tpu.memory_space<vmem>>, vector<1x5000x128xf32>
    %get3A_13 = vector.shape_cast %get3A_12 : vector<1x5000x128xf32> to vector<5000x128xf32>
    %get3A_14 = arith.constant 1 : index
    %get3A_15 = arith.constant 0 : index
    %get3A_16 = arith.constant 0 : index
    %get3A_17 = vector.load %arg1[%get3A_14, %get3A_15, %get3A_16] : memref<2x5000x128xf32, #tpu.memory_space<vmem>>, vector<1x5000x128xf32>
    %get3A_18 = vector.shape_cast %get3A_17 : vector<1x5000x128xf32> to vector<5000x128xf32>
    %add3A_19 = arith.addf %get3A_13, %get3A_18 : vector<5000x128xf32>
    %mul3A = vector.broadcast %rsqrt3A : vector<5000x1xf32> to vector<5000x128xf32>
    %mul3A_20 = arith.mulf %mul3A, %add3A_19 : vector<5000x128xf32>
    %get3A_21 = arith.constant 0 : index
    %get3A_22 = arith.constant 0 : index
    %get3A_23 = vector.load %arg3[%get3A_21, %get3A_22] : memref<5000x128xf32, #tpu.memory_space<vmem>>, vector<5000x128xf32>
    %add3A_24 = arith.addf %get3A_23, %mul3A_20 : vector<5000x128xf32>
    %swap3A = arith.constant 0 : index
    %swap3A_25 = arith.constant 0 : index
    %swap3A_26 = vector.load %arg4[%swap3A, %swap3A_25] : memref<5000x128xf32, #tpu.memory_space<vmem>>, vector<5000x128xf32>
    tpu.vector_store %arg4[%swap3A, %swap3A_25], %add3A_24 {strides = array<i32>} : memref<5000x128xf32, #tpu.memory_space<vmem>>, vector<5000x128xf32>,
    %mul3A_27 = vector.broadcast %rsqrt3A : vector<5000x1xf32> to vector<5000x128xf32>
    %mul3A_28 = arith.mulf %mul3A_27, %mul3A_20 : vector<5000x128xf32>
    %swap3A_29 = arith.constant 0 : index
    %swap3A_30 = arith.constant 0 : index
    %swap3A_31 = vector.load %arg5[%swap3A_29, %swap3A_30] : memref<5000x128xf32, #tpu.memory_space<vmem>>, vector<5000x128xf32>
    tpu.vector_store %arg5[%swap3A_29, %swap3A_30], %mul3A_28 {strides = array<i32>} : memref<5000x128xf32, #tpu.memory_space<vmem>>, vector<5000x128xf32>,
    return
  }
  func.func @transform_0(%arg0: i32) -> (i32, i32, i32) {
    %c0_i32 = arith.constant 0 : i32
    %c0_i32_0 = arith.constant 0 : i32
    %c0_i32_1 = arith.constant 0 : i32
    return %c0_i32, %arg0, %c0_i32_0 : i32, i32, i32
  }
  func.func @transform_1(%arg0: i32) -> (i32, i32, i32) {
    %c0_i32 = arith.constant 0 : i32
    %c0_i32_0 = arith.constant 0 : i32
    %c0_i32_1 = arith.constant 0 : i32
    return %c0_i32, %arg0, %c0_i32_0 : i32, i32, i32
  }
  func.func @transform_2(%arg0: i32) -> (i32, i32) {
    %c0_i32 = arith.constant 0 : i32
    %c0_i32_0 = arith.constant 0 : i32
    return %arg0, %c0_i32 : i32, i32
  }
  func.func @transform_3(%arg0: i32) -> (i32, i32) {
    %c0_i32 = arith.constant 0 : i32
    %c0_i32_0 = arith.constant 0 : i32
    return %arg0, %c0_i32 : i32, i32
  }
  func.func @transform_4(%arg0: i32) -> (i32, i32) {
    %c0_i32 = arith.constant 0 : i32
    %c0_i32_0 = arith.constant 0 : i32
    return %arg0, %c0_i32 : i32, i32
  }
}

module attributes {stable_mosaic.version = 14 : i64} {
  func.func @_combine_fin_body(%arg0: i32, %arg1: memref<2x5000x128xf32, #tpu.memory_space<vmem>>, %arg2: memref<2x5000x1xf32, #tpu.memory_space<vmem>>, %arg3: memref<5000x128xf32, #tpu.memory_space<vmem>>, %arg4: memref<5000x128xf32, #tpu.memory_space<vmem>>) attributes {dimension_semantics = [#tpu.dimension_semantics<arbitrary>], iteration_bounds = array<i64: 2>, scalar_prefetch = 0 : i64, scratch_operands = 0 : i64, tpu.core_type = #tpu.core_type<tc>, window_params = [{transform_indices = @transform_0, window_bounds = array<i64: 2, 5000, 128>}, {transform_indices = @transform_1, window_bounds = array<i64: 2, 5000, 1>}, {transform_indices = @transform_2, window_bounds = array<i64: 5000, 128>}, {transform_indices = @transform_3, window_bounds = array<i64: 5000, 128>}]} {
    %get3A = arith.constant 0 : index
    %get3A_0 = arith.constant 0 : index
    %get3A_1 = arith.constant 0 : index
    %get3A_2 = vector.load %arg2[%get3A, %get3A_0, %get3A_1] : memref<2x5000x1xf32, #tpu.memory_space<vmem>>, vector<1x5000x1xf32>
    %get3A_3 = vector.shape_cast %get3A_2 : vector<1x5000x1xf32> to vector<5000x1xf32>
    %get3A_4 = arith.constant 1 : index
    %get3A_5 = arith.constant 0 : index
    %get3A_6 = arith.constant 0 : index
    %get3A_7 = vector.load %arg2[%get3A_4, %get3A_5, %get3A_6] : memref<2x5000x1xf32, #tpu.memory_space<vmem>>, vector<1x5000x1xf32>
    %get3A_8 = vector.shape_cast %get3A_7 : vector<1x5000x1xf32> to vector<5000x1xf32>
    %add3A = arith.addf %get3A_3, %get3A_8 : vector<5000x1xf32>
    %rsqrt3A = math.rsqrt %add3A : vector<5000x1xf32>
    %get3A_9 = arith.constant 0 : index
    %get3A_10 = arith.constant 0 : index
    %get3A_11 = vector.load %arg3[%get3A_9, %get3A_10] : memref<5000x128xf32, #tpu.memory_space<vmem>>, vector<5000x128xf32>
    %get3A_12 = arith.constant 0 : index
    %get3A_13 = arith.constant 0 : index
    %get3A_14 = arith.constant 0 : index
    %get3A_15 = vector.load %arg1[%get3A_12, %get3A_13, %get3A_14] : memref<2x5000x128xf32, #tpu.memory_space<vmem>>, vector<1x5000x128xf32>
    %get3A_16 = vector.shape_cast %get3A_15 : vector<1x5000x128xf32> to vector<5000x128xf32>
    %get3A_17 = arith.constant 1 : index
    %get3A_18 = arith.constant 0 : index
    %get3A_19 = arith.constant 0 : index
    %get3A_20 = vector.load %arg1[%get3A_17, %get3A_18, %get3A_19] : memref<2x5000x128xf32, #tpu.memory_space<vmem>>, vector<1x5000x128xf32>
    %get3A_21 = vector.shape_cast %get3A_20 : vector<1x5000x128xf32> to vector<5000x128xf32>
    %add3A_22 = arith.addf %get3A_16, %get3A_21 : vector<5000x128xf32>
    %mul3A = vector.broadcast %rsqrt3A : vector<5000x1xf32> to vector<5000x128xf32>
    %mul3A_23 = arith.mulf %mul3A, %add3A_22 : vector<5000x128xf32>
    %add3A_24 = arith.addf %get3A_11, %mul3A_23 : vector<5000x128xf32>
    %swap3A = arith.constant 0 : index
    %swap3A_25 = arith.constant 0 : index
    %swap3A_26 = vector.load %arg4[%swap3A, %swap3A_25] : memref<5000x128xf32, #tpu.memory_space<vmem>>, vector<5000x128xf32>
    tpu.vector_store %arg4[%swap3A, %swap3A_25], %add3A_24 {strides = array<i32>} : memref<5000x128xf32, #tpu.memory_space<vmem>>, vector<5000x128xf32>,
    return
  }
  func.func @transform_0(%arg0: i32) -> (i32, i32, i32) {
    %c0_i32 = arith.constant 0 : i32
    %c0_i32_0 = arith.constant 0 : i32
    %c0_i32_1 = arith.constant 0 : i32
    return %c0_i32, %arg0, %c0_i32_0 : i32, i32, i32
  }
  func.func @transform_1(%arg0: i32) -> (i32, i32, i32) {
    %c0_i32 = arith.constant 0 : i32
    %c0_i32_0 = arith.constant 0 : i32
    %c0_i32_1 = arith.constant 0 : i32
    return %c0_i32, %arg0, %c0_i32_0 : i32, i32, i32
  }
  func.func @transform_2(%arg0: i32) -> (i32, i32) {
    %c0_i32 = arith.constant 0 : i32
    %c0_i32_0 = arith.constant 0 : i32
    return %arg0, %c0_i32 : i32, i32
  }
  func.func @transform_3(%arg0: i32) -> (i32, i32) {
    %c0_i32 = arith.constant 0 : i32
    %c0_i32_0 = arith.constant 0 : i32
    return %arg0, %c0_i32 : i32, i32
  }
}

</mosaic_0001>

<sc_bundles>
// kernel: _impl.12.cloned.1.call-start
scs
__scs_entry_jumppad:
0x0: {  	(pc) =	sbr.rel $0x88, $3  }
0x1: {  	(tag) =	ssettag $0x0;
	lr =	simm.s32 $0x1  }
0x2: {  	[smem:$0x3F9E] =	sst lr;
	_ =	strace $0xD0000000  }
0x3: {  	_ = 	snop  }
0x4: {  	_ = 	snop  }
0x5: {  	_ = 	snop  }
0x6: {  	_ = 	snop  }
0x7: {  	_ = 	snop  }
__scs_overlays_trampoline_lowered:
0x8: {  	[smem:$0x3FAD] =	sst s0  }
0x9: {  	[smem:$0x3FAE] =	sst s1  }
0xa: {  	[smem:$0x3FAF] =	sst s2  }
0xb: {  	[smem:$0x3FB0] =	sst s3  }
0xc: {  	[smem:$0x3FB1] =	sst s4  }
0xd: {  	[smem:$0x3FB2] =	sst s5  }
0xe: {  	[smem:$0x3FB3] =	sst s6  }
0xf: {  	[smem:$0x3FB4] =	sst s7  }
0x10: {  	[smem:$0x3FB5] =	sst s8  }
0x11: {  	[smem:$0x3FB6] =	sst s9;
	s0 =	simm.s32 @!p0 $0x0  }
0x12: {  	s1 =	sld [smem:$0x3F9C];
	s0 =	simm.s32 @p0 $0x1  }
0x13: {  	[smem:$0x3FB7] =	sst s0;
	s0 =	simm.s32 @!p1 $0x0  }
0x14: {  	s2 =	sld [smem:$0x3F9B];
	s0 =	simm.s32 @p1 $0x1  }
0x15: {  	[smem:$0x3FB8] =	sst s0;
	s0 =	simm.s32 @!p2 $0x0  }
0x16: {  	s3 =	sld [smem:$0x3FDB];
	s0 =	simm.s32 @p2 $0x1  }
0x17: {  	s4 =	simm.s32 $0x1BF5;
	[smem:$0x3FBA] =	sst s0  }
0x18: {  	s0 =	sld [smem:$0x3F9D];
	_ =	swait.ge [sflag:s4], $0x0  }
0x19: {  	s7 =	sld [smem:$0x3F9E]  }
0x1a: {  	s8 =	sadd.s32 $0xFFFFE003, lr  }
0x1b: {  	s9 =	sadd.s32 $0xFFFFFEF7, lr;
	s5 =	simm.s32 $0xFFFFFFFF;
	p2 =	slt.u32 s8, $0xFFFFF086  }
0x1c: {  	p1 =	slt.u32 s9, $0xF7A;
	s5 =	simm.s32 @!p2 $0x0  }
0x1d: {  	s5 =	simm.s32 @p1 $0x1;
	p0 =	seq.s32 s7, s2  }
0x1e: {  	s7 =	smul.u32 @!p0 $0xF7A, s2;
	p2 =	seq.s32 @!p0 s5, $0x0  }
0x1f: {  	s9 =	smul.u32 $0xF7A, s1;
	s8 =	simm.s32 @!p0 $0x1BF5;
	p2 =	por !p2, p0  }
0x20: {  	[sflag:s8] =	ssyncset.s32 @!p0 $0xFFFFF086;
	s6 =	sadd.s32 @!p0 s3, s7;
	s7 =	simm.s32 @!p0 $0x108  }
0x21: {  	s3 =	sadd.s32 s3, s9;
	s6 =	sadd.s32 @!p0 $0x88, s6;
	s7 =	simm.s32 @p2 $0x1082  }
0x22: {  	[simem:s7], [sflag:s8] =	dma.local @!p0 [hbm:s6], $0xF7A  }
0x23: {  	s9 =	sor.u32 $0xD0000000, s2;
	s6 =	simm.s32 $0x108;
	_ =	swait.ge @!p0 [sflag:s8], $0x0  }
0x24: {  	s3 =	sadd.s32 $0x88, s3;
	s6 =	simm.s32 @!p1 $0x1082;
	[sflag:s4] =	ssyncset.s32 $0xFFFFF086  }
0x25: {  	[simem:s6], [sflag:s4] =	dma.local [hbm:s3], $0xF7A  }
0x26: {  	[smem:$0x3F9E] =	sst s1;
	(tag) =	ssettag s2;
	_ =	strace s9  }
0x27: {  	s1 =	sld [smem:$0x3FAE]  }
0x28: {  	s2 =	sld [smem:$0x3FAF]  }
0x29: {  	s4 =	sld [smem:$0x3FB1]  }
0x2a: {  	p0 =	seq.s32 s5, $0x0;
	s5 =	sld [smem:$0x3FB2]  }
0x2b: {  	s6 =	sld [smem:$0x3FB3]  }
0x2c: {  	s7 =	sld [smem:$0x3FB4]  }
0x2d: {  	s3 =	simm.s32 $0x108;
	s8 =	sld [smem:$0x3FB5]  }
0x2e: {  	s3 =	simm.s32 @!p0 $0x1082;
	s9 =	sld [smem:$0x3FB6]  }
0x2f: {  	lr =	sadd.s32 s0, s3;
	s0 =	sld [smem:$0x3FAD]  }
0x30: {  	s3 =	sld [smem:$0x3FB0]  }
0x31: {  	[smem:$0x3FB9] =	sst s10  }
0x32: {  	s10 =	sld [smem:$0x3FB7];
	_ =	sdelay $0x3  }
0x33: {  	p0 =	seq.s32 s10, $0x1;
	s10 =	sld [smem:$0x3FB9];
	_ =	sdelay $0x3  }
0x34: {  	[smem:$0x3FB9] =	sst s10  }
0x35: {  	s10 =	sld [smem:$0x3FB8];
	_ =	sdelay $0x3  }
0x36: {  	p1 =	seq.s32 s10, $0x1;
	s10 =	sld [smem:$0x3FB9];
	_ =	sdelay $0x3  }
0x37: {  	[smem:$0x3FB9] =	sst s10  }
0x38: {  	s10 =	sld [smem:$0x3FBA]  }
0x39: {  	_ = 	snop;
	(pc) =	sbr.ind lr, $3  }
0x3a: {  	_ = 	snop  }
0x3b: {  	_ = 	snop  }
0x3c: {  	p2 =	seq.s32 s10, $0x1;
	s10 =	sld [smem:$0x3FB9]  }
0x3d: {  	_ =	shalt  }
0x3e: {  	_ =	shalt  }
0x3f: {  	_ =	shalt  }
0x40: {  	_ =	shalt  }
0x41: {  	_ =	shalt  }
0x42: {  	_ =	shalt  }
0x43: {  	_ =	shalt  }
0x44: {  	_ =	shalt  }
0x45: {  	_ =	shalt  }
0x46: {  	_ =	shalt  }
0x47: {  	_ =	shalt  }
0x48: {  	_ =	shalt  }
0x49: {  	_ =	shalt  }
0x4a: {  	_ =	shalt  }
0x4b: {  	_ =	shalt  }
0x4c: {  	_ =	shalt  }
0x4d: {  	_ =	shalt  }
0x4e: {  	_ =	shalt  }
0x4f: {  	_ =	shalt  }
0x50: {  	_ =	shalt  }
0x51: {  	_ =	shalt  }
0x52: {  	_ =	shalt  }
0x53: {  	_ =	shalt  }
0x54: {  	_ =	shalt  }
0x55: {  	_ =	shalt  }
0x56: {  	_ =	shalt  }
0x57: {  	_ =	shalt  }
0x58: {  	_ =	shalt  }
0x59: {  	_ =	shalt  }
0x5a: {  	_ =	shalt  }
0x5b: {  	_ =	shalt  }
0x5c: {  	_ =	shalt  }
0x5d: {  	_ =	shalt  }
0x5e: {  	_ =	shalt  }
0x5f: {  	_ =	shalt  }
0x60: {  	_ =	shalt  }
0x61: {  	_ =	shalt  }
0x62: {  	_ =	shalt  }
0x63: {  	_ =	shalt  }
0x64: {  	_ =	shalt  }
0x65: {  	_ =	shalt  }
0x66: {  	_ =	shalt  }
0x67: {  	_ =	shalt  }
0x68: {  	_ =	shalt  }
0x69: {  	_ =	shalt  }
0x6a: {  	_ =	shalt  }
0x6b: {  	_ =	shalt  }
0x6c: {  	_ =	shalt  }
0x6d: {  	_ =	shalt  }
0x6e: {  	_ =	shalt  }
0x6f: {  	_ =	shalt  }
0x70: {  	_ =	shalt  }
0x71: {  	_ =	shalt  }
0x72: {  	_ =	shalt  }
0x73: {  	_ =	shalt  }
0x74: {  	_ =	shalt  }
0x75: {  	_ =	shalt  }
0x76: {  	_ =	shalt  }
0x77: {  	_ =	shalt  }
0x78: {  	_ =	shalt  }
0x79: {  	_ =	shalt  }
0x7a: {  	_ =	shalt  }
0x7b: {  	_ =	shalt  }
0x7c: {  	_ =	shalt  }
0x7d: {  	_ =	shalt  }
0x7e: {  	_ =	shalt  }
0x7f: {  	_ =	shalt  }
0x80: {  	_ =	shalt  }
0x81: {  	_ =	shalt  }
0x82: {  	_ =	shalt  }
0x83: {  	_ =	shalt  }
0x84: {  	_ =	shalt  }
0x85: {  	_ =	shalt  }
0x86: {  	_ =	shalt  }
0x87: {  	_ =	shalt  }
.Lfunc_end0:
.L_simem_size_0:
called_computation.1_lowered:
.L_overlay_start_0:
0x88: {  	s2 =	sld [smem:$0x3FD9]  }
0x89: {  	s3 =	sld [smem:$0x3FFE];
	_ =	sdelay $0x1  }
0x8a: {  	s1 =	srdreg.scid  }
0x8b: {  	s0 =	sand.u32 $0x1, s1  }
0x8c: {  	s14 =	sshll.u32 s0, $0xA;
	s2 =	sadd.s32 s3, s2  }
0x8d: {  	s2 =	sadd.s32 s2, s14  }
0x8e: {  	[smem:$0x3FC5] =	sst s2  }
0x8f: {  	_ = 	snop  }
0x90: {  	s2 =	sld [smem:$0x3FD0];
	_ =	sdelay $0x2  }
0x91: {  	s4 =	simm.s32 $0xA;
	s5 =	simm.s32 $0x10;
	s15 =	sld [smem:$0x3FC9]  }
0x92: {  	[smem:s5], [sflag:s4] =	dma.local [hbm:s2], $0x1  }
0x93: {  	_ =	swait.eq [sflag:s4], $0x1  }
0x94: {  	[sflag:s4] =	ssyncset.done $0x0  }
0x95: {  	[sflag:s4] =	ssyncadd.s32 $0xFFFFFFFF  }
0x96: {  	s16 =	sld [smem:$0x10];
	(tm) =	ssettm $0x1  }
0x97: {  	s17 =	sld [smem:$0x3FFB];
	_ =	sdelay $0x3  }
0x98: {  	_ =	strace s17  }
0x99: {  	s4 =	sld [smem:$0x3FFC];
	_ =	sdelay $0x3  }
0x9a: {  	_ =	strace s4  }
0x9b: {  	s4 =	sld [smem:$0x3FFD];
	_ =	sdelay $0x3  }
0x9c: {  	_ =	strace s4  }
0x9d: {  	_ =	strace $0x8FFFFFFF  }
0x9e: {  	s18 =	sld [smem:$0x3FDB];
	_ =	sdelay $0x1  }
0x9f: {  	s19 =	simm.s32 $_scs_section_size  }
0xa0: {  	s6 =	simm.s32 $_size__tile_overlayer_lowered;
	s7 =	simm.s32 $_tile_overlayer_lowered  }
0xa1: {  	s22 =	simm.s32 $0x1BFF;
	s21 =	sshll.u32 s7, $0x1;
	s4 =	sadd.s32 s19, s18  }
0xa2: {  	s8 =	simm.s32 $0x0;
	s20 =	sshll.u32 s6, $0x1;
	s6 =	sadd.s32 s21, s4  }
0xa3: {  	[timem:s8], [sflag:s22] =	dma.local [hbm:s6], s20  }
0xa4: {  	_ =	swait.ge [sflag:s22], s20  }
0xa5: {  	s5 =	ssub.s32 $0x0, s20;
	[sflag:s22] =	ssyncset.done $0x0  }
0xa6: {  	[sflag:s22] =	ssyncadd.s32 s5;
	_ =	sdelay $0x1  }
0xa7: {  	s23 =	simm.s32 $0x1B8B  }
0xa8: {  	_ =	swait.ge [sflag:s23], $0x1  }
0xa9: {  	[sflag:s23] =	ssyncset.done $0x0  }
0xaa: {  	s25 =	simm.s32 $0x1B8E;
	s24 =	sld [smem:$0x3FFE];
	[sflag:s23] =	ssyncadd.s32 $0xFFFFFFFF  }
0xab: {  	s26 =	simm.s32 $execute0_lowered;
	[smem:$0x3FD2] =	sst s25  }
0xac: {  	s6 =	sshll.u32 s26, $0x1;
	_ =	strace $0x80000049;
	[dreg:$0x1] =	wrdreg $0xFFFFFFFF  }
0xad: {  	s28 =	simm.s32 $_size_execute0_lowered;
	s4 =	sadd.s32 s4, s6;
	[dreg:$0x0] =	wrdreg $0x0  }
0xae: {  	s6 =	sshll.u32 s28, $0x1;
	[dreg:$0x2] =	wrdreg s4  }
0xaf: {  	[dreg:$0x3] =	wrdreg s6  }
0xb0: {  	[dreg:$0x4] =	wrdreg $0xC0  }
0xb1: {  	_ =	task [dreg:s8], $0x5FFFF  }
0xb2: {  	[dreg:$0x1] =	wrdreg $0xFFFFFFFF  }
0xb3: {  	[dreg:$0x0] =	wrdreg $0x60  }
0xb4: {  	[dreg:$0x2] =	wrdreg s16  }
0xb5: {  	[dreg:$0x3] =	wrdreg s15  }
0xb6: {  	[dreg:$0x4] =	wrdreg s24  }
0xb7: {  	[dreg:$0x5] =	wrdreg $0xC3000  }
0xb8: {  	[dreg:$0x6] =	wrdreg $0x9  }
0xb9: {  	_ =	task.clear_ibuf [dreg:s8], $0x7FFFF;
	_ =	strace $0x90000049  }
0xba: {  	s29 =	simm.s32 $0x9;
	_ =	strace $0x8000004B  }
0xbb: {  	_ =	swait.ge [sflag:s29], $0x1  }
0xbc: {  	[sflag:s29] =	ssyncadd.s32 $0xFFFFFFFF  }
0xbd: {  	_ =	strace $0x9000004B  }
0xbe: {  	_ =	sfence  }
0xbf: {  	s30 =	sld [smem:$0x0];
	_ =	sdelay $0x2  }
0xc0: {  	s31 =	sshll.u32 s1, $0xD;
	s1 =	sshrl.u32 s1, $0x2  }
0xc1: {  	s3 =	sand.u32 $0x4000, s31;
	s1 =	sadd.s32 s1, s30  }
0xc2: {  	s0 =	sor.u32 s3, s0;
	s1 =	sshll.u32 s1, $0x11  }
0xc3: {  	s0 =	sor.u32 s1, s0  }
0xc4: {  	s0 =	sadd.s32 $0x8F2B, s0  }
0xc5: {  	[sflag:s0] =	ssyncadd.remote.s32 $0x1  }
0xc6: {  	_ =	sfence.sel $0xFFFF  }
0xc7: {  	[dreg:$0x0] =	wrdreg $0xFFFFFFFF;
	(pc) =	sbr.abs _section_cstart, $3  }
0xc8: {  	[dreg:$0x1] =	wrdreg $0xFFFFFFFF  }
0xc9: {  	_ =	task.clear_ibuf [dreg:s8], $0x2FFFF;
	_ =	strace $0x9FFFFFFF  }
0xca: {  	(tm) =	ssettm $0x7FFFFFFF  }
0xcb: {  	_ =	shalt  }
tec
execute0_lowered:
.L_overlay_start_1:
0x0: {  	(tag) =	ssettag $0x1  }
0x1: {  	s0 =	rddreg [dreg:$0x0]  }
0x2: {  	s1 =	rddreg [dreg:$0x1]  }
0x3: {  	s2 =	srdreg.scid;
	s5 =	rddreg [dreg:$0x2]  }
0x4: {  	s11 =	stileid.u32;
	s3 =	rddreg [dreg:$0x3]  }
0x5: {  	s4 =	simm.s32 $0x0;
	s28 =	simm.s32 $0x100;
	s29 =	simm.s32 $0x280  }
0x6: {  	s30 =	simm.s32 $0x2;
	s31 =	simm.s32 $0x4300;
	s7 =	smul.u32 $0x13C00, s11  }
0x7: {  	s2 =	sand.u32 $0x1, s2;
	[smem:$0x7FF] =	sst s4;
	s8 =	smul.u32 $0x4F000, s11  }
0x8: {  	s17 =	sshll.u32 s11, $0x1;
	s6 =	smul.u32 $0x13C000, s2;
	s10 =	ssub.s32 $0x2, s2  }
0x9: {  	_ =	strace $0x8000004A;
	s18 =	sshrl.u32 s8, $0x2;
	s20 =	sshrl.u32 s10, $0x1  }
0xa: {  	s6 =	sadd.s32 s7, s6;
	s7 =	sor.u32 s2, s17;
	s8 =	ssub.s32 s10, s20  }
0xb: {  	s17 =	sshll.u32 s11, $0x6;
	s2 =	sshll.u32 s2, $0x5;
	s10 =	simm.s32 $0x0  }
0xc: {  	s6 =	sshrl.u32 s6, $0x3;
	s19 =	sshll.u32 s7, $0x5;
	s8 =	smax.u32 s8, $0x1  }
0xd: {  	s12 =	sor.u32 $0x40, s7;
	s7 =	simm.s32 $0x8300;
	s9 =	sadd.s32 s6, s5  }
0xe: {  	s5 =	sadd.s32 s18, s3;
	s6 =	sadd.s32 s1, s19;
	[dreg:$0xc] =	wrdreg s8  }
0xf: {  	s1 =	sadd.s32 s17, s1;
	s8 =	simm.s32 $0x5;
	s21 =	sadd.s32 $0x10000, s5  }
0x10: {  	s22 =	sadd.s32 $0x10, s6;
	s23 =	sadd.s32 $0x400, s6;
	[dreg:$0x5] =	wrdreg s21  }
0x11: {  	s24 =	sadd.s32 $0x410, s6;
	s25 =	sadd.s32 $0x800, s6;
	[dreg:$0x6] =	wrdreg s22  }
0x12: {  	s26 =	sadd.s32 $0x810, s6;
	s9 =	sadd.s32 $0x50600, s9;
	[dreg:$0x7] =	wrdreg s23  }
0x13: {  	s15 =	sadd.s32 $0x4000, s5;
	s16 =	sadd.s32 $0x8000, s5;
	[dreg:$0x8] =	wrdreg s24  }
.Ltmp0:
0x14: {  	s18 =	sadd.s32 $0xC000, s5;
	[dreg:$0x9] =	wrdreg s25;
	(pc) =	sbr.rel .LBB2_1-.Ltmp0, $4  }
0x15: {  	s20 =	sadd.s32 s2, s1;
	s2 =	simm.s32 $0x4;
	[dreg:$0xa] =	wrdreg s26  }
0x16: {  	s1 =	simm.s32 $0x3;
	[dreg:$0xb] =	wrdreg s9;
	s21 =	simm.s32 $0x300  }
0x17: {  	s22 =	simm.s32 $0x7;
	s23 =	simm.s32 $0x180;
	s24 =	simm.s32 $0x80  }
0x18: {  	v0 =	vimm.f32 $0.0e+00;
	s25 =	simm.s32 $0x200;
	s26 =	simm.s32 $0x1;
	s9 =	simm.s32 $0x6  }
.LBB2_20:
0x19: {  	[bflag:$0x0] =	sbarrier.arrive $0xFFFF  }
0x1a: {  	s11 =	sor.u32 $0x1C07, s17;
	s13 =	sshrl.u32 s5, $0x3;
	s14 =	rddreg [dreg:$0xb]  }
0x1b: {  	[hbm:s14], [sflag:s11] =	dma.local [spmem:s13], $0x2780  }
0x1c: {  	_ =	swait.ge [sflag:s22], $0x2780  }
0x1d: {  	s10 =	sadd.s32 $0x1, s10;
	s19 =	rddreg [dreg:$0xc]  }
0x1e: {  	p0 =	sne.s32 s10, s19  }
.Ltmp1:
0x1f: {  	_ = 	snop;
	(pc) =	sbr.rel @!p0 .LBB2_21-.Ltmp1, $3  }
0x20: {  	_ =	sdelay $0x1  }
0x21: {  	[sflag:s22] =	ssyncset.done $0x0  }
0x22: {  	[sflag:s22] =	ssyncadd.s32 $0xFFFFD880  }
.LBB2_1:
0x23: {  	s11 =	simm.s32 $0x0;
	s13 =	simm.s32 $0x200  }
.LBB2_2:
0x24: {  	p0 =	sne.s32 s13, $0xFE00;
	[tilespmem:s11+$0x370] =	vst v0  }
0x25: {  	[tilespmem:s11+$0x300] =	vst v0  }
0x26: {  	[tilespmem:s11+$0x310] =	vst v0  }
.Ltmp2:
0x27: {  	[tilespmem:s11+$0x320] =	vst v0;
	(pc) =	sbr.rel @p0 .LBB2_2-.Ltmp2, $4  }
0x28: {  	[tilespmem:s11+$0x330] =	vst v0  }
0x29: {  	[tilespmem:s11+$0x340] =	vst v0  }
0x2a: {  	[tilespmem:s11+$0x350] =	vst v0  }
0x2b: {  	[tilespmem:s11+$0x360] =	vst v0;
	s11 =	sshra.s32 s13, $0x2;
	s13 =	sadd.s32 $0x200, s13  }
0x2c: {  	[tilespmem:s11+$0x370] =	vst v0  }
0x2d: {  	[tilespmem:s11+$0x300] =	vst v0  }
0x2e: {  	[tilespmem:s11+$0x310] =	vst v0  }
0x2f: {  	[tilespmem:s11+$0x320] =	vst v0  }
0x30: {  	[tilespmem:s11+$0x330] =	vst v0  }
0x31: {  	[tilespmem:s11+$0x340] =	vst v0  }
0x32: {  	[tilespmem:s11+$0x350] =	vst v0  }
0x33: {  	[tilespmem:s11+$0x360] =	vst v0  }
0x34: {  	[spmem:s5] =	stream.linear.scatter [tilespmem:s21], [sflag:$0x7], $0x4000, $0x38;
	[tilespmem:$0x1FF00] =	vst v63  }
0x35: {  	_ =	swait.ge [sflag:s22], $0x4000  }
0x36: {  	[sflag:s22] =	ssyncset.done $0x0  }
0x37: {  	[sflag:s22] =	ssyncadd.s32 $0xFFFFC000  }
0x38: {  	[spmem:s15] =	stream.linear.scatter [tilespmem:s21], [sflag:$0x7], $0x4000, $0x38;
	[tilespmem:$0x1FF00] =	vst v63  }
0x39: {  	_ =	swait.ge [sflag:s22], $0x4000  }
0x3a: {  	[sflag:s22] =	ssyncset.done $0x0  }
0x3b: {  	[sflag:s22] =	ssyncadd.s32 $0xFFFFC000  }
0x3c: {  	[spmem:s16] =	stream.linear.scatter [tilespmem:s21], [sflag:$0x7], $0x4000, $0x38;
	[tilespmem:$0x1FF00] =	vst v63  }
0x3d: {  	_ =	swait.ge [sflag:s22], $0x4000  }
0x3e: {  	[sflag:s22] =	ssyncset.done $0x0  }
0x3f: {  	[sflag:s22] =	ssyncadd.s32 $0xFFFFC000  }
0x40: {  	[spmem:s18] =	stream.linear.scatter [tilespmem:s21], [sflag:$0x7], $0x4000, $0x38;
	[tilespmem:$0x1FF00] =	vst v63  }
0x41: {  	_ =	swait.ge [sflag:s22], $0x4000  }
0x42: {  	[sflag:s22] =	ssyncset.done $0x0  }
0x43: {  	s13 =	rddreg [dreg:$0x5];
	[sflag:s22] =	ssyncadd.s32 $0xFFFFC000  }
0x44: {  	[spmem:s13] =	stream.linear.scatter [tilespmem:s21], [sflag:$0x7], $0x3C00, $0x38;
	[tilespmem:$0x1FF00] =	vst v63  }
0x45: {  	_ =	swait.ge [sflag:s22], $0x3C00  }
0x46: {  	[sflag:s22] =	ssyncset.done $0x0  }
0x47: {  	s11 =	simm.s32 $0x0;
	[sflag:s22] =	ssyncadd.s32 $0xFFFFC400  }
0x48: {  	[tilespmem:s11], [sflag:$0x1] =	stream.linear.gather [hbm4b:s6+s11], $0x80, $0x38;
	[tilespmem:$0x1FF00] =	vst v63  }
0x49: {  	s13 =	rddreg [dreg:$0x6]  }
0x4a: {  	[tilespmem:s23], [sflag:$0x1] =	stream.linear.gather [hbm4b:s13+s11], $0x80, $0x38;
	[tilespmem:$0x1FF00] =	vst v63  }
0x4b: {  	s14 =	rddreg [dreg:$0x7]  }
0x4c: {  	[tilespmem:s24], [sflag:$0x2] =	stream.linear.gather [hbm4b:s14+s11], $0x80, $0x38;
	[tilespmem:$0x1FF00] =	vst v63  }
0x4d: {  	s19 =	rddreg [dreg:$0x8]  }
0x4e: {  	[tilespmem:s25], [sflag:$0x2] =	stream.linear.gather [hbm4b:s19+s11], $0x80, $0x38;
	[tilespmem:$0x1FF00] =	vst v63  }
0x4f: {  	_ =	swait.ge [sflag:s26], $0x80  }
0x50: {  	[sflag:s26] =	ssyncset.done $0x0  }
0x51: {  	[sflag:s26] =	ssyncadd.s32 $0xFFFFFF80  }
0x52: {  	_ =	swait.ge [sflag:s26], $0x80  }
0x53: {  	[sflag:s26] =	ssyncset.done $0x0  }
0x54: {  	[sflag:s26] =	ssyncadd.s32 $0xFFFFFF80  }
0x55: {  	[tilespmem:s21], [sflag:$0x4] =	stream.indirect.gather [hbm4b:s0+s24], $0x80, s11, s24, $0xb8;
	[tilespmem:$0x1FF00] =	vst v63  }
0x56: {  	s14 =	rddreg [dreg:$0x9]  }
0x57: {  	[tilespmem:s28], [sflag:$0x3] =	stream.linear.gather [hbm4b:s14+s11], $0x80, $0x38;
	[tilespmem:$0x1FF00] =	vst v63  }
0x58: {  	s19 =	rddreg [dreg:$0xa]  }
0x59: {  	[tilespmem:s29], [sflag:$0x3] =	stream.linear.gather [hbm4b:s19+s11], $0x80, $0x38;
	[tilespmem:$0x1FF00] =	vst v63  }
0x5a: {  	_ =	swait.ge [sflag:s30], $0x80  }
0x5b: {  	[sflag:s30] =	ssyncset.done $0x0  }
0x5c: {  	[sflag:s30] =	ssyncadd.s32 $0xFFFFFF80  }
0x5d: {  	_ =	swait.ge [sflag:s30], $0x80  }
.Ltmp3:
0x5e: {  	[sflag:s30] =	ssyncset.done $0x0;
	(pc) =	sbr.rel .LBB2_4-.Ltmp3, $4  }
0x5f: {  	[sflag:s30] =	ssyncadd.s32 $0xFFFFFF80  }
0x60: {  	[tilespmem:s31], [sflag:$0x5] =	stream.indirect.gather [hbm4b:s0+s24], $0x80, s24, s24, $0xb8;
	[tilespmem:$0x1FF00] =	vst v63  }
0x61: {  	[bflag:$0x0] =	sbarrier.arrive $0xFFFF  }
0x62: {  	s19 =	smov.u32 s12  }
.LBB2_16:
0x63: {  	s13 =	sadd.s32 s11, s20  }
0x64: {  	s14 =	sadd.s32 $0x1400, s13  }
0x65: {  	[tilespmem:s28], [sflag:$0x3] =	stream.linear.gather [hbm4b:s14+s4], $0x80, $0x38;
	[tilespmem:$0x1FF00] =	vst v63  }
0x66: {  	s13 =	sadd.s32 $0x1410, s13  }
0x67: {  	[tilespmem:s29], [sflag:$0x3] =	stream.linear.gather [hbm4b:s13+s4], $0x80, $0x38;
	[tilespmem:$0x1FF00] =	vst v63  }
.LBB2_18:
0x68: {  	_ =	swait.ge [sflag:s30], $0x80  }
0x69: {  	[sflag:s30] =	ssyncset.done $0x0  }
0x6a: {  	[sflag:s30] =	ssyncadd.s32 $0xFFFFFF80  }
0x6b: {  	_ =	swait.ge [sflag:s30], $0x80  }
0x6c: {  	[sflag:s30] =	ssyncset.done $0x0  }
0x6d: {  	[sflag:s30] =	ssyncadd.s32 $0xFFFFFF80  }
0x6e: {  	[tilespmem:s31], [sflag:$0x5] =	stream.indirect.gather [hbm4b:s0+s24], $0x80, s24, s24, $0xb8;
	[tilespmem:$0x1FF00] =	vst v63  }
.LBB2_19:
0x6f: {  	s11 =	sadd.s32 $0xC00, s11  }
0x70: {  	p0 =	sne.s32 s11, $0x14400  }
.Ltmp4:
0x71: {  	_ = 	snop;
	(pc) =	sbr.rel @!p0 .LBB2_20-.Ltmp4, $2  }
0x72: {  	_ =	sdelay $0x2  }
0x73: {  	s19 =	sadd.s32 $0x60, s19  }
.LBB2_4:
0x74: {  	s13 =	sadd.s32 $0xFFFFFFC0, s19  }
0x75: {  	p0 =	sgt.u32 s13, $0x9C3  }
.Ltmp5:
0x76: {  	_ = 	snop;
	(pc) =	sbr.rel @p0 .LBB2_9-.Ltmp5, $1  }
0x77: {  	_ =	sdelay $0x3  }
0x78: {  	_ =	swait.ge [sflag:s2], $0x4000  }
0x79: {  	[sflag:s2] =	ssyncset.done $0x0  }
0x7a: {  	[sflag:s2] =	ssyncadd.s32 $0xFFFFC000  }
0x7b: {  	v1 =	vld [tilespmem:$0x0]  }
0x7c: {  	v2 =	vld [tilespmem:$0x180]  }
0x7d: {  	v3 =	vld [tilespmem:$0x10]  }
0x7e: {  	v4 =	vld [tilespmem:$0x190]  }
0x7f: {  	v5 =	vld [tilespmem:$0x20]  }
0x80: {  	v6 =	vld [tilespmem:$0x1A0]  }
0x81: {  	v7 =	vld [tilespmem:$0x30]  }
0x82: {  	v8 =	vld [tilespmem:$0x1B0]  }
0x83: {  	v9 =	vld [tilespmem:$0x40]  }
0x84: {  	v10 =	vld [tilespmem:$0x1C0]  }
0x85: {  	v11 =	vld [tilespmem:$0x50]  }
0x86: {  	v12 =	vld [tilespmem:$0x1D0]  }
0x87: {  	v13 =	vld [tilespmem:$0x60]  }
0x88: {  	v63 =	vld [tilespmem:$0x1F0];
	vm0 =	veq.s32 v1, v2  }
0x89: {  	v1 =	vld [tilespmem:$0x1E0];
	vm9 =	veq.s32 v3, v4;
	v2 =	vsel vm0, $0x2710, v2  }
0x8a: {  	v3 =	vld [tilespmem:$0x70];
	vm10 =	veq.s32 v5, v6;
	[tilespmem:$0x180] =	vst v2;
	v2 =	vsel vm9, $0x2710, v4  }
0x8b: {  	vm11 =	veq.s32 v7, v8;
	[tilespmem:$0x190] =	vst v2;
	v2 =	vsel vm10, $0x2710, v6  }
0x8c: {  	vm12 =	veq.s32 v9, v10;
	[tilespmem:$0x1A0] =	vst v2;
	v2 =	vsel vm11, $0x2710, v8  }
0x8d: {  	vm13 =	veq.s32 v11, v12;
	[tilespmem:$0x1B0] =	vst v2;
	v2 =	vsel vm12, $0x2710, v10  }
0x8e: {  	vm14 =	veq.s32 v13, v1;
	[tilespmem:$0x1C0] =	vst v2;
	v2 =	vsel vm13, $0x2710, v12  }
0x8f: {  	vm15 =	veq.s32 v3, v63;
	v1 =	vsel vm14, $0x2710, v1;
	[tilespmem:$0x1D0] =	vst v2  }
0x90: {  	p0 =	sgt.u32 s13, $0x963;
	[tilespmem:$0x1E0] =	vst v1;
	v1 =	vsel vm15, $0x2710, v63  }
.Ltmp6:
0x91: {  	[tilespmem:$0x1F0] =	vst v1;
	(pc) =	sbr.rel @p0 .LBB2_7-.Ltmp6, $4  }
0x92: {  	[spmem:s3] =	stream.indirect.scatter.add.f32 [tilespmem:s21], [sflag:$0x7], $0x80, s23, s24, $0xb8;
	[tilespmem:$0x1FF00] =	vst v63  }
0x93: {  	_ =	swait.ge [sflag:s22], $0x4000  }
0x94: {  	[sflag:s22] =	ssyncset.done $0x0  }
0x95: {  	[sflag:s22] =	ssyncadd.s32 $0xFFFFC000  }
.Ltmp7:
0x96: {  	s13 =	sadd.s32 s11, s20;
	(pc) =	sbr.rel .LBB2_8-.Ltmp7, $4  }
0x97: {  	s14 =	sadd.s32 $0xC00, s13  }
0x98: {  	[tilespmem:s4], [sflag:$0x1] =	stream.linear.gather [hbm4b:s14+s4], $0x80, $0x38;
	[tilespmem:$0x1FF00] =	vst v63  }
0x99: {  	s13 =	sadd.s32 $0xC10, s13  }
0x9a: {  	[tilespmem:s23], [sflag:$0x1] =	stream.linear.gather [hbm4b:s13+s4], $0x80, $0x38;
	[tilespmem:$0x1FF00] =	vst v63  }
.LBB2_7:
0x9b: {  	p0 =	sgt.u32 s13, $0x983  }
.Ltmp8:
0x9c: {  	_ = 	snop;
	(pc) =	sbr.rel @p0 .LBB2_9-.Ltmp8, $1  }
0x9d: {  	_ =	sdelay $0x3  }
.LBB2_8:
0x9e: {  	_ =	swait.ge [sflag:s1], $0x80  }
0x9f: {  	[sflag:s1] =	ssyncset.done $0x0  }
0xa0: {  	[sflag:s1] =	ssyncadd.s32 $0xFFFFFF80  }
0xa1: {  	_ =	swait.ge [sflag:s1], $0x80  }
0xa2: {  	[sflag:s1] =	ssyncset.done $0x0  }
0xa3: {  	[sflag:s1] =	ssyncadd.s32 $0xFFFFFF80  }
0xa4: {  	[tilespmem:s7], [sflag:$0x6] =	stream.indirect.gather [hbm4b:s0+s24], $0x80, s28, s24, $0xb8;
	[tilespmem:$0x1FF00] =	vst v63  }
.LBB2_9:
0xa5: {  	s13 =	sadd.s32 $0xFFFFFFE0, s19  }
0xa6: {  	p0 =	sgt.u32 s13, $0x9C3  }
.Ltmp9:
0xa7: {  	_ = 	snop;
	(pc) =	sbr.rel @p0 .LBB2_14-.Ltmp9, $1  }
0xa8: {  	_ =	sdelay $0x3  }
0xa9: {  	_ =	swait.ge [sflag:s8], $0x4000  }
0xaa: {  	[sflag:s8] =	ssyncset.done $0x0  }
0xab: {  	[sflag:s8] =	ssyncadd.s32 $0xFFFFC000  }
0xac: {  	v1 =	vld [tilespmem:$0x80]  }
0xad: {  	v2 =	vld [tilespmem:$0x200]  }
0xae: {  	v3 =	vld [tilespmem:$0x90]  }
0xaf: {  	v4 =	vld [tilespmem:$0x210]  }
0xb0: {  	v5 =	vld [tilespmem:$0xA0]  }
0xb1: {  	v6 =	vld [tilespmem:$0x220]  }
0xb2: {  	v7 =	vld [tilespmem:$0xB0]  }
0xb3: {  	v8 =	vld [tilespmem:$0x230]  }
0xb4: {  	v9 =	vld [tilespmem:$0xC0]  }
0xb5: {  	v10 =	vld [tilespmem:$0x240]  }
0xb6: {  	v11 =	vld [tilespmem:$0xD0]  }
0xb7: {  	v12 =	vld [tilespmem:$0x250]  }
0xb8: {  	v13 =	vld [tilespmem:$0xE0]  }
0xb9: {  	v63 =	vld [tilespmem:$0x270];
	vm0 =	veq.s32 v1, v2  }
0xba: {  	v1 =	vld [tilespmem:$0x260];
	vm9 =	veq.s32 v3, v4;
	v2 =	vsel vm0, $0x2710, v2  }
0xbb: {  	v3 =	vld [tilespmem:$0xF0];
	vm10 =	veq.s32 v5, v6;
	[tilespmem:$0x200] =	vst v2;
	v2 =	vsel vm9, $0x2710, v4  }
0xbc: {  	vm11 =	veq.s32 v7, v8;
	[tilespmem:$0x210] =	vst v2;
	v2 =	vsel vm10, $0x2710, v6  }
0xbd: {  	vm12 =	veq.s32 v9, v10;
	[tilespmem:$0x220] =	vst v2;
	v2 =	vsel vm11, $0x2710, v8  }
0xbe: {  	vm13 =	veq.s32 v11, v12;
	[tilespmem:$0x230] =	vst v2;
	v2 =	vsel vm12, $0x2710, v10  }
0xbf: {  	vm14 =	veq.s32 v13, v1;
	[tilespmem:$0x240] =	vst v2;
	v2 =	vsel vm13, $0x2710, v12  }
0xc0: {  	vm15 =	veq.s32 v3, v63;
	v1 =	vsel vm14, $0x2710, v1;
	[tilespmem:$0x250] =	vst v2  }
0xc1: {  	p0 =	sgt.u32 s13, $0x963;
	[tilespmem:$0x260] =	vst v1;
	v1 =	vsel vm15, $0x2710, v63  }
.Ltmp10:
0xc2: {  	[tilespmem:$0x270] =	vst v1;
	(pc) =	sbr.rel @p0 .LBB2_12-.Ltmp10, $4  }
0xc3: {  	[spmem:s3] =	stream.indirect.scatter.add.f32 [tilespmem:s31], [sflag:$0x7], $0x80, s25, s24, $0xb8;
	[tilespmem:$0x1FF00] =	vst v63  }
0xc4: {  	_ =	swait.ge [sflag:s22], $0x4000  }
0xc5: {  	[sflag:s22] =	ssyncset.done $0x0  }
0xc6: {  	[sflag:s22] =	ssyncadd.s32 $0xFFFFC000  }
.Ltmp11:
0xc7: {  	s13 =	sadd.s32 s11, s20;
	(pc) =	sbr.rel .LBB2_13-.Ltmp11, $4  }
0xc8: {  	s14 =	sadd.s32 $0x1000, s13  }
0xc9: {  	[tilespmem:s24], [sflag:$0x2] =	stream.linear.gather [hbm4b:s14+s4], $0x80, $0x38;
	[tilespmem:$0x1FF00] =	vst v63  }
0xca: {  	s13 =	sadd.s32 $0x1010, s13  }
0xcb: {  	[tilespmem:s25], [sflag:$0x2] =	stream.linear.gather [hbm4b:s13+s4], $0x80, $0x38;
	[tilespmem:$0x1FF00] =	vst v63  }
.LBB2_12:
0xcc: {  	p0 =	sgt.u32 s13, $0x983  }
.Ltmp12:
0xcd: {  	_ = 	snop;
	(pc) =	sbr.rel @p0 .LBB2_14-.Ltmp12, $1  }
0xce: {  	_ =	sdelay $0x3  }
.LBB2_13:
0xcf: {  	_ =	swait.ge [sflag:s26], $0x80  }
0xd0: {  	[sflag:s26] =	ssyncset.done $0x0  }
0xd1: {  	[sflag:s26] =	ssyncadd.s32 $0xFFFFFF80  }
0xd2: {  	_ =	swait.ge [sflag:s26], $0x80  }
0xd3: {  	[sflag:s26] =	ssyncset.done $0x0  }
0xd4: {  	[sflag:s26] =	ssyncadd.s32 $0xFFFFFF80  }
0xd5: {  	[tilespmem:s21], [sflag:$0x4] =	stream.indirect.gather [hbm4b:s0+s24], $0x80, s4, s24, $0xb8;
	[tilespmem:$0x1FF00] =	vst v63  }
.LBB2_14:
0xd6: {  	p0 =	sgt.u32 s19, $0x9C3  }
.Ltmp13:
0xd7: {  	_ = 	snop;
	(pc) =	sbr.rel @p0 .LBB2_19-.Ltmp13, $1  }
0xd8: {  	_ =	sdelay $0x3  }
0xd9: {  	_ =	swait.ge [sflag:s9], $0x4000  }
0xda: {  	[sflag:s9] =	ssyncset.done $0x0  }
0xdb: {  	[sflag:s9] =	ssyncadd.s32 $0xFFFFC000  }
0xdc: {  	v1 =	vld [tilespmem:$0x100]  }
0xdd: {  	v2 =	vld [tilespmem:$0x280]  }
0xde: {  	v3 =	vld [tilespmem:$0x110]  }
0xdf: {  	v4 =	vld [tilespmem:$0x290]  }
0xe0: {  	v5 =	vld [tilespmem:$0x120]  }
0xe1: {  	v6 =	vld [tilespmem:$0x2A0]  }
0xe2: {  	v7 =	vld [tilespmem:$0x130]  }
0xe3: {  	v8 =	vld [tilespmem:$0x2B0]  }
0xe4: {  	v9 =	vld [tilespmem:$0x140]  }
0xe5: {  	v10 =	vld [tilespmem:$0x2C0]  }
0xe6: {  	v11 =	vld [tilespmem:$0x150]  }
0xe7: {  	v12 =	vld [tilespmem:$0x2D0]  }
0xe8: {  	v13 =	vld [tilespmem:$0x160]  }
0xe9: {  	v63 =	vld [tilespmem:$0x2F0];
	vm0 =	veq.s32 v1, v2  }
0xea: {  	v1 =	vld [tilespmem:$0x2E0];
	vm9 =	veq.s32 v3, v4;
	v2 =	vsel vm0, $0x2710, v2  }
0xeb: {  	v3 =	vld [tilespmem:$0x170];
	vm10 =	veq.s32 v5, v6;
	[tilespmem:$0x280] =	vst v2;
	v2 =	vsel vm9, $0x2710, v4  }
0xec: {  	vm11 =	veq.s32 v7, v8;
	[tilespmem:$0x290] =	vst v2;
	v2 =	vsel vm10, $0x2710, v6  }
0xed: {  	vm12 =	veq.s32 v9, v10;
	[tilespmem:$0x2A0] =	vst v2;
	v2 =	vsel vm11, $0x2710, v8  }
0xee: {  	vm13 =	veq.s32 v11, v12;
	[tilespmem:$0x2B0] =	vst v2;
	v2 =	vsel vm12, $0x2710, v10  }
0xef: {  	vm14 =	veq.s32 v13, v1;
	[tilespmem:$0x2C0] =	vst v2;
	v2 =	vsel vm13, $0x2710, v12  }
0xf0: {  	vm15 =	veq.s32 v3, v63;
	v1 =	vsel vm14, $0x2710, v1;
	[tilespmem:$0x2D0] =	vst v2  }
0xf1: {  	p0 =	sgt.u32 s19, $0x963;
	[tilespmem:$0x2E0] =	vst v1;
	v1 =	vsel vm15, $0x2710, v63  }
.Ltmp14:
0xf2: {  	[tilespmem:$0x2F0] =	vst v1;
	(pc) =	sbr.rel @!p0 .LBB2_16-.Ltmp14, $4  }
0xf3: {  	[spmem:s3] =	stream.indirect.scatter.add.f32 [tilespmem:s7], [sflag:$0x7], $0x80, s29, s24, $0xb8;
	[tilespmem:$0x1FF00] =	vst v63  }
0xf4: {  	_ =	swait.ge [sflag:s22], $0x4000  }
0xf5: {  	[sflag:s22] =	ssyncset.done $0x0  }
0xf6: {  	[sflag:s22] =	ssyncadd.s32 $0xFFFFC000  }
0xf7: {  	p0 =	sgt.u32 s19, $0x983  }
.Ltmp15:
0xf8: {  	_ = 	snop;
	(pc) =	sbr.rel @p0 .LBB2_19-.Ltmp15, $4  }
.Ltmp16:
0xf9: {  	_ = 	snop;
	(pc) =	sbr.rel @!p0 .LBB2_18-.Ltmp16, $4  }
0xfa: {  	_ = 	snop  }
0xfb: {  	_ = 	snop  }
0xfc: {  	_ = 	snop  }
0xfd: {  	_ = 	snop  }
.LBB2_21:
0xfe: {  	_ =	sfence.sel $0x180000  }
0xff: {  	[bflag:$0x0] =	sbarrier.arrive $0xFFFF  }
0x100: {  	_ =	strace $0x9000004A  }
0x101: {  	s0 =	stileid.u32;
	[bflag:$0x2] =	sbarrier.arrive $0xFFFF  }
0x102: {  	p0 =	sne.s32 s0, $0x0;
	s0 =	rddreg [dreg:$0x4]  }
0x103: {  	s0 =	sadd.s32 @!p0 $0x100000, s0  }
0x104: {  	[sflag:s0] =	ssyncadd.tile.s32 @!p0 $0x1;
	_ =	shalt  }
.Lfunc_end2:
_tile_overlayer_lowered:
.L_overlay_start_2:
0x105: {  	(tag) =	ssettag $0x2  }
0x106: {  	s0 =	rddreg [dreg:$0x0];
	s2 =	stileid.u32  }
0x107: {  	s1 =	rddreg [dreg:$0x1];
	p0 =	sne.s32 s2, $0x0  }
0x108: {  	s3 =	rddreg [dreg:$0x2];
	[bflag:$0x3] =	sbarrier.arrive $0xFFFF;
	s2 =	simm.s32 @!p0 $0x1C07  }
0x109: {  	[timem:s3], [sflag:s2] =	dma.local @!p0 [hbm:s0], s1  }
0x10a: {  	s0 =	simm.s32 @!p0 $0x7  }
0x10b: {  	_ =	swait.ge @!p0 [sflag:s0], s1  }
0x10c: {  	s1 =	ssub.s32 @!p0 $0x0, s1;
	[sflag:s0] =	ssyncset.done @!p0 $0x0  }
0x10d: {  	[sflag:s0] =	ssyncadd.s32 @!p0 s1  }
0x10e: {  	[bflag:$0x3] =	sbarrier.arrive $0xFFFF  }
0x10f: {  	_ =	shalt  }

// kernel: _impl.15.cloned.1.call-start
scs
__scs_entry_jumppad:
0x0: {  	(pc) =	sbr.rel $0x88, $3  }
0x1: {  	(tag) =	ssettag $0x0;
	lr =	simm.s32 $0x1  }
0x2: {  	[smem:$0x3F9E] =	sst lr;
	_ =	strace $0xD0000000  }
0x3: {  	_ = 	snop  }
0x4: {  	_ = 	snop  }
0x5: {  	_ = 	snop  }
0x6: {  	_ = 	snop  }
0x7: {  	_ = 	snop  }
__scs_overlays_trampoline_lowered:
0x8: {  	[smem:$0x3FAD] =	sst s0  }
0x9: {  	[smem:$0x3FAE] =	sst s1  }
0xa: {  	[smem:$0x3FAF] =	sst s2  }
0xb: {  	[smem:$0x3FB0] =	sst s3  }
0xc: {  	[smem:$0x3FB1] =	sst s4  }
0xd: {  	[smem:$0x3FB2] =	sst s5  }
0xe: {  	[smem:$0x3FB3] =	sst s6  }
0xf: {  	[smem:$0x3FB4] =	sst s7  }
0x10: {  	[smem:$0x3FB5] =	sst s8  }
0x11: {  	[smem:$0x3FB6] =	sst s9;
	s0 =	simm.s32 @!p0 $0x0  }
0x12: {  	s1 =	sld [smem:$0x3F9C];
	s0 =	simm.s32 @p0 $0x1  }
0x13: {  	[smem:$0x3FB7] =	sst s0;
	s0 =	simm.s32 @!p1 $0x0  }
0x14: {  	s2 =	sld [smem:$0x3F9B];
	s0 =	simm.s32 @p1 $0x1  }
0x15: {  	[smem:$0x3FB8] =	sst s0;
	s0 =	simm.s32 @!p2 $0x0  }
0x16: {  	s3 =	sld [smem:$0x3FDB];
	s0 =	simm.s32 @p2 $0x1  }
0x17: {  	s4 =	simm.s32 $0x1BF5;
	[smem:$0x3FBA] =	sst s0  }
0x18: {  	s0 =	sld [smem:$0x3F9D];
	_ =	swait.ge [sflag:s4], $0x0  }
0x19: {  	s7 =	sld [smem:$0x3F9E]  }
0x1a: {  	s8 =	sadd.s32 $0xFFFFE003, lr  }
0x1b: {  	s9 =	sadd.s32 $0xFFFFFEF7, lr;
	s5 =	simm.s32 $0xFFFFFFFF;
	p2 =	slt.u32 s8, $0xFFFFF086  }
0x1c: {  	p1 =	slt.u32 s9, $0xF7A;
	s5 =	simm.s32 @!p2 $0x0  }
0x1d: {  	s5 =	simm.s32 @p1 $0x1;
	p0 =	seq.s32 s7, s2  }
0x1e: {  	s7 =	smul.u32 @!p0 $0xF7A, s2;
	p2 =	seq.s32 @!p0 s5, $0x0  }
0x1f: {  	s9 =	smul.u32 $0xF7A, s1;
	s8 =	simm.s32 @!p0 $0x1BF5;
	p2 =	por !p2, p0  }
0x20: {  	[sflag:s8] =	ssyncset.s32 @!p0 $0xFFFFF086;
	s6 =	sadd.s32 @!p0 s3, s7;
	s7 =	simm.s32 @!p0 $0x108  }
0x21: {  	s3 =	sadd.s32 s3, s9;
	s6 =	sadd.s32 @!p0 $0x88, s6;
	s7 =	simm.s32 @p2 $0x1082  }
0x22: {  	[simem:s7], [sflag:s8] =	dma.local @!p0 [hbm:s6], $0xF7A  }
0x23: {  	s9 =	sor.u32 $0xD0000000, s2;
	s6 =	simm.s32 $0x108;
	_ =	swait.ge @!p0 [sflag:s8], $0x0  }
0x24: {  	s3 =	sadd.s32 $0x88, s3;
	s6 =	simm.s32 @!p1 $0x1082;
	[sflag:s4] =	ssyncset.s32 $0xFFFFF086  }
0x25: {  	[simem:s6], [sflag:s4] =	dma.local [hbm:s3], $0xF7A  }
0x26: {  	[smem:$0x3F9E] =	sst s1;
	(tag) =	ssettag s2;
	_ =	strace s9  }
0x27: {  	s1 =	sld [smem:$0x3FAE]  }
0x28: {  	s2 =	sld [smem:$0x3FAF]  }
0x29: {  	s4 =	sld [smem:$0x3FB1]  }
0x2a: {  	p0 =	seq.s32 s5, $0x0;
	s5 =	sld [smem:$0x3FB2]  }
0x2b: {  	s6 =	sld [smem:$0x3FB3]  }
0x2c: {  	s7 =	sld [smem:$0x3FB4]  }
0x2d: {  	s3 =	simm.s32 $0x108;
	s8 =	sld [smem:$0x3FB5]  }
0x2e: {  	s3 =	simm.s32 @!p0 $0x1082;
	s9 =	sld [smem:$0x3FB6]  }
0x2f: {  	lr =	sadd.s32 s0, s3;
	s0 =	sld [smem:$0x3FAD]  }
0x30: {  	s3 =	sld [smem:$0x3FB0]  }
0x31: {  	[smem:$0x3FB9] =	sst s10  }
0x32: {  	s10 =	sld [smem:$0x3FB7];
	_ =	sdelay $0x3  }
0x33: {  	p0 =	seq.s32 s10, $0x1;
	s10 =	sld [smem:$0x3FB9];
	_ =	sdelay $0x3  }
0x34: {  	[smem:$0x3FB9] =	sst s10  }
0x35: {  	s10 =	sld [smem:$0x3FB8];
	_ =	sdelay $0x3  }
0x36: {  	p1 =	seq.s32 s10, $0x1;
	s10 =	sld [smem:$0x3FB9];
	_ =	sdelay $0x3  }
0x37: {  	[smem:$0x3FB9] =	sst s10  }
0x38: {  	s10 =	sld [smem:$0x3FBA]  }
0x39: {  	_ = 	snop;
	(pc) =	sbr.ind lr, $3  }
0x3a: {  	_ = 	snop  }
0x3b: {  	_ = 	snop  }
0x3c: {  	p2 =	seq.s32 s10, $0x1;
	s10 =	sld [smem:$0x3FB9]  }
0x3d: {  	_ =	shalt  }
0x3e: {  	_ =	shalt  }
0x3f: {  	_ =	shalt  }
0x40: {  	_ =	shalt  }
0x41: {  	_ =	shalt  }
0x42: {  	_ =	shalt  }
0x43: {  	_ =	shalt  }
0x44: {  	_ =	shalt  }
0x45: {  	_ =	shalt  }
0x46: {  	_ =	shalt  }
0x47: {  	_ =	shalt  }
0x48: {  	_ =	shalt  }
0x49: {  	_ =	shalt  }
0x4a: {  	_ =	shalt  }
0x4b: {  	_ =	shalt  }
0x4c: {  	_ =	shalt  }
0x4d: {  	_ =	shalt  }
0x4e: {  	_ =	shalt  }
0x4f: {  	_ =	shalt  }
0x50: {  	_ =	shalt  }
0x51: {  	_ =	shalt  }
0x52: {  	_ =	shalt  }
0x53: {  	_ =	shalt  }
0x54: {  	_ =	shalt  }
0x55: {  	_ =	shalt  }
0x56: {  	_ =	shalt  }
0x57: {  	_ =	shalt  }
0x58: {  	_ =	shalt  }
0x59: {  	_ =	shalt  }
0x5a: {  	_ =	shalt  }
0x5b: {  	_ =	shalt  }
0x5c: {  	_ =	shalt  }
0x5d: {  	_ =	shalt  }
0x5e: {  	_ =	shalt  }
0x5f: {  	_ =	shalt  }
0x60: {  	_ =	shalt  }
0x61: {  	_ =	shalt  }
0x62: {  	_ =	shalt  }
0x63: {  	_ =	shalt  }
0x64: {  	_ =	shalt  }
0x65: {  	_ =	shalt  }
0x66: {  	_ =	shalt  }
0x67: {  	_ =	shalt  }
0x68: {  	_ =	shalt  }
0x69: {  	_ =	shalt  }
0x6a: {  	_ =	shalt  }
0x6b: {  	_ =	shalt  }
0x6c: {  	_ =	shalt  }
0x6d: {  	_ =	shalt  }
0x6e: {  	_ =	shalt  }
0x6f: {  	_ =	shalt  }
0x70: {  	_ =	shalt  }
0x71: {  	_ =	shalt  }
0x72: {  	_ =	shalt  }
0x73: {  	_ =	shalt  }
0x74: {  	_ =	shalt  }
0x75: {  	_ =	shalt  }
0x76: {  	_ =	shalt  }
0x77: {  	_ =	shalt  }
0x78: {  	_ =	shalt  }
0x79: {  	_ =	shalt  }
0x7a: {  	_ =	shalt  }
0x7b: {  	_ =	shalt  }
0x7c: {  	_ =	shalt  }
0x7d: {  	_ =	shalt  }
0x7e: {  	_ =	shalt  }
0x7f: {  	_ =	shalt  }
0x80: {  	_ =	shalt  }
0x81: {  	_ =	shalt  }
0x82: {  	_ =	shalt  }
0x83: {  	_ =	shalt  }
0x84: {  	_ =	shalt  }
0x85: {  	_ =	shalt  }
0x86: {  	_ =	shalt  }
0x87: {  	_ =	shalt  }
.Lfunc_end0:
.L_simem_size_0:
called_computation.2_lowered:
.L_overlay_start_0:
0x88: {  	s2 =	sld [smem:$0x3FD9]  }
0x89: {  	s3 =	sld [smem:$0x3FFE];
	_ =	sdelay $0x1  }
0x8a: {  	s1 =	srdreg.scid  }
0x8b: {  	s0 =	sand.u32 $0x1, s1  }
0x8c: {  	s14 =	sshll.u32 s0, $0xA;
	s2 =	sadd.s32 s3, s2  }
0x8d: {  	s2 =	sadd.s32 s2, s14  }
0x8e: {  	[smem:$0x3FC5] =	sst s2  }
0x8f: {  	_ = 	snop  }
0x90: {  	s2 =	sld [smem:$0x3FD0];
	_ =	sdelay $0x2  }
0x91: {  	s4 =	simm.s32 $0xA;
	s5 =	simm.s32 $0x10;
	s15 =	sld [smem:$0x3FC9]  }
0x92: {  	[smem:s5], [sflag:s4] =	dma.local [hbm:s2], $0x1  }
0x93: {  	_ =	swait.eq [sflag:s4], $0x1  }
0x94: {  	[sflag:s4] =	ssyncset.done $0x0  }
0x95: {  	[sflag:s4] =	ssyncadd.s32 $0xFFFFFFFF  }
0x96: {  	s16 =	sld [smem:$0x10];
	(tm) =	ssettm $0x1  }
0x97: {  	s17 =	sld [smem:$0x3FFB];
	_ =	sdelay $0x3  }
0x98: {  	_ =	strace s17  }
0x99: {  	s4 =	sld [smem:$0x3FFC];
	_ =	sdelay $0x3  }
0x9a: {  	_ =	strace s4  }
0x9b: {  	s4 =	sld [smem:$0x3FFD];
	_ =	sdelay $0x3  }
0x9c: {  	_ =	strace s4  }
0x9d: {  	_ =	strace $0x8FFFFFFF  }
0x9e: {  	s18 =	sld [smem:$0x3FDB];
	_ =	sdelay $0x1  }
0x9f: {  	s19 =	simm.s32 $_scs_section_size  }
0xa0: {  	s6 =	simm.s32 $_size__tile_overlayer_lowered;
	s7 =	simm.s32 $_tile_overlayer_lowered  }
0xa1: {  	s22 =	simm.s32 $0x1BFF;
	s21 =	sshll.u32 s7, $0x1;
	s4 =	sadd.s32 s19, s18  }
0xa2: {  	s8 =	simm.s32 $0x0;
	s20 =	sshll.u32 s6, $0x1;
	s6 =	sadd.s32 s21, s4  }
0xa3: {  	[timem:s8], [sflag:s22] =	dma.local [hbm:s6], s20  }
0xa4: {  	_ =	swait.ge [sflag:s22], s20  }
0xa5: {  	s5 =	ssub.s32 $0x0, s20;
	[sflag:s22] =	ssyncset.done $0x0  }
0xa6: {  	[sflag:s22] =	ssyncadd.s32 s5;
	_ =	sdelay $0x1  }
0xa7: {  	s23 =	simm.s32 $0x1B8B  }
0xa8: {  	_ =	swait.ge [sflag:s23], $0x1  }
0xa9: {  	[sflag:s23] =	ssyncset.done $0x0  }
0xaa: {  	s25 =	simm.s32 $0x1B8E;
	s24 =	sld [smem:$0x3FFE];
	[sflag:s23] =	ssyncadd.s32 $0xFFFFFFFF  }
0xab: {  	s26 =	simm.s32 $execute0_lowered;
	[smem:$0x3FD2] =	sst s25  }
0xac: {  	s6 =	sshll.u32 s26, $0x1;
	_ =	strace $0x8000004C;
	[dreg:$0x1] =	wrdreg $0xFFFFFFFF  }
0xad: {  	s28 =	simm.s32 $_size_execute0_lowered;
	s4 =	sadd.s32 s4, s6;
	[dreg:$0x0] =	wrdreg $0x0  }
0xae: {  	s6 =	sshll.u32 s28, $0x1;
	[dreg:$0x2] =	wrdreg s4  }
0xaf: {  	[dreg:$0x3] =	wrdreg s6  }
0xb0: {  	[dreg:$0x4] =	wrdreg $0xC0  }
0xb1: {  	_ =	task [dreg:s8], $0x5FFFF  }
0xb2: {  	[dreg:$0x1] =	wrdreg $0xFFFFFFFF  }
0xb3: {  	[dreg:$0x0] =	wrdreg $0x60  }
0xb4: {  	[dreg:$0x2] =	wrdreg s16  }
0xb5: {  	[dreg:$0x3] =	wrdreg s15  }
0xb6: {  	[dreg:$0x4] =	wrdreg s24  }
0xb7: {  	[dreg:$0x5] =	wrdreg $0xC3000  }
0xb8: {  	[dreg:$0x6] =	wrdreg $0x9  }
0xb9: {  	_ =	task.clear_ibuf [dreg:s8], $0x7FFFF;
	_ =	strace $0x9000004C  }
0xba: {  	s29 =	simm.s32 $0x9;
	_ =	strace $0x8000004E  }
0xbb: {  	_ =	swait.ge [sflag:s29], $0x1  }
0xbc: {  	[sflag:s29] =	ssyncadd.s32 $0xFFFFFFFF  }
0xbd: {  	_ =	strace $0x9000004E  }
0xbe: {  	_ =	sfence  }
0xbf: {  	s30 =	sld [smem:$0x0];
	_ =	sdelay $0x2  }
0xc0: {  	s31 =	sshll.u32 s1, $0xD;
	s1 =	sshrl.u32 s1, $0x2  }
0xc1: {  	s3 =	sand.u32 $0x4000, s31;
	s1 =	sadd.s32 s1, s30  }
0xc2: {  	s0 =	sor.u32 s3, s0;
	s1 =	sshll.u32 s1, $0x11  }
0xc3: {  	s0 =	sor.u32 s1, s0  }
0xc4: {  	s0 =	sadd.s32 $0x8F2B, s0  }
0xc5: {  	[sflag:s0] =	ssyncadd.remote.s32 $0x1  }
0xc6: {  	_ =	sfence.sel $0xFFFF  }
0xc7: {  	[dreg:$0x0] =	wrdreg $0xFFFFFFFF;
	(pc) =	sbr.abs _section_cstart, $3  }
0xc8: {  	[dreg:$0x1] =	wrdreg $0xFFFFFFFF  }
0xc9: {  	_ =	task.clear_ibuf [dreg:s8], $0x2FFFF;
	_ =	strace $0x9FFFFFFF  }
0xca: {  	(tm) =	ssettm $0x7FFFFFFF  }
0xcb: {  	_ =	shalt  }
tec
execute0_lowered:
.L_overlay_start_1:
0x0: {  	(tag) =	ssettag $0x1  }
0x1: {  	s0 =	rddreg [dreg:$0x0]  }
0x2: {  	s1 =	rddreg [dreg:$0x1]  }
0x3: {  	s2 =	srdreg.scid;
	s5 =	rddreg [dreg:$0x2]  }
0x4: {  	s11 =	stileid.u32;
	s3 =	rddreg [dreg:$0x3]  }
0x5: {  	s4 =	simm.s32 $0x0;
	s28 =	simm.s32 $0x100;
	s29 =	simm.s32 $0x280  }
0x6: {  	s30 =	simm.s32 $0x2;
	s31 =	simm.s32 $0x4300;
	s7 =	smul.u32 $0x13C00, s11  }
0x7: {  	s2 =	sand.u32 $0x1, s2;
	[smem:$0x7FF] =	sst s4;
	s8 =	smul.u32 $0x4F000, s11  }
0x8: {  	s17 =	sshll.u32 s11, $0x1;
	s6 =	smul.u32 $0x13C000, s2;
	s10 =	ssub.s32 $0x2, s2  }
0x9: {  	_ =	strace $0x8000004D;
	s18 =	sshrl.u32 s8, $0x2;
	s20 =	sshrl.u32 s10, $0x1  }
0xa: {  	s6 =	sadd.s32 s7, s6;
	s7 =	sor.u32 s2, s17;
	s8 =	ssub.s32 s10, s20  }
0xb: {  	s17 =	sshll.u32 s11, $0x6;
	s2 =	sshll.u32 s2, $0x5;
	s10 =	simm.s32 $0x0  }
0xc: {  	s6 =	sshrl.u32 s6, $0x3;
	s19 =	sshll.u32 s7, $0x5;
	s8 =	smax.u32 s8, $0x1  }
0xd: {  	s12 =	sor.u32 $0x40, s7;
	s7 =	simm.s32 $0x8300;
	s9 =	sadd.s32 s6, s5  }
0xe: {  	s5 =	sadd.s32 s18, s3;
	s6 =	sadd.s32 s1, s19;
	[dreg:$0xc] =	wrdreg s8  }
0xf: {  	s1 =	sadd.s32 s17, s1;
	s8 =	simm.s32 $0x5;
	s21 =	sadd.s32 $0x10000, s5  }
0x10: {  	s22 =	sadd.s32 $0x10, s6;
	s23 =	sadd.s32 $0x400, s6;
	[dreg:$0x5] =	wrdreg s21  }
0x11: {  	s24 =	sadd.s32 $0x410, s6;
	s25 =	sadd.s32 $0x800, s6;
	[dreg:$0x6] =	wrdreg s22  }
0x12: {  	s26 =	sadd.s32 $0x810, s6;
	s9 =	sadd.s32 $0x50600, s9;
	[dreg:$0x7] =	wrdreg s23  }
0x13: {  	s15 =	sadd.s32 $0x4000, s5;
	s16 =	sadd.s32 $0x8000, s5;
	[dreg:$0x8] =	wrdreg s24  }
.Ltmp0:
0x14: {  	s18 =	sadd.s32 $0xC000, s5;
	[dreg:$0x9] =	wrdreg s25;
	(pc) =	sbr.rel .LBB2_1-.Ltmp0, $4  }
0x15: {  	s20 =	sadd.s32 s2, s1;
	s2 =	simm.s32 $0x4;
	[dreg:$0xa] =	wrdreg s26  }
0x16: {  	s1 =	simm.s32 $0x3;
	[dreg:$0xb] =	wrdreg s9;
	s21 =	simm.s32 $0x300  }
0x17: {  	s22 =	simm.s32 $0x7;
	s23 =	simm.s32 $0x180;
	s24 =	simm.s32 $0x80  }
0x18: {  	v0 =	vimm.f32 $0.0e+00;
	s25 =	simm.s32 $0x200;
	s26 =	simm.s32 $0x1;
	s9 =	simm.s32 $0x6  }
.LBB2_20:
0x19: {  	[bflag:$0x0] =	sbarrier.arrive $0xFFFF  }
0x1a: {  	s11 =	sor.u32 $0x1C07, s17;
	s13 =	sshrl.u32 s5, $0x3;
	s14 =	rddreg [dreg:$0xb]  }
0x1b: {  	[hbm:s14], [sflag:s11] =	dma.local [spmem:s13], $0x2780  }
0x1c: {  	_ =	swait.ge [sflag:s22], $0x2780  }
0x1d: {  	s10 =	sadd.s32 $0x1, s10;
	s19 =	rddreg [dreg:$0xc]  }
0x1e: {  	p0 =	sne.s32 s10, s19  }
.Ltmp1:
0x1f: {  	_ = 	snop;
	(pc) =	sbr.rel @!p0 .LBB2_21-.Ltmp1, $3  }
0x20: {  	_ =	sdelay $0x1  }
0x21: {  	[sflag:s22] =	ssyncset.done $0x0  }
0x22: {  	[sflag:s22] =	ssyncadd.s32 $0xFFFFD880  }
.LBB2_1:
0x23: {  	s11 =	simm.s32 $0x0;
	s13 =	simm.s32 $0x200  }
.LBB2_2:
0x24: {  	p0 =	sne.s32 s13, $0xFE00;
	[tilespmem:s11+$0x370] =	vst v0  }
0x25: {  	[tilespmem:s11+$0x300] =	vst v0  }
0x26: {  	[tilespmem:s11+$0x310] =	vst v0  }
.Ltmp2:
0x27: {  	[tilespmem:s11+$0x320] =	vst v0;
	(pc) =	sbr.rel @p0 .LBB2_2-.Ltmp2, $4  }
0x28: {  	[tilespmem:s11+$0x330] =	vst v0  }
0x29: {  	[tilespmem:s11+$0x340] =	vst v0  }
0x2a: {  	[tilespmem:s11+$0x350] =	vst v0  }
0x2b: {  	[tilespmem:s11+$0x360] =	vst v0;
	s11 =	sshra.s32 s13, $0x2;
	s13 =	sadd.s32 $0x200, s13  }
0x2c: {  	[tilespmem:s11+$0x370] =	vst v0  }
0x2d: {  	[tilespmem:s11+$0x300] =	vst v0  }
0x2e: {  	[tilespmem:s11+$0x310] =	vst v0  }
0x2f: {  	[tilespmem:s11+$0x320] =	vst v0  }
0x30: {  	[tilespmem:s11+$0x330] =	vst v0  }
0x31: {  	[tilespmem:s11+$0x340] =	vst v0  }
0x32: {  	[tilespmem:s11+$0x350] =	vst v0  }
0x33: {  	[tilespmem:s11+$0x360] =	vst v0  }
0x34: {  	[spmem:s5] =	stream.linear.scatter [tilespmem:s21], [sflag:$0x7], $0x4000, $0x38;
	[tilespmem:$0x1FF00] =	vst v63  }
0x35: {  	_ =	swait.ge [sflag:s22], $0x4000  }
0x36: {  	[sflag:s22] =	ssyncset.done $0x0  }
0x37: {  	[sflag:s22] =	ssyncadd.s32 $0xFFFFC000  }
0x38: {  	[spmem:s15] =	stream.linear.scatter [tilespmem:s21], [sflag:$0x7], $0x4000, $0x38;
	[tilespmem:$0x1FF00] =	vst v63  }
0x39: {  	_ =	swait.ge [sflag:s22], $0x4000  }
0x3a: {  	[sflag:s22] =	ssyncset.done $0x0  }
0x3b: {  	[sflag:s22] =	ssyncadd.s32 $0xFFFFC000  }
0x3c: {  	[spmem:s16] =	stream.linear.scatter [tilespmem:s21], [sflag:$0x7], $0x4000, $0x38;
	[tilespmem:$0x1FF00] =	vst v63  }
0x3d: {  	_ =	swait.ge [sflag:s22], $0x4000  }
0x3e: {  	[sflag:s22] =	ssyncset.done $0x0  }
0x3f: {  	[sflag:s22] =	ssyncadd.s32 $0xFFFFC000  }
0x40: {  	[spmem:s18] =	stream.linear.scatter [tilespmem:s21], [sflag:$0x7], $0x4000, $0x38;
	[tilespmem:$0x1FF00] =	vst v63  }
0x41: {  	_ =	swait.ge [sflag:s22], $0x4000  }
0x42: {  	[sflag:s22] =	ssyncset.done $0x0  }
0x43: {  	s13 =	rddreg [dreg:$0x5];
	[sflag:s22] =	ssyncadd.s32 $0xFFFFC000  }
0x44: {  	[spmem:s13] =	stream.linear.scatter [tilespmem:s21], [sflag:$0x7], $0x3C00, $0x38;
	[tilespmem:$0x1FF00] =	vst v63  }
0x45: {  	_ =	swait.ge [sflag:s22], $0x3C00  }
0x46: {  	[sflag:s22] =	ssyncset.done $0x0  }
0x47: {  	s11 =	simm.s32 $0x0;
	[sflag:s22] =	ssyncadd.s32 $0xFFFFC400  }
0x48: {  	[tilespmem:s11], [sflag:$0x1] =	stream.linear.gather [hbm4b:s6+s11], $0x80, $0x38;
	[tilespmem:$0x1FF00] =	vst v63  }
0x49: {  	s13 =	rddreg [dreg:$0x6]  }
0x4a: {  	[tilespmem:s23], [sflag:$0x1] =	stream.linear.gather [hbm4b:s13+s11], $0x80, $0x38;
	[tilespmem:$0x1FF00] =	vst v63  }
0x4b: {  	s14 =	rddreg [dreg:$0x7]  }
0x4c: {  	[tilespmem:s24], [sflag:$0x2] =	stream.linear.gather [hbm4b:s14+s11], $0x80, $0x38;
	[tilespmem:$0x1FF00] =	vst v63  }
0x4d: {  	s19 =	rddreg [dreg:$0x8]  }
0x4e: {  	[tilespmem:s25], [sflag:$0x2] =	stream.linear.gather [hbm4b:s19+s11], $0x80, $0x38;
	[tilespmem:$0x1FF00] =	vst v63  }
0x4f: {  	_ =	swait.ge [sflag:s26], $0x80  }
0x50: {  	[sflag:s26] =	ssyncset.done $0x0  }
0x51: {  	[sflag:s26] =	ssyncadd.s32 $0xFFFFFF80  }
0x52: {  	_ =	swait.ge [sflag:s26], $0x80  }
0x53: {  	[sflag:s26] =	ssyncset.done $0x0  }
0x54: {  	[sflag:s26] =	ssyncadd.s32 $0xFFFFFF80  }
0x55: {  	[tilespmem:s21], [sflag:$0x4] =	stream.indirect.gather [hbm4b:s0+s24], $0x80, s11, s24, $0xb8;
	[tilespmem:$0x1FF00] =	vst v63  }
0x56: {  	s14 =	rddreg [dreg:$0x9]  }
0x57: {  	[tilespmem:s28], [sflag:$0x3] =	stream.linear.gather [hbm4b:s14+s11], $0x80, $0x38;
	[tilespmem:$0x1FF00] =	vst v63  }
0x58: {  	s19 =	rddreg [dreg:$0xa]  }
0x59: {  	[tilespmem:s29], [sflag:$0x3] =	stream.linear.gather [hbm4b:s19+s11], $0x80, $0x38;
	[tilespmem:$0x1FF00] =	vst v63  }
0x5a: {  	_ =	swait.ge [sflag:s30], $0x80  }
0x5b: {  	[sflag:s30] =	ssyncset.done $0x0  }
0x5c: {  	[sflag:s30] =	ssyncadd.s32 $0xFFFFFF80  }
0x5d: {  	_ =	swait.ge [sflag:s30], $0x80  }
.Ltmp3:
0x5e: {  	[sflag:s30] =	ssyncset.done $0x0;
	(pc) =	sbr.rel .LBB2_4-.Ltmp3, $4  }
0x5f: {  	[sflag:s30] =	ssyncadd.s32 $0xFFFFFF80  }
0x60: {  	[tilespmem:s31], [sflag:$0x5] =	stream.indirect.gather [hbm4b:s0+s24], $0x80, s24, s24, $0xb8;
	[tilespmem:$0x1FF00] =	vst v63  }
0x61: {  	[bflag:$0x0] =	sbarrier.arrive $0xFFFF  }
0x62: {  	s19 =	smov.u32 s12  }
.LBB2_16:
0x63: {  	s13 =	sadd.s32 s11, s20  }
0x64: {  	s14 =	sadd.s32 $0x1400, s13  }
0x65: {  	[tilespmem:s28], [sflag:$0x3] =	stream.linear.gather [hbm4b:s14+s4], $0x80, $0x38;
	[tilespmem:$0x1FF00] =	vst v63  }
0x66: {  	s13 =	sadd.s32 $0x1410, s13  }
0x67: {  	[tilespmem:s29], [sflag:$0x3] =	stream.linear.gather [hbm4b:s13+s4], $0x80, $0x38;
	[tilespmem:$0x1FF00] =	vst v63  }
.LBB2_18:
0x68: {  	_ =	swait.ge [sflag:s30], $0x80  }
0x69: {  	[sflag:s30] =	ssyncset.done $0x0  }
0x6a: {  	[sflag:s30] =	ssyncadd.s32 $0xFFFFFF80  }
0x6b: {  	_ =	swait.ge [sflag:s30], $0x80  }
0x6c: {  	[sflag:s30] =	ssyncset.done $0x0  }
0x6d: {  	[sflag:s30] =	ssyncadd.s32 $0xFFFFFF80  }
0x6e: {  	[tilespmem:s31], [sflag:$0x5] =	stream.indirect.gather [hbm4b:s0+s24], $0x80, s24, s24, $0xb8;
	[tilespmem:$0x1FF00] =	vst v63  }
.LBB2_19:
0x6f: {  	s11 =	sadd.s32 $0xC00, s11  }
0x70: {  	p0 =	sne.s32 s11, $0x14400  }
.Ltmp4:
0x71: {  	_ = 	snop;
	(pc) =	sbr.rel @!p0 .LBB2_20-.Ltmp4, $2  }
0x72: {  	_ =	sdelay $0x2  }
0x73: {  	s19 =	sadd.s32 $0x60, s19  }
.LBB2_4:
0x74: {  	s13 =	sadd.s32 $0xFFFFFFC0, s19  }
0x75: {  	p0 =	sgt.u32 s13, $0x9C3  }
.Ltmp5:
0x76: {  	_ = 	snop;
	(pc) =	sbr.rel @p0 .LBB2_9-.Ltmp5, $1  }
0x77: {  	_ =	sdelay $0x3  }
0x78: {  	_ =	swait.ge [sflag:s2], $0x4000  }
0x79: {  	[sflag:s2] =	ssyncset.done $0x0  }
0x7a: {  	[sflag:s2] =	ssyncadd.s32 $0xFFFFC000  }
0x7b: {  	v1 =	vld [tilespmem:$0x0]  }
0x7c: {  	v2 =	vld [tilespmem:$0x180]  }
0x7d: {  	v3 =	vld [tilespmem:$0x10]  }
0x7e: {  	v4 =	vld [tilespmem:$0x190]  }
0x7f: {  	v5 =	vld [tilespmem:$0x20]  }
0x80: {  	v6 =	vld [tilespmem:$0x1A0]  }
0x81: {  	v7 =	vld [tilespmem:$0x30]  }
0x82: {  	v8 =	vld [tilespmem:$0x1B0]  }
0x83: {  	v9 =	vld [tilespmem:$0x40]  }
0x84: {  	v10 =	vld [tilespmem:$0x1C0]  }
0x85: {  	v11 =	vld [tilespmem:$0x50]  }
0x86: {  	v12 =	vld [tilespmem:$0x1D0]  }
0x87: {  	v13 =	vld [tilespmem:$0x60]  }
0x88: {  	v63 =	vld [tilespmem:$0x1F0];
	vm0 =	veq.s32 v1, v2  }
0x89: {  	v1 =	vld [tilespmem:$0x1E0];
	vm9 =	veq.s32 v3, v4;
	v2 =	vsel vm0, $0x2710, v2  }
0x8a: {  	v3 =	vld [tilespmem:$0x70];
	vm10 =	veq.s32 v5, v6;
	[tilespmem:$0x180] =	vst v2;
	v2 =	vsel vm9, $0x2710, v4  }
0x8b: {  	vm11 =	veq.s32 v7, v8;
	[tilespmem:$0x190] =	vst v2;
	v2 =	vsel vm10, $0x2710, v6  }
0x8c: {  	vm12 =	veq.s32 v9, v10;
	[tilespmem:$0x1A0] =	vst v2;
	v2 =	vsel vm11, $0x2710, v8  }
0x8d: {  	vm13 =	veq.s32 v11, v12;
	[tilespmem:$0x1B0] =	vst v2;
	v2 =	vsel vm12, $0x2710, v10  }
0x8e: {  	vm14 =	veq.s32 v13, v1;
	[tilespmem:$0x1C0] =	vst v2;
	v2 =	vsel vm13, $0x2710, v12  }
0x8f: {  	vm15 =	veq.s32 v3, v63;
	v1 =	vsel vm14, $0x2710, v1;
	[tilespmem:$0x1D0] =	vst v2  }
0x90: {  	p0 =	sgt.u32 s13, $0x963;
	[tilespmem:$0x1E0] =	vst v1;
	v1 =	vsel vm15, $0x2710, v63  }
.Ltmp6:
0x91: {  	[tilespmem:$0x1F0] =	vst v1;
	(pc) =	sbr.rel @p0 .LBB2_7-.Ltmp6, $4  }
0x92: {  	[spmem:s3] =	stream.indirect.scatter.add.f32 [tilespmem:s21], [sflag:$0x7], $0x80, s23, s24, $0xb8;
	[tilespmem:$0x1FF00] =	vst v63  }
0x93: {  	_ =	swait.ge [sflag:s22], $0x4000  }
0x94: {  	[sflag:s22] =	ssyncset.done $0x0  }
0x95: {  	[sflag:s22] =	ssyncadd.s32 $0xFFFFC000  }
.Ltmp7:
0x96: {  	s13 =	sadd.s32 s11, s20;
	(pc) =	sbr.rel .LBB2_8-.Ltmp7, $4  }
0x97: {  	s14 =	sadd.s32 $0xC00, s13  }
0x98: {  	[tilespmem:s4], [sflag:$0x1] =	stream.linear.gather [hbm4b:s14+s4], $0x80, $0x38;
	[tilespmem:$0x1FF00] =	vst v63  }
0x99: {  	s13 =	sadd.s32 $0xC10, s13  }
0x9a: {  	[tilespmem:s23], [sflag:$0x1] =	stream.linear.gather [hbm4b:s13+s4], $0x80, $0x38;
	[tilespmem:$0x1FF00] =	vst v63  }
.LBB2_7:
0x9b: {  	p0 =	sgt.u32 s13, $0x983  }
.Ltmp8:
0x9c: {  	_ = 	snop;
	(pc) =	sbr.rel @p0 .LBB2_9-.Ltmp8, $1  }
0x9d: {  	_ =	sdelay $0x3  }
.LBB2_8:
0x9e: {  	_ =	swait.ge [sflag:s1], $0x80  }
0x9f: {  	[sflag:s1] =	ssyncset.done $0x0  }
0xa0: {  	[sflag:s1] =	ssyncadd.s32 $0xFFFFFF80  }
0xa1: {  	_ =	swait.ge [sflag:s1], $0x80  }
0xa2: {  	[sflag:s1] =	ssyncset.done $0x0  }
0xa3: {  	[sflag:s1] =	ssyncadd.s32 $0xFFFFFF80  }
0xa4: {  	[tilespmem:s7], [sflag:$0x6] =	stream.indirect.gather [hbm4b:s0+s24], $0x80, s28, s24, $0xb8;
	[tilespmem:$0x1FF00] =	vst v63  }
.LBB2_9:
0xa5: {  	s13 =	sadd.s32 $0xFFFFFFE0, s19  }
0xa6: {  	p0 =	sgt.u32 s13, $0x9C3  }
.Ltmp9:
0xa7: {  	_ = 	snop;
	(pc) =	sbr.rel @p0 .LBB2_14-.Ltmp9, $1  }
0xa8: {  	_ =	sdelay $0x3  }
0xa9: {  	_ =	swait.ge [sflag:s8], $0x4000  }
0xaa: {  	[sflag:s8] =	ssyncset.done $0x0  }
0xab: {  	[sflag:s8] =	ssyncadd.s32 $0xFFFFC000  }
0xac: {  	v1 =	vld [tilespmem:$0x80]  }
0xad: {  	v2 =	vld [tilespmem:$0x200]  }
0xae: {  	v3 =	vld [tilespmem:$0x90]  }
0xaf: {  	v4 =	vld [tilespmem:$0x210]  }
0xb0: {  	v5 =	vld [tilespmem:$0xA0]  }
0xb1: {  	v6 =	vld [tilespmem:$0x220]  }
0xb2: {  	v7 =	vld [tilespmem:$0xB0]  }
0xb3: {  	v8 =	vld [tilespmem:$0x230]  }
0xb4: {  	v9 =	vld [tilespmem:$0xC0]  }
0xb5: {  	v10 =	vld [tilespmem:$0x240]  }
0xb6: {  	v11 =	vld [tilespmem:$0xD0]  }
0xb7: {  	v12 =	vld [tilespmem:$0x250]  }
0xb8: {  	v13 =	vld [tilespmem:$0xE0]  }
0xb9: {  	v63 =	vld [tilespmem:$0x270];
	vm0 =	veq.s32 v1, v2  }
0xba: {  	v1 =	vld [tilespmem:$0x260];
	vm9 =	veq.s32 v3, v4;
	v2 =	vsel vm0, $0x2710, v2  }
0xbb: {  	v3 =	vld [tilespmem:$0xF0];
	vm10 =	veq.s32 v5, v6;
	[tilespmem:$0x200] =	vst v2;
	v2 =	vsel vm9, $0x2710, v4  }
0xbc: {  	vm11 =	veq.s32 v7, v8;
	[tilespmem:$0x210] =	vst v2;
	v2 =	vsel vm10, $0x2710, v6  }
0xbd: {  	vm12 =	veq.s32 v9, v10;
	[tilespmem:$0x220] =	vst v2;
	v2 =	vsel vm11, $0x2710, v8  }
0xbe: {  	vm13 =	veq.s32 v11, v12;
	[tilespmem:$0x230] =	vst v2;
	v2 =	vsel vm12, $0x2710, v10  }
0xbf: {  	vm14 =	veq.s32 v13, v1;
	[tilespmem:$0x240] =	vst v2;
	v2 =	vsel vm13, $0x2710, v12  }
0xc0: {  	vm15 =	veq.s32 v3, v63;
	v1 =	vsel vm14, $0x2710, v1;
	[tilespmem:$0x250] =	vst v2  }
0xc1: {  	p0 =	sgt.u32 s13, $0x963;
	[tilespmem:$0x260] =	vst v1;
	v1 =	vsel vm15, $0x2710, v63  }
.Ltmp10:
0xc2: {  	[tilespmem:$0x270] =	vst v1;
	(pc) =	sbr.rel @p0 .LBB2_12-.Ltmp10, $4  }
0xc3: {  	[spmem:s3] =	stream.indirect.scatter.add.f32 [tilespmem:s31], [sflag:$0x7], $0x80, s25, s24, $0xb8;
	[tilespmem:$0x1FF00] =	vst v63  }
0xc4: {  	_ =	swait.ge [sflag:s22], $0x4000  }
0xc5: {  	[sflag:s22] =	ssyncset.done $0x0  }
0xc6: {  	[sflag:s22] =	ssyncadd.s32 $0xFFFFC000  }
.Ltmp11:
0xc7: {  	s13 =	sadd.s32 s11, s20;
	(pc) =	sbr.rel .LBB2_13-.Ltmp11, $4  }
0xc8: {  	s14 =	sadd.s32 $0x1000, s13  }
0xc9: {  	[tilespmem:s24], [sflag:$0x2] =	stream.linear.gather [hbm4b:s14+s4], $0x80, $0x38;
	[tilespmem:$0x1FF00] =	vst v63  }
0xca: {  	s13 =	sadd.s32 $0x1010, s13  }
0xcb: {  	[tilespmem:s25], [sflag:$0x2] =	stream.linear.gather [hbm4b:s13+s4], $0x80, $0x38;
	[tilespmem:$0x1FF00] =	vst v63  }
.LBB2_12:
0xcc: {  	p0 =	sgt.u32 s13, $0x983  }
.Ltmp12:
0xcd: {  	_ = 	snop;
	(pc) =	sbr.rel @p0 .LBB2_14-.Ltmp12, $1  }
0xce: {  	_ =	sdelay $0x3  }
.LBB2_13:
0xcf: {  	_ =	swait.ge [sflag:s26], $0x80  }
0xd0: {  	[sflag:s26] =	ssyncset.done $0x0  }
0xd1: {  	[sflag:s26] =	ssyncadd.s32 $0xFFFFFF80  }
0xd2: {  	_ =	swait.ge [sflag:s26], $0x80  }
0xd3: {  	[sflag:s26] =	ssyncset.done $0x0  }
0xd4: {  	[sflag:s26] =	ssyncadd.s32 $0xFFFFFF80  }
0xd5: {  	[tilespmem:s21], [sflag:$0x4] =	stream.indirect.gather [hbm4b:s0+s24], $0x80, s4, s24, $0xb8;
	[tilespmem:$0x1FF00] =	vst v63  }
.LBB2_14:
0xd6: {  	p0 =	sgt.u32 s19, $0x9C3  }
.Ltmp13:
0xd7: {  	_ = 	snop;
	(pc) =	sbr.rel @p0 .LBB2_19-.Ltmp13, $1  }
0xd8: {  	_ =	sdelay $0x3  }
0xd9: {  	_ =	swait.ge [sflag:s9], $0x4000  }
0xda: {  	[sflag:s9] =	ssyncset.done $0x0  }
0xdb: {  	[sflag:s9] =	ssyncadd.s32 $0xFFFFC000  }
0xdc: {  	v1 =	vld [tilespmem:$0x100]  }
0xdd: {  	v2 =	vld [tilespmem:$0x280]  }
0xde: {  	v3 =	vld [tilespmem:$0x110]  }
0xdf: {  	v4 =	vld [tilespmem:$0x290]  }
0xe0: {  	v5 =	vld [tilespmem:$0x120]  }
0xe1: {  	v6 =	vld [tilespmem:$0x2A0]  }
0xe2: {  	v7 =	vld [tilespmem:$0x130]  }
0xe3: {  	v8 =	vld [tilespmem:$0x2B0]  }
0xe4: {  	v9 =	vld [tilespmem:$0x140]  }
0xe5: {  	v10 =	vld [tilespmem:$0x2C0]  }
0xe6: {  	v11 =	vld [tilespmem:$0x150]  }
0xe7: {  	v12 =	vld [tilespmem:$0x2D0]  }
0xe8: {  	v13 =	vld [tilespmem:$0x160]  }
0xe9: {  	v63 =	vld [tilespmem:$0x2F0];
	vm0 =	veq.s32 v1, v2  }
0xea: {  	v1 =	vld [tilespmem:$0x2E0];
	vm9 =	veq.s32 v3, v4;
	v2 =	vsel vm0, $0x2710, v2  }
0xeb: {  	v3 =	vld [tilespmem:$0x170];
	vm10 =	veq.s32 v5, v6;
	[tilespmem:$0x280] =	vst v2;
	v2 =	vsel vm9, $0x2710, v4  }
0xec: {  	vm11 =	veq.s32 v7, v8;
	[tilespmem:$0x290] =	vst v2;
	v2 =	vsel vm10, $0x2710, v6  }
0xed: {  	vm12 =	veq.s32 v9, v10;
	[tilespmem:$0x2A0] =	vst v2;
	v2 =	vsel vm11, $0x2710, v8  }
0xee: {  	vm13 =	veq.s32 v11, v12;
	[tilespmem:$0x2B0] =	vst v2;
	v2 =	vsel vm12, $0x2710, v10  }
0xef: {  	vm14 =	veq.s32 v13, v1;
	[tilespmem:$0x2C0] =	vst v2;
	v2 =	vsel vm13, $0x2710, v12  }
0xf0: {  	vm15 =	veq.s32 v3, v63;
	v1 =	vsel vm14, $0x2710, v1;
	[tilespmem:$0x2D0] =	vst v2  }
0xf1: {  	p0 =	sgt.u32 s19, $0x963;
	[tilespmem:$0x2E0] =	vst v1;
	v1 =	vsel vm15, $0x2710, v63  }
.Ltmp14:
0xf2: {  	[tilespmem:$0x2F0] =	vst v1;
	(pc) =	sbr.rel @!p0 .LBB2_16-.Ltmp14, $4  }
0xf3: {  	[spmem:s3] =	stream.indirect.scatter.add.f32 [tilespmem:s7], [sflag:$0x7], $0x80, s29, s24, $0xb8;
	[tilespmem:$0x1FF00] =	vst v63  }
0xf4: {  	_ =	swait.ge [sflag:s22], $0x4000  }
0xf5: {  	[sflag:s22] =	ssyncset.done $0x0  }
0xf6: {  	[sflag:s22] =	ssyncadd.s32 $0xFFFFC000  }
0xf7: {  	p0 =	sgt.u32 s19, $0x983  }
.Ltmp15:
0xf8: {  	_ = 	snop;
	(pc) =	sbr.rel @p0 .LBB2_19-.Ltmp15, $4  }
.Ltmp16:
0xf9: {  	_ = 	snop;
	(pc) =	sbr.rel @!p0 .LBB2_18-.Ltmp16, $4  }
0xfa: {  	_ = 	snop  }
0xfb: {  	_ = 	snop  }
0xfc: {  	_ = 	snop  }
0xfd: {  	_ = 	snop  }
.LBB2_21:
0xfe: {  	_ =	sfence.sel $0x180000  }
0xff: {  	[bflag:$0x0] =	sbarrier.arrive $0xFFFF  }
0x100: {  	_ =	strace $0x9000004D  }
0x101: {  	s0 =	stileid.u32;
	[bflag:$0x2] =	sbarrier.arrive $0xFFFF  }
0x102: {  	p0 =	sne.s32 s0, $0x0;
	s0 =	rddreg [dreg:$0x4]  }
0x103: {  	s0 =	sadd.s32 @!p0 $0x100000, s0  }
0x104: {  	[sflag:s0] =	ssyncadd.tile.s32 @!p0 $0x1;
	_ =	shalt  }
.Lfunc_end2:
_tile_overlayer_lowered:
.L_overlay_start_2:
0x105: {  	(tag) =	ssettag $0x2  }
0x106: {  	s0 =	rddreg [dreg:$0x0];
	s2 =	stileid.u32  }
0x107: {  	s1 =	rddreg [dreg:$0x1];
	p0 =	sne.s32 s2, $0x0  }
0x108: {  	s3 =	rddreg [dreg:$0x2];
	[bflag:$0x3] =	sbarrier.arrive $0xFFFF;
	s2 =	simm.s32 @!p0 $0x1C07  }
0x109: {  	[timem:s3], [sflag:s2] =	dma.local @!p0 [hbm:s0], s1  }
0x10a: {  	s0 =	simm.s32 @!p0 $0x7  }
0x10b: {  	_ =	swait.ge @!p0 [sflag:s0], s1  }
0x10c: {  	s1 =	ssub.s32 @!p0 $0x0, s1;
	[sflag:s0] =	ssyncset.done @!p0 $0x0  }
0x10d: {  	[sflag:s0] =	ssyncadd.s32 @!p0 s1  }
0x10e: {  	[bflag:$0x3] =	sbarrier.arrive $0xFFFF  }
0x10f: {  	_ =	shalt  }

// kernel: _impl.9.cloned.1.call-start
scs
__scs_entry_jumppad:
0x0: {  	(pc) =	sbr.rel $0x88, $3  }
0x1: {  	(tag) =	ssettag $0x0;
	lr =	simm.s32 $0x1  }
0x2: {  	[smem:$0x3F9E] =	sst lr;
	_ =	strace $0xD0000000  }
0x3: {  	_ = 	snop  }
0x4: {  	_ = 	snop  }
0x5: {  	_ = 	snop  }
0x6: {  	_ = 	snop  }
0x7: {  	_ = 	snop  }
__scs_overlays_trampoline_lowered:
0x8: {  	[smem:$0x3FAD] =	sst s0  }
0x9: {  	[smem:$0x3FAE] =	sst s1  }
0xa: {  	[smem:$0x3FAF] =	sst s2  }
0xb: {  	[smem:$0x3FB0] =	sst s3  }
0xc: {  	[smem:$0x3FB1] =	sst s4  }
0xd: {  	[smem:$0x3FB2] =	sst s5  }
0xe: {  	[smem:$0x3FB3] =	sst s6  }
0xf: {  	[smem:$0x3FB4] =	sst s7  }
0x10: {  	[smem:$0x3FB5] =	sst s8  }
0x11: {  	[smem:$0x3FB6] =	sst s9;
	s0 =	simm.s32 @!p0 $0x0  }
0x12: {  	s1 =	sld [smem:$0x3F9C];
	s0 =	simm.s32 @p0 $0x1  }
0x13: {  	[smem:$0x3FB7] =	sst s0;
	s0 =	simm.s32 @!p1 $0x0  }
0x14: {  	s2 =	sld [smem:$0x3F9B];
	s0 =	simm.s32 @p1 $0x1  }
0x15: {  	[smem:$0x3FB8] =	sst s0;
	s0 =	simm.s32 @!p2 $0x0  }
0x16: {  	s3 =	sld [smem:$0x3FDB];
	s0 =	simm.s32 @p2 $0x1  }
0x17: {  	s4 =	simm.s32 $0x1BF5;
	[smem:$0x3FBA] =	sst s0  }
0x18: {  	s0 =	sld [smem:$0x3F9D];
	_ =	swait.ge [sflag:s4], $0x0  }
0x19: {  	s7 =	sld [smem:$0x3F9E]  }
0x1a: {  	s8 =	sadd.s32 $0xFFFFE003, lr  }
0x1b: {  	s9 =	sadd.s32 $0xFFFFFEF7, lr;
	s5 =	simm.s32 $0xFFFFFFFF;
	p2 =	slt.u32 s8, $0xFFFFF086  }
0x1c: {  	p1 =	slt.u32 s9, $0xF7A;
	s5 =	simm.s32 @!p2 $0x0  }
0x1d: {  	s5 =	simm.s32 @p1 $0x1;
	p0 =	seq.s32 s7, s2  }
0x1e: {  	s7 =	smul.u32 @!p0 $0xF7A, s2;
	p2 =	seq.s32 @!p0 s5, $0x0  }
0x1f: {  	s9 =	smul.u32 $0xF7A, s1;
	s8 =	simm.s32 @!p0 $0x1BF5;
	p2 =	por !p2, p0  }
0x20: {  	[sflag:s8] =	ssyncset.s32 @!p0 $0xFFFFF086;
	s6 =	sadd.s32 @!p0 s3, s7;
	s7 =	simm.s32 @!p0 $0x108  }
0x21: {  	s3 =	sadd.s32 s3, s9;
	s6 =	sadd.s32 @!p0 $0x88, s6;
	s7 =	simm.s32 @p2 $0x1082  }
0x22: {  	[simem:s7], [sflag:s8] =	dma.local @!p0 [hbm:s6], $0xF7A  }
0x23: {  	s9 =	sor.u32 $0xD0000000, s2;
	s6 =	simm.s32 $0x108;
	_ =	swait.ge @!p0 [sflag:s8], $0x0  }
0x24: {  	s3 =	sadd.s32 $0x88, s3;
	s6 =	simm.s32 @!p1 $0x1082;
	[sflag:s4] =	ssyncset.s32 $0xFFFFF086  }
0x25: {  	[simem:s6], [sflag:s4] =	dma.local [hbm:s3], $0xF7A  }
0x26: {  	[smem:$0x3F9E] =	sst s1;
	(tag) =	ssettag s2;
	_ =	strace s9  }
0x27: {  	s1 =	sld [smem:$0x3FAE]  }
0x28: {  	s2 =	sld [smem:$0x3FAF]  }
0x29: {  	s4 =	sld [smem:$0x3FB1]  }
0x2a: {  	p0 =	seq.s32 s5, $0x0;
	s5 =	sld [smem:$0x3FB2]  }
0x2b: {  	s6 =	sld [smem:$0x3FB3]  }
0x2c: {  	s7 =	sld [smem:$0x3FB4]  }
0x2d: {  	s3 =	simm.s32 $0x108;
	s8 =	sld [smem:$0x3FB5]  }
0x2e: {  	s3 =	simm.s32 @!p0 $0x1082;
	s9 =	sld [smem:$0x3FB6]  }
0x2f: {  	lr =	sadd.s32 s0, s3;
	s0 =	sld [smem:$0x3FAD]  }
0x30: {  	s3 =	sld [smem:$0x3FB0]  }
0x31: {  	[smem:$0x3FB9] =	sst s10  }
0x32: {  	s10 =	sld [smem:$0x3FB7];
	_ =	sdelay $0x3  }
0x33: {  	p0 =	seq.s32 s10, $0x1;
	s10 =	sld [smem:$0x3FB9];
	_ =	sdelay $0x3  }
0x34: {  	[smem:$0x3FB9] =	sst s10  }
0x35: {  	s10 =	sld [smem:$0x3FB8];
	_ =	sdelay $0x3  }
0x36: {  	p1 =	seq.s32 s10, $0x1;
	s10 =	sld [smem:$0x3FB9];
	_ =	sdelay $0x3  }
0x37: {  	[smem:$0x3FB9] =	sst s10  }
0x38: {  	s10 =	sld [smem:$0x3FBA]  }
0x39: {  	_ = 	snop;
	(pc) =	sbr.ind lr, $3  }
0x3a: {  	_ = 	snop  }
0x3b: {  	_ = 	snop  }
0x3c: {  	p2 =	seq.s32 s10, $0x1;
	s10 =	sld [smem:$0x3FB9]  }
0x3d: {  	_ =	shalt  }
0x3e: {  	_ =	shalt  }
0x3f: {  	_ =	shalt  }
0x40: {  	_ =	shalt  }
0x41: {  	_ =	shalt  }
0x42: {  	_ =	shalt  }
0x43: {  	_ =	shalt  }
0x44: {  	_ =	shalt  }
0x45: {  	_ =	shalt  }
0x46: {  	_ =	shalt  }
0x47: {  	_ =	shalt  }
0x48: {  	_ =	shalt  }
0x49: {  	_ =	shalt  }
0x4a: {  	_ =	shalt  }
0x4b: {  	_ =	shalt  }
0x4c: {  	_ =	shalt  }
0x4d: {  	_ =	shalt  }
0x4e: {  	_ =	shalt  }
0x4f: {  	_ =	shalt  }
0x50: {  	_ =	shalt  }
0x51: {  	_ =	shalt  }
0x52: {  	_ =	shalt  }
0x53: {  	_ =	shalt  }
0x54: {  	_ =	shalt  }
0x55: {  	_ =	shalt  }
0x56: {  	_ =	shalt  }
0x57: {  	_ =	shalt  }
0x58: {  	_ =	shalt  }
0x59: {  	_ =	shalt  }
0x5a: {  	_ =	shalt  }
0x5b: {  	_ =	shalt  }
0x5c: {  	_ =	shalt  }
0x5d: {  	_ =	shalt  }
0x5e: {  	_ =	shalt  }
0x5f: {  	_ =	shalt  }
0x60: {  	_ =	shalt  }
0x61: {  	_ =	shalt  }
0x62: {  	_ =	shalt  }
0x63: {  	_ =	shalt  }
0x64: {  	_ =	shalt  }
0x65: {  	_ =	shalt  }
0x66: {  	_ =	shalt  }
0x67: {  	_ =	shalt  }
0x68: {  	_ =	shalt  }
0x69: {  	_ =	shalt  }
0x6a: {  	_ =	shalt  }
0x6b: {  	_ =	shalt  }
0x6c: {  	_ =	shalt  }
0x6d: {  	_ =	shalt  }
0x6e: {  	_ =	shalt  }
0x6f: {  	_ =	shalt  }
0x70: {  	_ =	shalt  }
0x71: {  	_ =	shalt  }
0x72: {  	_ =	shalt  }
0x73: {  	_ =	shalt  }
0x74: {  	_ =	shalt  }
0x75: {  	_ =	shalt  }
0x76: {  	_ =	shalt  }
0x77: {  	_ =	shalt  }
0x78: {  	_ =	shalt  }
0x79: {  	_ =	shalt  }
0x7a: {  	_ =	shalt  }
0x7b: {  	_ =	shalt  }
0x7c: {  	_ =	shalt  }
0x7d: {  	_ =	shalt  }
0x7e: {  	_ =	shalt  }
0x7f: {  	_ =	shalt  }
0x80: {  	_ =	shalt  }
0x81: {  	_ =	shalt  }
0x82: {  	_ =	shalt  }
0x83: {  	_ =	shalt  }
0x84: {  	_ =	shalt  }
0x85: {  	_ =	shalt  }
0x86: {  	_ =	shalt  }
0x87: {  	_ =	shalt  }
.Lfunc_end0:
.L_simem_size_0:
called_computation_lowered:
.L_overlay_start_0:
0x88: {  	s2 =	sld [smem:$0x3FD9]  }
0x89: {  	s3 =	sld [smem:$0x3FFE];
	_ =	sdelay $0x1  }
0x8a: {  	s1 =	srdreg.scid  }
0x8b: {  	s0 =	sand.u32 $0x1, s1  }
0x8c: {  	s15 =	sshll.u32 s0, $0xA;
	s2 =	sadd.s32 s3, s2  }
0x8d: {  	s2 =	sadd.s32 s2, s15  }
0x8e: {  	[smem:$0x3FC5] =	sst s2  }
0x8f: {  	_ = 	snop  }
0x90: {  	s2 =	sld [smem:$0x3FD0];
	_ =	sdelay $0x2  }
0x91: {  	s4 =	simm.s32 $0xA;
	s5 =	simm.s32 $0x10;
	s16 =	sld [smem:$0x3FC9]  }
0x92: {  	[smem:s5], [sflag:s4] =	dma.local [hbm:s2], $0x1  }
0x93: {  	_ =	swait.eq [sflag:s4], $0x1  }
0x94: {  	[sflag:s4] =	ssyncset.done $0x0  }
0x95: {  	[sflag:s4] =	ssyncadd.s32 $0xFFFFFFFF  }
0x96: {  	s17 =	sld [smem:$0x11];
	(tm) =	ssettm $0x1  }
0x97: {  	s18 =	sld [smem:$0x3FFB];
	_ =	sdelay $0x3  }
0x98: {  	_ =	strace s18  }
0x99: {  	s4 =	sld [smem:$0x3FFC];
	_ =	sdelay $0x3  }
0x9a: {  	_ =	strace s4  }
0x9b: {  	s4 =	sld [smem:$0x3FFD];
	_ =	sdelay $0x3  }
0x9c: {  	_ =	strace s4  }
0x9d: {  	_ =	strace $0x8FFFFFFF  }
0x9e: {  	s19 =	sld [smem:$0x3FDB];
	_ =	sdelay $0x1  }
0x9f: {  	s20 =	simm.s32 $_scs_section_size  }
0xa0: {  	s6 =	simm.s32 $_size__tile_overlayer_lowered;
	s7 =	simm.s32 $_tile_overlayer_lowered  }
0xa1: {  	s23 =	simm.s32 $0x1BFF;
	s22 =	sshll.u32 s7, $0x1;
	s4 =	sadd.s32 s20, s19  }
0xa2: {  	s8 =	simm.s32 $0x0;
	s21 =	sshll.u32 s6, $0x1;
	s6 =	sadd.s32 s22, s4  }
0xa3: {  	[timem:s8], [sflag:s23] =	dma.local [hbm:s6], s21  }
0xa4: {  	_ =	swait.ge [sflag:s23], s21  }
0xa5: {  	s5 =	ssub.s32 $0x0, s21;
	[sflag:s23] =	ssyncset.done $0x0  }
0xa6: {  	[sflag:s23] =	ssyncadd.s32 s5;
	_ =	sdelay $0x1  }
0xa7: {  	s24 =	simm.s32 $0x1B8B  }
0xa8: {  	_ =	swait.ge [sflag:s24], $0x1  }
0xa9: {  	[sflag:s24] =	ssyncset.done $0x0  }
0xaa: {  	s25 =	simm.s32 $0x1B8E;
	[sflag:s24] =	ssyncadd.s32 $0xFFFFFFFF  }
0xab: {  	s26 =	simm.s32 $execute0_lowered;
	[smem:$0x3FD2] =	sst s25  }
0xac: {  	s5 =	sshll.u32 s26, $0x1;
	_ =	strace $0x80000046;
	[dreg:$0x1] =	wrdreg $0xFFFFFFFF  }
0xad: {  	s28 =	simm.s32 $_size_execute0_lowered;
	s4 =	sadd.s32 s4, s5;
	[dreg:$0x0] =	wrdreg $0x0  }
0xae: {  	s5 =	sshll.u32 s28, $0x1;
	[dreg:$0x2] =	wrdreg s4  }
0xaf: {  	[dreg:$0x3] =	wrdreg s5  }
0xb0: {  	[dreg:$0x4] =	wrdreg $0xC0  }
0xb1: {  	_ =	task [dreg:s8], $0x5FFFF  }
0xb2: {  	[dreg:$0x1] =	wrdreg $0xFFFFFFFF  }
0xb3: {  	[dreg:$0x0] =	wrdreg $0x60  }
0xb4: {  	[dreg:$0x2] =	wrdreg s16  }
0xb5: {  	[dreg:$0x3] =	wrdreg s17  }
0xb6: {  	[dreg:$0x4] =	wrdreg $0x7000  }
0xb7: {  	[dreg:$0x5] =	wrdreg $0x9  }
0xb8: {  	_ =	task.clear_ibuf [dreg:s8], $0x6FFFF;
	_ =	strace $0x90000046  }
0xb9: {  	s29 =	simm.s32 $0x9;
	_ =	strace $0x80000048  }
0xba: {  	_ =	swait.ge [sflag:s29], $0x1  }
0xbb: {  	[sflag:s29] =	ssyncadd.s32 $0xFFFFFFFF  }
0xbc: {  	_ =	strace $0x90000048  }
0xbd: {  	_ =	sfence  }
0xbe: {  	s30 =	sld [smem:$0x0];
	_ =	sdelay $0x2  }
0xbf: {  	s31 =	sshll.u32 s1, $0xD;
	s1 =	sshrl.u32 s1, $0x2  }
0xc0: {  	s3 =	sand.u32 $0x4000, s31;
	s1 =	sadd.s32 s1, s30  }
0xc1: {  	s0 =	sor.u32 s3, s0;
	s1 =	sshll.u32 s1, $0x11  }
0xc2: {  	s0 =	sor.u32 s1, s0  }
0xc3: {  	s0 =	sadd.s32 $0x8F2B, s0  }
0xc4: {  	[sflag:s0] =	ssyncadd.remote.s32 $0x1  }
0xc5: {  	_ =	sfence.sel $0xFFFF  }
0xc6: {  	[dreg:$0x0] =	wrdreg $0xFFFFFFFF;
	(pc) =	sbr.abs _section_cstart, $3  }
0xc7: {  	[dreg:$0x1] =	wrdreg $0xFFFFFFFF  }
0xc8: {  	_ =	task.clear_ibuf [dreg:s8], $0x2FFFF;
	_ =	strace $0x9FFFFFFF  }
0xc9: {  	(tm) =	ssettm $0x7FFFFFFF  }
tec
execute0_lowered:
.L_overlay_start_1:
0x0: {  	(tag) =	ssettag $0x1  }
0x1: {  	s14 =	rddreg [dreg:$0x0]  }
0x2: {  	s11 =	rddreg [dreg:$0x1]  }
0x3: {  	s1 =	rddreg [dreg:$0x2];
	s2 =	srdreg.scid;
	s3 =	simm.s32 $0x0  }
0x4: {  	s0 =	stileid.u32;
	s17 =	simm.s32 $0x4;
	s19 =	simm.s32 $0x80  }
0x5: {  	s20 =	simm.s32 $0x200;
	s21 =	simm.s32 $0x100;
	s22 =	simm.s32 $0x280  }
0x6: {  	s23 =	simm.s32 $0x3;
	s24 =	simm.s32 $0x400;
	s25 =	simm.s32 $0x1  }
0x7: {  	s26 =	simm.s32 $0x20;
	s28 =	simm.s32 $0x10;
	s29 =	simm.s32 $0x0  }
0x8: {  	s15 =	sand.u32 $0x1, s2;
	[smem:$0x7FF] =	sst s3;
	s7 =	smul.u32 $0xA00, s0  }
0x9: {  	s6 =	sshll.u32 s0, $0x1;
	s8 =	smul.u32 $0x500, s0;
	s4 =	ssub.s32 $0x2, s15  }
0xa: {  	_ =	strace $0x80000047;
	s16 =	sor.u32 s15, s6;
	s9 =	sshll.u32 s15, $0x7  }
0xb: {  	s15 =	sshll.u32 s15, $0x5;
	s5 =	sshrl.u32 s4, $0x1;
	s30 =	sshrl.u32 s7, $0x2  }
0xc: {  	s31 =	sshll.u32 s16, $0x5;
	s10 =	sor.u32 s9, s8;
	s13 =	ssub.s32 s4, s5  }
.Ltmp0:
0xd: {  	s4 =	sadd.s32 s30, s1;
	s5 =	sadd.s32 s14, s31;
	(pc) =	sbr.rel .LBB2_1-.Ltmp0, $4  }
0xe: {  	s12 =	sshrl.u32 s10, $0x3;
	s6 =	sadd.s32 $0x10, s5;
	s7 =	sadd.s32 $0x400, s5  }
0xf: {  	s8 =	sadd.s32 $0x410, s5;
	s11 =	sadd.s32 s11, s12;
	s12 =	sshll.u32 s0, $0x6  }
0x10: {  	s9 =	sadd.s32 $0x800, s5;
	s10 =	sadd.s32 $0x810, s5;
	s14 =	sadd.s32 s12, s14  }
0x11: {  	v0 =	vimm.f32 $0.0e+00;
	v1 =	vimm.f32 $1.000000000e+00;
	s13 =	smax.u32 s13, $0x1;
	s14 =	sadd.s32 s15, s14;
	s15 =	sor.u32 $0x40, s16  }
.LBB2_5:
0x12: {  	s29 =	sadd.s32 $0x1, s29  }
0x13: {  	[bflag:$0x0] =	sbarrier.arrive $0xFFFF;
	p0 =	sne.s32 s29, s13  }
.Ltmp1:
0x14: {  	s0 =	sor.u32 $0x1C04, s12;
	s2 =	sshrl.u32 s4, $0x3;
	(pc) =	sbr.rel @!p0 .LBB2_6-.Ltmp1, $4  }
0x15: {  	[hbm:s11@s26], [sflag:s0] =	dma.strided [spmem:s2@s28], $0x50, s25, $0x10   }
0x16: {  	_ =	swait.ge [sflag:s17], $0x50  }
0x17: {  	[sflag:s17] =	ssyncset.done $0x0  }
0x18: {  	[sflag:s17] =	ssyncadd.s32 $0xFFFFFFB0  }
.LBB2_1:
0x19: {  	[tilespmem:$0x480] =	vst v0  }
0x1a: {  	[tilespmem:$0x490] =	vst v0  }
0x1b: {  	[tilespmem:$0x4A0] =	vst v0  }
0x1c: {  	[tilespmem:$0x4B0] =	vst v0  }
0x1d: {  	[tilespmem:$0x4C0] =	vst v0  }
0x1e: {  	[tilespmem:$0x4D0] =	vst v0  }
0x1f: {  	[tilespmem:$0x4E0] =	vst v0  }
0x20: {  	[tilespmem:$0x4F0] =	vst v0  }
0x21: {  	[tilespmem:$0x500] =	vst v0  }
0x22: {  	[tilespmem:$0x510] =	vst v0  }
0x23: {  	[tilespmem:$0x520] =	vst v0  }
0x24: {  	[tilespmem:$0x530] =	vst v0  }
0x25: {  	[tilespmem:$0x540] =	vst v0  }
0x26: {  	[tilespmem:$0x550] =	vst v0  }
0x27: {  	[tilespmem:$0x560] =	vst v0  }
0x28: {  	[tilespmem:$0x570] =	vst v0  }
0x29: {  	[tilespmem:$0x580] =	vst v0  }
0x2a: {  	[tilespmem:$0x590] =	vst v0  }
0x2b: {  	[tilespmem:$0x5A0] =	vst v0  }
0x2c: {  	[tilespmem:$0x5B0] =	vst v0  }
0x2d: {  	[tilespmem:$0x5C0] =	vst v0  }
0x2e: {  	[tilespmem:$0x5D0] =	vst v0  }
0x2f: {  	[tilespmem:$0x5E0] =	vst v0  }
0x30: {  	[tilespmem:$0x5F0] =	vst v0  }
0x31: {  	[tilespmem:$0x600] =	vst v0  }
0x32: {  	[tilespmem:$0x610] =	vst v0  }
0x33: {  	[tilespmem:$0x620] =	vst v0  }
0x34: {  	[tilespmem:$0x630] =	vst v0  }
0x35: {  	[tilespmem:$0x640] =	vst v0  }
0x36: {  	[tilespmem:$0x650] =	vst v0  }
0x37: {  	[tilespmem:$0x660] =	vst v0  }
0x38: {  	[tilespmem:$0x670] =	vst v0  }
0x39: {  	[tilespmem:$0x680] =	vst v0  }
0x3a: {  	[tilespmem:$0x690] =	vst v0  }
0x3b: {  	[tilespmem:$0x6A0] =	vst v0  }
0x3c: {  	[tilespmem:$0x6B0] =	vst v0  }
0x3d: {  	[tilespmem:$0x6C0] =	vst v0  }
0x3e: {  	[tilespmem:$0x6D0] =	vst v0  }
0x3f: {  	[tilespmem:$0x6E0] =	vst v0  }
0x40: {  	[tilespmem:$0x6F0] =	vst v0;
	s0 =	simm.s32 $0x480  }
0x41: {  	[spmem:s4] =	stream.linear.scatter [tilespmem:s0], [sflag:$0x4], $0x280, $0x38;
	[tilespmem:$0x980] =	vst v63  }
0x42: {  	_ =	swait.ge [sflag:s17], $0x280  }
0x43: {  	[sflag:s17] =	ssyncset.done $0x0  }
0x44: {  	[sflag:s17] =	ssyncadd.s32 $0xFFFFFD80  }
0x45: {  	[tilespmem:s3], [sflag:$0x1] =	stream.linear.gather [hbm4b:s5+s3], $0x80, $0x38;
	[tilespmem:$0x980] =	vst v63  }
0x46: {  	s18 =	simm.s32 $0x180  }
0x47: {  	[tilespmem:s18], [sflag:$0x1] =	stream.linear.gather [hbm4b:s6+s3], $0x80, $0x38;
	[tilespmem:$0x980] =	vst v63  }
0x48: {  	_ = 	snop  }
0x49: {  	[tilespmem:s19], [sflag:$0x2] =	stream.linear.gather [hbm4b:s7+s3], $0x80, $0x38;
	[tilespmem:$0x980] =	vst v63  }
0x4a: {  	_ = 	snop  }
0x4b: {  	[tilespmem:s20], [sflag:$0x2] =	stream.linear.gather [hbm4b:s8+s3], $0x80, $0x38;
	[tilespmem:$0x980] =	vst v63  }
0x4c: {  	_ = 	snop  }
0x4d: {  	[tilespmem:s21], [sflag:$0x3] =	stream.linear.gather [hbm4b:s9+s3], $0x80, $0x38;
	[tilespmem:$0x980] =	vst v63  }
.Ltmp2:
0x4e: {  	_ = 	snop;
	(pc) =	sbr.rel .LBB2_2-.Ltmp2, $4  }
0x4f: {  	_ = 	snop  }
0x50: {  	[tilespmem:s22], [sflag:$0x3] =	stream.linear.gather [hbm4b:s10+s3], $0x80, $0x38;
	[tilespmem:$0x980] =	vst v63  }
0x51: {  	[bflag:$0x0] =	sbarrier.arrive $0xFFFF  }
0x52: {  	s30 =	smov.u32 s15;
	s31 =	simm.s32 $0x0  }
.LBB2_4:
0x53: {  	s31 =	sadd.s32 $0xC00, s31  }
0x54: {  	p0 =	sne.s32 s31, $0x14400  }
.Ltmp3:
0x55: {  	_ = 	snop;
	(pc) =	sbr.rel @!p0 .LBB2_5-.Ltmp3, $2  }
0x56: {  	_ =	sdelay $0x2  }
0x57: {  	s30 =	sadd.s32 $0x60, s30  }
.LBB2_2:
0x58: {  	s0 =	sadd.s32 $0xFFFFFFC0, s30  }
0x59: {  	p0 =	sgt.u32 s0, $0x9C3  }
0x5a: {  	s2 =	simm.s32 @!p0 $0x1  }
0x5b: {  	_ =	swait.ge @!p0 [sflag:s2], $0x80  }
0x5c: {  	[sflag:s2] =	ssyncset.done @!p0 $0x0  }
0x5d: {  	[sflag:s2] =	ssyncadd.s32 @!p0 $0xFFFFFF80  }
0x5e: {  	_ =	swait.ge @!p0 [sflag:s2], $0x80  }
0x5f: {  	[sflag:s2] =	ssyncset.done @!p0 $0x0  }
0x60: {  	[sflag:s2] =	ssyncadd.s32 @!p0 $0xFFFFFF80  }
0x61: {  	v2 =	vld @!p0 [tilespmem:$0x0]  }
0x62: {  	v3 =	vld @!p0 [tilespmem:$0x180]  }
0x63: {  	v4 =	vld @!p0 [tilespmem:$0x10]  }
0x64: {  	v5 =	vld @!p0 [tilespmem:$0x190]  }
0x65: {  	v6 =	vld @!p0 [tilespmem:$0x20]  }
0x66: {  	v7 =	vld @!p0 [tilespmem:$0x1A0]  }
0x67: {  	v8 =	vld @!p0 [tilespmem:$0x30]  }
0x68: {  	v9 =	vld @!p0 [tilespmem:$0x1B0]  }
0x69: {  	v10 =	vld @!p0 [tilespmem:$0x40]  }
0x6a: {  	v11 =	vld @!p0 [tilespmem:$0x1C0]  }
0x6b: {  	v12 =	vld @!p0 [tilespmem:$0x50]  }
0x6c: {  	v13 =	vld @!p0 [tilespmem:$0x1D0]  }
0x6d: {  	v14 =	vld @!p0 [tilespmem:$0x60]  }
0x6e: {  	vm0 =	veq.s32 @!p0 v2, v3;
	v2 =	vimm.f32 @!p0 $1.000000000e+00;
	v3 =	vld @!p0 [tilespmem:$0x1E0]  }
0x6f: {  	v15 =	vsel @!p0 vm0, $0x0, v2;
	vm0 =	veq.s32 @!p0 v4, v5;
	v4 =	vld @!p0 [tilespmem:$0x70]  }
0x70: {  	[tilespmem:$0x300] =	vst @!p0 v15;
	v5 =	vsel @!p0 vm0, $0x0, v2;
	vm0 =	veq.s32 @!p0 v6, v7;
	v6 =	vld @!p0 [tilespmem:$0x1F0]  }
0x71: {  	[tilespmem:$0x310] =	vst @!p0 v5;
	v5 =	vsel @!p0 vm0, $0x0, v2;
	vm0 =	veq.s32 @!p0 v8, v9  }
0x72: {  	[tilespmem:$0x320] =	vst @!p0 v5;
	v5 =	vsel @!p0 vm0, $0x0, v2;
	vm0 =	veq.s32 @!p0 v10, v11  }
0x73: {  	[tilespmem:$0x330] =	vst @!p0 v5;
	v5 =	vsel @!p0 vm0, $0x0, v2;
	vm0 =	veq.s32 @!p0 v12, v13  }
0x74: {  	[tilespmem:$0x340] =	vst @!p0 v5;
	v5 =	vsel @!p0 vm0, $0x0, v2;
	vm0 =	veq.s32 @!p0 v14, v3  }
0x75: {  	[tilespmem:$0x350] =	vst @!p0 v5;
	v3 =	vsel @!p0 vm0, $0x0, v2;
	vm0 =	veq.s32 @!p0 v4, v6  }
0x76: {  	[tilespmem:$0x360] =	vst @!p0 v3;
	v2 =	vsel @!p0 vm0, $0x0, v2  }
0x77: {  	s16 =	simm.s32 @!p0 $0x0;
	s18 =	simm.s32 @!p0 $0x300;
	s2 =	simm.s32 @!p0 $0x80;
	[tilespmem:$0x370] =	vst @!p0 v2  }
0x78: {  	[spmem:s1] =	stream.indirect.scatter.add.f32 @!p0 [tilespmem:s18], [sflag:$0x4], $0x1, s16, s2, $0xb8;
	[tilespmem:$0x980] =	vst v63  }
0x79: {  	p1 =	sgt.u32 @!p0 s0, $0x963;
	s2 =	simm.s32 @!p0 $0x4  }
0x7a: {  	p1 =	por p1, p0;
	_ =	swait.ge @!p0 [sflag:s2], $0x80  }
0x7b: {  	s0 =	sadd.s32 @!p1 s31, s14;
	[sflag:s2] =	ssyncset.done @!p0 $0x0  }
0x7c: {  	s16 =	simm.s32 @!p1 $0x0;
	[sflag:s2] =	ssyncadd.s32 @!p0 $0xFFFFFF80;
	s2 =	sadd.s32 @!p1 $0xC00, s0  }
0x7d: {  	[tilespmem:s16], [sflag:$0x1] =	stream.linear.gather @!p1 [hbm4b:s2+s16], $0x80, $0x38;
	[tilespmem:$0x980] =	vst v63  }
0x7e: {  	s0 =	sadd.s32 @!p1 $0xC10, s0;
	s2 =	simm.s32 @!p1 $0x180  }
0x7f: {  	[tilespmem:s2], [sflag:$0x1] =	stream.linear.gather @!p1 [hbm4b:s0+s16], $0x80, $0x38;
	[tilespmem:$0x980] =	vst v63  }
0x80: {  	s0 =	sadd.s32 $0xFFFFFFE0, s30  }
0x81: {  	p0 =	sgt.u32 s0, $0x9C3  }
0x82: {  	s2 =	simm.s32 @!p0 $0x2  }
0x83: {  	_ =	swait.ge @!p0 [sflag:s2], $0x80  }
0x84: {  	[sflag:s2] =	ssyncset.done @!p0 $0x0  }
0x85: {  	[sflag:s2] =	ssyncadd.s32 @!p0 $0xFFFFFF80  }
0x86: {  	_ =	swait.ge @!p0 [sflag:s2], $0x80  }
0x87: {  	[sflag:s2] =	ssyncset.done @!p0 $0x0  }
0x88: {  	[sflag:s2] =	ssyncadd.s32 @!p0 $0xFFFFFF80  }
0x89: {  	v2 =	vld @!p0 [tilespmem:$0x80]  }
0x8a: {  	v3 =	vld @!p0 [tilespmem:$0x200]  }
0x8b: {  	v4 =	vld @!p0 [tilespmem:$0x90]  }
0x8c: {  	v5 =	vld @!p0 [tilespmem:$0x210]  }
0x8d: {  	v6 =	vld @!p0 [tilespmem:$0xA0]  }
0x8e: {  	v7 =	vld @!p0 [tilespmem:$0x220]  }
0x8f: {  	v8 =	vld @!p0 [tilespmem:$0xB0]  }
0x90: {  	v9 =	vld @!p0 [tilespmem:$0x230]  }
0x91: {  	v10 =	vld @!p0 [tilespmem:$0xC0]  }
0x92: {  	v11 =	vld @!p0 [tilespmem:$0x240]  }
0x93: {  	v12 =	vld @!p0 [tilespmem:$0xD0]  }
0x94: {  	v13 =	vld @!p0 [tilespmem:$0x250]  }
0x95: {  	v14 =	vld @!p0 [tilespmem:$0xE0]  }
0x96: {  	vm0 =	veq.s32 @!p0 v2, v3;
	v2 =	vimm.f32 @!p0 $1.000000000e+00;
	v3 =	vld @!p0 [tilespmem:$0x260]  }
0x97: {  	v15 =	vsel @!p0 vm0, $0x0, v2;
	vm0 =	veq.s32 @!p0 v4, v5;
	v4 =	vld @!p0 [tilespmem:$0xF0]  }
0x98: {  	[tilespmem:$0x380] =	vst @!p0 v15;
	v5 =	vsel @!p0 vm0, $0x0, v2;
	vm0 =	veq.s32 @!p0 v6, v7;
	v6 =	vld @!p0 [tilespmem:$0x270]  }
0x99: {  	v7 =	vsel @!p0 vm0, $0x0, v2;
	vm0 =	veq.s32 @!p0 v8, v9;
	[tilespmem:$0x390] =	vst @!p0 v5  }
0x9a: {  	v5 =	vsel @!p0 vm0, $0x0, v2;
	vm0 =	veq.s32 @!p0 v10, v11;
	[tilespmem:$0x3A0] =	vst @!p0 v7  }
0x9b: {  	v7 =	vsel @!p0 vm0, $0x0, v2;
	vm0 =	veq.s32 @!p0 v12, v13;
	[tilespmem:$0x3B0] =	vst @!p0 v5  }
0x9c: {  	v5 =	vsel @!p0 vm0, $0x0, v2;
	vm0 =	veq.s32 @!p0 v14, v3;
	[tilespmem:$0x3C0] =	vst @!p0 v7  }
0x9d: {  	v3 =	vsel @!p0 vm0, $0x0, v2;
	vm0 =	veq.s32 @!p0 v4, v6;
	[tilespmem:$0x3D0] =	vst @!p0 v5  }
0x9e: {  	[tilespmem:$0x3E0] =	vst @!p0 v3;
	v2 =	vsel @!p0 vm0, $0x0, v2  }
0x9f: {  	s16 =	simm.s32 @!p0 $0x380;
	s2 =	simm.s32 @!p0 $0x80;
	[tilespmem:$0x3F0] =	vst @!p0 v2  }
0xa0: {  	[spmem:s1] =	stream.indirect.scatter.add.f32 @!p0 [tilespmem:s16], [sflag:$0x4], $0x1, s2, s2, $0xb8;
	[tilespmem:$0x980] =	vst v63  }
0xa1: {  	s2 =	simm.s32 @!p0 $0x4  }
0xa2: {  	_ =	swait.ge @!p0 [sflag:s2], $0x80  }
0xa3: {  	p1 =	sgt.u32 @!p0 s0, $0x963;
	[sflag:s2] =	ssyncset.done @!p0 $0x0  }
0xa4: {  	p1 =	por p1, p0;
	[sflag:s2] =	ssyncadd.s32 @!p0 $0xFFFFFF80;
	p0 =	sgt.u32 s30, $0x9C3  }
.Ltmp4:
0xa5: {  	s0 =	sadd.s32 @!p1 s31, s14;
	(pc) =	sbr.rel @p0 .LBB2_4-.Ltmp4, $4  }
0xa6: {  	s18 =	simm.s32 @!p1 $0x80;
	s16 =	simm.s32 @!p1 $0x0;
	s2 =	sadd.s32 @!p1 $0x1000, s0  }
0xa7: {  	[tilespmem:s18], [sflag:$0x2] =	stream.linear.gather @!p1 [hbm4b:s2+s16], $0x80, $0x38;
	[tilespmem:$0x980] =	vst v63  }
0xa8: {  	s0 =	sadd.s32 @!p1 $0x1010, s0;
	s2 =	simm.s32 @!p1 $0x200  }
0xa9: {  	[tilespmem:s2], [sflag:$0x2] =	stream.linear.gather @!p1 [hbm4b:s0+s16], $0x80, $0x38;
	[tilespmem:$0x980] =	vst v63  }
0xaa: {  	_ =	swait.ge [sflag:s23], $0x80  }
0xab: {  	[sflag:s23] =	ssyncset.done $0x0  }
0xac: {  	[sflag:s23] =	ssyncadd.s32 $0xFFFFFF80  }
0xad: {  	_ =	swait.ge [sflag:s23], $0x80  }
0xae: {  	[sflag:s23] =	ssyncset.done $0x0  }
0xaf: {  	[sflag:s23] =	ssyncadd.s32 $0xFFFFFF80  }
0xb0: {  	v2 =	vld [tilespmem:$0x100]  }
0xb1: {  	v3 =	vld [tilespmem:$0x280]  }
0xb2: {  	v4 =	vld [tilespmem:$0x110]  }
0xb3: {  	v5 =	vld [tilespmem:$0x290]  }
0xb4: {  	v6 =	vld [tilespmem:$0x120]  }
0xb5: {  	v7 =	vld [tilespmem:$0x2A0]  }
0xb6: {  	v8 =	vld [tilespmem:$0x130]  }
0xb7: {  	v9 =	vld [tilespmem:$0x2B0]  }
0xb8: {  	v10 =	vld [tilespmem:$0x140]  }
0xb9: {  	v11 =	vld [tilespmem:$0x2C0]  }
0xba: {  	v12 =	vld [tilespmem:$0x150]  }
0xbb: {  	v13 =	vld [tilespmem:$0x2D0]  }
0xbc: {  	v14 =	vld [tilespmem:$0x160]  }
0xbd: {  	v61 =	vld [tilespmem:$0x170];
	vm0 =	veq.s32 v2, v3  }
0xbe: {  	v2 =	vld [tilespmem:$0x2E0];
	vm10 =	veq.s32 v6, v7;
	v3 =	vsel vm0, $0x0, v1  }
0xbf: {  	v62 =	vld [tilespmem:$0x2F0];
	vm12 =	veq.s32 v10, v11;
	v6 =	vsel vm10, $0x0, v1;
	[tilespmem:$0x400] =	vst v3  }
0xc0: {  	vm9 =	veq.s32 v4, v5;
	v63 =	vsel vm12, $0x0, v1;
	[tilespmem:$0x420] =	vst v6  }
0xc1: {  	vm11 =	veq.s32 v8, v9;
	v3 =	vsel vm9, $0x0, v1;
	[tilespmem:$0x440] =	vst v63  }
0xc2: {  	vm13 =	veq.s32 v12, v13;
	[tilespmem:$0x410] =	vst v3;
	v3 =	vsel vm11, $0x0, v1  }
0xc3: {  	[tilespmem:$0x430] =	vst v3;
	v3 =	vsel vm13, $0x0, v1;
	vm14 =	veq.s32 v14, v2  }
0xc4: {  	vm15 =	veq.s32 v61, v62;
	[tilespmem:$0x450] =	vst v3;
	v2 =	vsel vm14, $0x0, v1  }
0xc5: {  	[tilespmem:$0x460] =	vst v2;
	v2 =	vsel vm15, $0x0, v1  }
0xc6: {  	p0 =	sgt.u32 s30, $0x963;
	[tilespmem:$0x470] =	vst v2  }
0xc7: {  	[spmem:s1] =	stream.indirect.scatter.add.f32 [tilespmem:s24], [sflag:$0x4], $0x1, s21, s19, $0xb8;
	[tilespmem:$0x980] =	vst v63  }
0xc8: {  	s0 =	sadd.s32 @!p0 s31, s14;
	_ =	swait.ge [sflag:s17], $0x80  }
.Ltmp5:
0xc9: {  	s16 =	simm.s32 @!p0 $0x0;
	[sflag:s17] =	ssyncset.done $0x0;
	(pc) =	sbr.rel .LBB2_4-.Ltmp5, $4  }
0xca: {  	s18 =	simm.s32 @!p0 $0x100;
	s2 =	sadd.s32 @!p0 $0x1400, s0;
	[sflag:s17] =	ssyncadd.s32 $0xFFFFFF80  }
0xcb: {  	[tilespmem:s18], [sflag:$0x3] =	stream.linear.gather @!p0 [hbm4b:s2+s16], $0x80, $0x38;
	[tilespmem:$0x980] =	vst v63  }
0xcc: {  	s0 =	sadd.s32 @!p0 $0x1410, s0;
	s2 =	simm.s32 @!p0 $0x280  }
0xcd: {  	[tilespmem:s2], [sflag:$0x3] =	stream.linear.gather @!p0 [hbm4b:s0+s16], $0x80, $0x38;
	[tilespmem:$0x980] =	vst v63  }
.LBB2_6:
0xce: {  	_ =	sfence.sel $0x180000  }
0xcf: {  	[bflag:$0x0] =	sbarrier.arrive $0xFFFF  }
0xd0: {  	_ =	strace $0x90000047  }
0xd1: {  	s0 =	stileid.u32;
	[bflag:$0x2] =	sbarrier.arrive $0xFFFF  }
0xd2: {  	p0 =	sne.s32 s0, $0x0;
	s0 =	rddreg [dreg:$0x3]  }
0xd3: {  	s0 =	sadd.s32 @!p0 $0x100000, s0  }
0xd4: {  	[sflag:s0] =	ssyncadd.tile.s32 @!p0 $0x1;
	_ =	shalt  }
.Lfunc_end2:
_tile_overlayer_lowered:
.L_overlay_start_2:
0xd5: {  	(tag) =	ssettag $0x2  }
0xd6: {  	s0 =	rddreg [dreg:$0x0];
	s2 =	stileid.u32  }
0xd7: {  	s1 =	rddreg [dreg:$0x1];
	p0 =	sne.s32 s2, $0x0  }
0xd8: {  	s3 =	rddreg [dreg:$0x2];
	[bflag:$0x3] =	sbarrier.arrive $0xFFFF;
	s2 =	simm.s32 @!p0 $0x1C04  }
0xd9: {  	[timem:s3], [sflag:s2] =	dma.local @!p0 [hbm:s0], s1  }
0xda: {  	s0 =	simm.s32 @!p0 $0x4  }
0xdb: {  	_ =	swait.ge @!p0 [sflag:s0], s1  }
0xdc: {  	s1 =	ssub.s32 @!p0 $0x0, s1;
	[sflag:s0] =	ssyncset.done @!p0 $0x0  }
0xdd: {  	[sflag:s0] =	ssyncadd.s32 @!p0 s1  }
0xde: {  	[bflag:$0x3] =	sbarrier.arrive $0xFFFF  }
0xdf: {  	_ =	shalt  }

</sc_bundles>
